<compile_context>
chip_gen: v7x
topology: tpu7x:2x2x1
jax: 0.10.2.dev20260603
libtpu: 0.0.44.dev20260713+nightly
codegen_flags: <defaults>
</compile_context>

<pallas_src>
import functools

import jax
import jax.numpy as jnp
from jax import lax
from jax.experimental import pallas as pl
from jax.experimental.pallas import tpu as pltpu
from jax.experimental.pallas import tpu_sc as plsc

_KEEP = 256
_L = 1024
_D = 384


def _ladder8(a):
    b = a[0:4] + a[4:8]
    c = b[0:2] + b[2:4]
    return c[0:1] + c[1:2]


def _tr_reduce(tile):
    T = jnp.transpose(tile, (1, 0))
    acc = T[0:8]
    for j in range(1, 16):
        acc = acc + T[8 * j:8 * j + 8]
    return _ladder8(acc)


def _red_partials(p):
    r0 = _tr_reduce(p[:, 0:128])
    r1 = _tr_reduce(p[:, 128:256])
    r2 = _tr_reduce(p[:, 256:384])
    return (r0 + r1) + r2


def _stats_kernel(x_ref, vsum_ref, nsq_ref):
    acc8 = jnp.zeros((8, _D), jnp.float32)
    rows = []
    for g in range(8):
        Xg = x_ref[0, 128 * g:128 * (g + 1), :]
        for t in range(16):
            acc8 = acc8 + Xg[8 * t:8 * t + 8]
        rows.append(_red_partials(Xg * Xg))
    v4 = acc8[0:4] + acc8[4:8]
    v2 = v4[0:2] + v4[2:4]
    vsum_ref[0] = v2[0:1] + v2[1:2]
    nsq_ref[0] = jnp.concatenate(rows, axis=1)


def _stats(x):
    B = x.shape[0]
    return pl.pallas_call(
        _stats_kernel,
        grid=(B,),
        in_specs=[pl.BlockSpec((1, _L, _D), lambda b: (b, 0, 0))],
        out_specs=[
            pl.BlockSpec((1, 1, _D), lambda b: (b, 0, 0)),
            pl.BlockSpec((1, 1, _L), lambda b: (b, 0, 0)),
        ],
        out_shape=[
            jax.ShapeDtypeStruct((B, 1, _D), jnp.float32),
            jax.ShapeDtypeStruct((B, 1, _L), jnp.float32),
        ],
    )(x)


def _sc_gather(table, idx):
    n = idx.shape[0]
    info = plsc.get_sparse_core_info()
    nc, ns = info.num_cores, info.num_subcores
    nw = nc * ns
    per_w = n // nw
    ch = 128

    nchunk = per_w // ch
    mesh = plsc.VectorSubcoreMesh(core_axis_name="c", subcore_axis_name="s")

    @functools.partial(
        pl.kernel,
        mesh=mesh,
        out_type=jax.ShapeDtypeStruct((n, _D), jnp.float32),
        scratch_types=[
            pltpu.VMEM((per_w,), jnp.int32),
            pltpu.VMEM((ch, _D), jnp.float32),
            pltpu.VMEM((ch, _D), jnp.float32),
            pltpu.SemaphoreType.DMA,
            pltpu.SemaphoreType.DMA,
            pltpu.SemaphoreType.DMA,
            pltpu.SemaphoreType.DMA,
        ],
    )
    def k(table_hbm, idx_hbm, out_hbm, idx_v, r0, r1, s0, s1, w0, w1):
        wid = lax.axis_index("s") * nc + lax.axis_index("c")
        base = wid * per_w
        pltpu.sync_copy(idx_hbm.at[pl.ds(base, per_w)], idx_v)
        bufs = (r0, r1)
        sems = (s0, s1)
        wsems = (w0, w1)
        gathers = [None] * nchunk
        writes = [None] * nchunk
        gathers[0] = pltpu.async_copy(
            table_hbm.at[idx_v.at[pl.ds(0, ch)]], bufs[0], sems[0])
        for i in range(nchunk):
            if i + 1 < nchunk:
                if i >= 1:
                    writes[i - 1].wait()
                gathers[i + 1] = pltpu.async_copy(
                    table_hbm.at[idx_v.at[pl.ds((i + 1) * ch, ch)]],
                    bufs[(i + 1) % 2], sems[(i + 1) % 2])
            gathers[i].wait()
            writes[i] = pltpu.async_copy(
                bufs[i % 2], out_hbm.at[pl.ds(base + i * ch, ch)],
                wsems[i % 2])
        writes[nchunk - 1].wait()
        writes[nchunk - 2].wait()

    return k(table, idx)


def kernel(image_features, t_cls):
    x = image_features
    B = x.shape[0]
    eps = jnp.float32(1e-12)

    vsum, nsq = _stats(x)
    v_cls = vsum[:, 0, :] * jnp.float32(1.0 / 1024.0)
    m_cls = (v_cls + t_cls)[:, None, :]
    nm = jnp.linalg.norm(m_cls, ord=2, axis=-1, keepdims=True)
    m_cls_normalized = m_cls / jnp.maximum(nm, eps)

    norms = jnp.maximum(jnp.sqrt(nsq[:, 0, :]), eps)
    image_norm_normalized = x / norms[:, :, None]

    logits = jnp.einsum('bqd,bld->bql', m_cls_normalized,
                        image_norm_normalized)
    scort = jax.nn.softmax(logits, axis=-1)[:, 0, :]
    _, top_indices = jax.lax.top_k(scort, _KEEP)

    flat = (top_indices
            + (jnp.arange(B, dtype=jnp.int32) * _L)[:, None]).reshape(-1)
    Z_R = _sc_gather(x.reshape(B * _L, _D), flat)
    return Z_R.reshape(B, _KEEP, _D)

# --- scband reference (transcript-rebuilt; emitter-appended) ---
"""Pipeline reference for scband-vsc-53352083751229 (READ-ONLY COPY).

The authoritative reference and input builder live on the scoring server;
editing this copy changes nothing except your own understanding.
"""

import jax, jax.numpy as jnp
import numpy as np

KEEP_NUMBER = 256
EMBED_DIM = 384

def _l2_normalize(x, axis=-1, eps=1e-12):
    # Matches torch F.normalize(p=2): x / max(||x||, eps)
    n = jnp.linalg.norm(x, ord=2, axis=axis, keepdims=True)
    return x / jnp.maximum(n, eps)

def setup_inputs(seed: int = 0) -> dict:
    key = jax.random.key(seed)
    k1, k2 = jax.random.split(key)
    image_features = jax.random.normal(k1, (128, 1024, 384), dtype=jnp.float32)
    t_cls = jax.random.normal(k2, (128, 384), dtype=jnp.float32)
    return {"image_features": image_features, "t_cls": t_cls}

def reference(image_features, t_cls):
    B, L, D = image_features.shape
    # AdaptiveAvgPool1d(1) over the token dimension == mean over L
    v_cls = jnp.mean(image_features, axis=1)  # [B, D]
    m_cls = (v_cls + t_cls)[:, None, :]       # [B, 1, D]
    m_cls_normalized = _l2_normalize(m_cls, axis=-1)
    image_norm_normalized = _l2_normalize(image_features, axis=-1)
    logits = jnp.einsum('bqd,bld->bql', m_cls_normalized, image_norm_normalized)  # [B,1,L]
    scort = jax.nn.softmax(logits, axis=-1)[:, 0, :]  # [B, L]
    _, top_indices = jax.lax.top_k(scort, KEEP_NUMBER)  # [B, keep_number]
    Z_R = jnp.take_along_axis(image_features, top_indices[:, :, None], axis=1)  # [B, keep, D]
    # Note: the original forward computes Z_NR / compression(Z_NR, Z_R) but RETURNS Z_R
    # (the un-updated gathered tokens), so the compression branch is dead code w.r.t. output.
    return Z_R

if __name__ == "__main__":
    import jax
    _d = setup_inputs()
    print(jax.jit(kernel)(*tuple(_d.values())))

</pallas_src>

<mosaic_0001>
#map = affine_map<(d0, d1) -> (0, 0)>
#map1 = affine_map<(d0, d1) -> (0)>
module attributes {stable_mosaic.version = 14 : i64} {
  func.func @k(%arg0: i32, %arg1: i32, %arg2: memref<131072x384xf32, #tpu.memory_space<hbm>>, %arg3: memref<32768xi32, #tpu.memory_space<hbm>>, %arg4: memref<32768x384xf32, #tpu.memory_space<hbm>>, %arg5: memref<1024xi32, #tpu.memory_space<vmem>>, %arg6: memref<128x384xf32, #tpu.memory_space<vmem>>, %arg7: memref<128x384xf32, #tpu.memory_space<vmem>>, %arg8: memref<!tpu.dma_semaphore, #tpu.memory_space<semaphore_mem>>, %arg9: memref<!tpu.dma_semaphore, #tpu.memory_space<semaphore_mem>>, %arg10: memref<!tpu.dma_semaphore, #tpu.memory_space<semaphore_mem>>, %arg11: memref<!tpu.dma_semaphore, #tpu.memory_space<semaphore_mem>>) attributes {dimension_semantics = [#tpu.dimension_semantics<core_parallel>, #tpu.dimension_semantics<subcore_parallel>], iteration_bounds = array<i64: 2, 16>, scalar_prefetch = 0 : i64, scratch_operands = 7 : i64, tpu.core_type = #tpu.core_type<sc_vector_subcore>, window_params = [{transform_indices = #map}, {transform_indices = #map1}, {transform_indices = #map}]} {
    %mul3A = arith.constant 2 : i32
    %mul3A_0 = arith.muli %arg1, %mul3A : i32
    %add3A = arith.addi %mul3A_0, %arg0 : i32
    %mul3A_1 = arith.constant 1024 : i32
    %mul3A_2 = arith.muli %add3A, %mul3A_1 : i32
    "tpu.region"() ({
      %run_scoped3A = tpu.sem_alloc : memref<!tpu.dma_semaphore, #tpu.memory_space<semaphore_mem>>
      %dma_start3A_161 = tpu.memref_slice %arg3[%mul3A_2] : memref<32768xi32, #tpu.memory_space<hbm>> -> memref<1024xi32, #tpu.memory_space<hbm>>
      %dma_start3A_162 = tpu.memref_slice %arg3[%mul3A_2] : memref<32768xi32, #tpu.memory_space<hbm>> -> memref<1024xi32, #tpu.memory_space<hbm>>
      tpu.enqueue_dma source(%dma_start3A_162 : memref<1024xi32, #tpu.memory_space<hbm>>) target(%arg5 : memref<1024xi32, #tpu.memory_space<vmem>>) target_semaphore(%run_scoped3A : memref<!tpu.dma_semaphore, #tpu.memory_space<semaphore_mem>>)
      %dma_wait3A_163 = tpu.memref_slice %arg3[%mul3A_2] : memref<32768xi32, #tpu.memory_space<hbm>> -> memref<1024xi32, #tpu.memory_space<hbm>>
      %dma_wait3A_164 = tpu.memref_slice %arg3[%mul3A_2] : memref<32768xi32, #tpu.memory_space<hbm>> -> memref<1024xi32, #tpu.memory_space<hbm>>
      tpu.wait_dma2 semaphore(%run_scoped3A : memref<!tpu.dma_semaphore, #tpu.memory_space<semaphore_mem>>) src(%dma_wait3A_164 : memref<1024xi32, #tpu.memory_space<hbm>>) dst(%arg5 : memref<1024xi32, #tpu.memory_space<vmem>>)
      tpu.yield
    }) : () -> ()
    %dma_start3A = arith.constant 0 : i32
    %dma_start3A_3 = tpu.memref_slice %arg5[%dma_start3A] : memref<1024xi32, #tpu.memory_space<vmem>> -> memref<128xi32, #tpu.memory_space<vmem>>
    %dma_start3A_4 = arith.constant 0 : i32
    %dma_start3A_5 = arith.constant 0 : i32
    %dma_start3A_6 = tpu.memref_slice %arg2[%dma_start3A_4, %dma_start3A_5] : memref<131072x384xf32, #tpu.memory_space<hbm>> -> memref<131072x384xf32, #tpu.memory_space<hbm>>
    tpu.enqueue_indirect_dma source(%dma_start3A_6 : memref<131072x384xf32, #tpu.memory_space<hbm>>) target(%arg6 : memref<128x384xf32, #tpu.memory_space<vmem>>) offsets(%dma_start3A_3 : memref<128xi32, #tpu.memory_space<vmem>>) semaphore(%arg8 : memref<!tpu.dma_semaphore, #tpu.memory_space<semaphore_mem>>)
    %dma_start3A_7 = arith.constant 128 : i32
    %dma_start3A_8 = tpu.memref_slice %arg5[%dma_start3A_7] : memref<1024xi32, #tpu.memory_space<vmem>> -> memref<128xi32, #tpu.memory_space<vmem>>
    %dma_start3A_9 = arith.constant 0 : i32
    %dma_start3A_10 = arith.constant 0 : i32
    %dma_start3A_11 = tpu.memref_slice %arg2[%dma_start3A_9, %dma_start3A_10] : memref<131072x384xf32, #tpu.memory_space<hbm>> -> memref<131072x384xf32, #tpu.memory_space<hbm>>
    tpu.enqueue_indirect_dma source(%dma_start3A_11 : memref<131072x384xf32, #tpu.memory_space<hbm>>) target(%arg7 : memref<128x384xf32, #tpu.memory_space<vmem>>) offsets(%dma_start3A_8 : memref<128xi32, #tpu.memory_space<vmem>>) semaphore(%arg9 : memref<!tpu.dma_semaphore, #tpu.memory_space<semaphore_mem>>)
    %dma_wait3A = arith.constant 0 : i32
    %dma_wait3A_12 = tpu.memref_slice %arg5[%dma_wait3A] : memref<1024xi32, #tpu.memory_space<vmem>> -> memref<128xi32, #tpu.memory_space<vmem>>
    %dma_wait3A_13 = arith.constant 0 : i32
    %dma_wait3A_14 = arith.constant 0 : i32
    %dma_wait3A_15 = tpu.memref_slice %arg2[%dma_wait3A_13, %dma_wait3A_14] : memref<131072x384xf32, #tpu.memory_space<hbm>> -> memref<131072x384xf32, #tpu.memory_space<hbm>>
    tpu.wait_indirect_dma semaphore(%arg8 : memref<!tpu.dma_semaphore, #tpu.memory_space<semaphore_mem>>) src(%dma_wait3A_15 : memref<131072x384xf32, #tpu.memory_space<hbm>>) dst(%arg6 : memref<128x384xf32, #tpu.memory_space<vmem>>)
    %add3A_16 = arith.constant 0 : i32
    %add3A_17 = arith.addi %mul3A_2, %add3A_16 : i32
    %dma_start3A_18 = arith.constant 0 : i32
    %dma_start3A_19 = tpu.memref_slice %arg4[%add3A_17, %dma_start3A_18] : memref<32768x384xf32, #tpu.memory_space<hbm>> -> memref<128x384xf32, #tpu.memory_space<hbm>>
    %dma_start3A_20 = arith.constant 0 : i32
    %dma_start3A_21 = tpu.memref_slice %arg4[%add3A_17, %dma_start3A_20] : memref<32768x384xf32, #tpu.memory_space<hbm>> -> memref<128x384xf32, #tpu.memory_space<hbm>>
    tpu.enqueue_dma source(%arg6 : memref<128x384xf32, #tpu.memory_space<vmem>>) target(%dma_start3A_21 : memref<128x384xf32, #tpu.memory_space<hbm>>) target_semaphore(%arg10 : memref<!tpu.dma_semaphore, #tpu.memory_space<semaphore_mem>>)
    %dma_wait3A_22 = arith.constant 0 : i32
    %dma_wait3A_23 = tpu.memref_slice %arg4[%add3A_17, %dma_wait3A_22] : memref<32768x384xf32, #tpu.memory_space<hbm>> -> memref<128x384xf32, #tpu.memory_space<hbm>>
    %dma_wait3A_24 = arith.constant 0 : i32
    %dma_wait3A_25 = tpu.memref_slice %arg4[%add3A_17, %dma_wait3A_24] : memref<32768x384xf32, #tpu.memory_space<hbm>> -> memref<128x384xf32, #tpu.memory_space<hbm>>
    tpu.wait_dma2 semaphore(%arg10 : memref<!tpu.dma_semaphore, #tpu.memory_space<semaphore_mem>>) src(%arg6 : memref<128x384xf32, #tpu.memory_space<vmem>>) dst(%dma_wait3A_25 : memref<128x384xf32, #tpu.memory_space<hbm>>)
    %dma_start3A_26 = arith.constant 256 : i32
    %dma_start3A_27 = tpu.memref_slice %arg5[%dma_start3A_26] : memref<1024xi32, #tpu.memory_space<vmem>> -> memref<128xi32, #tpu.memory_space<vmem>>
    %dma_start3A_28 = arith.constant 0 : i32
    %dma_start3A_29 = arith.constant 0 : i32
    %dma_start3A_30 = tpu.memref_slice %arg2[%dma_start3A_28, %dma_start3A_29] : memref<131072x384xf32, #tpu.memory_space<hbm>> -> memref<131072x384xf32, #tpu.memory_space<hbm>>
    tpu.enqueue_indirect_dma source(%dma_start3A_30 : memref<131072x384xf32, #tpu.memory_space<hbm>>) target(%arg6 : memref<128x384xf32, #tpu.memory_space<vmem>>) offsets(%dma_start3A_27 : memref<128xi32, #tpu.memory_space<vmem>>) semaphore(%arg8 : memref<!tpu.dma_semaphore, #tpu.memory_space<semaphore_mem>>)
    %dma_wait3A_31 = arith.constant 128 : i32
    %dma_wait3A_32 = tpu.memref_slice %arg5[%dma_wait3A_31] : memref<1024xi32, #tpu.memory_space<vmem>> -> memref<128xi32, #tpu.memory_space<vmem>>
    %dma_wait3A_33 = arith.constant 0 : i32
    %dma_wait3A_34 = arith.constant 0 : i32
    %dma_wait3A_35 = tpu.memref_slice %arg2[%dma_wait3A_33, %dma_wait3A_34] : memref<131072x384xf32, #tpu.memory_space<hbm>> -> memref<131072x384xf32, #tpu.memory_space<hbm>>
    tpu.wait_indirect_dma semaphore(%arg9 : memref<!tpu.dma_semaphore, #tpu.memory_space<semaphore_mem>>) src(%dma_wait3A_35 : memref<131072x384xf32, #tpu.memory_space<hbm>>) dst(%arg7 : memref<128x384xf32, #tpu.memory_space<vmem>>)
    %add3A_36 = arith.constant 128 : i32
    %add3A_37 = arith.addi %mul3A_2, %add3A_36 : i32
    %dma_start3A_38 = arith.constant 0 : i32
    %dma_start3A_39 = tpu.memref_slice %arg4[%add3A_37, %dma_start3A_38] : memref<32768x384xf32, #tpu.memory_space<hbm>> -> memref<128x384xf32, #tpu.memory_space<hbm>>
    %dma_start3A_40 = arith.constant 0 : i32
    %dma_start3A_41 = tpu.memref_slice %arg4[%add3A_37, %dma_start3A_40] : memref<32768x384xf32, #tpu.memory_space<hbm>> -> memref<128x384xf32, #tpu.memory_space<hbm>>
    tpu.enqueue_dma source(%arg7 : memref<128x384xf32, #tpu.memory_space<vmem>>) target(%dma_start3A_41 : memref<128x384xf32, #tpu.memory_space<hbm>>) target_semaphore(%arg11 : memref<!tpu.dma_semaphore, #tpu.memory_space<semaphore_mem>>)
    %dma_wait3A_42 = arith.constant 0 : i32
    %dma_wait3A_43 = tpu.memref_slice %arg4[%add3A_37, %dma_wait3A_42] : memref<32768x384xf32, #tpu.memory_space<hbm>> -> memref<128x384xf32, #tpu.memory_space<hbm>>
    %dma_wait3A_44 = arith.constant 0 : i32
    %dma_wait3A_45 = tpu.memref_slice %arg4[%add3A_37, %dma_wait3A_44] : memref<32768x384xf32, #tpu.memory_space<hbm>> -> memref<128x384xf32, #tpu.memory_space<hbm>>
    tpu.wait_dma2 semaphore(%arg11 : memref<!tpu.dma_semaphore, #tpu.memory_space<semaphore_mem>>) src(%arg7 : memref<128x384xf32, #tpu.memory_space<vmem>>) dst(%dma_wait3A_45 : memref<128x384xf32, #tpu.memory_space<hbm>>)
    %dma_start3A_46 = arith.constant 384 : i32
    %dma_start3A_47 = tpu.memref_slice %arg5[%dma_start3A_46] : memref<1024xi32, #tpu.memory_space<vmem>> -> memref<128xi32, #tpu.memory_space<vmem>>
    %dma_start3A_48 = arith.constant 0 : i32
    %dma_start3A_49 = arith.constant 0 : i32
    %dma_start3A_50 = tpu.memref_slice %arg2[%dma_start3A_48, %dma_start3A_49] : memref<131072x384xf32, #tpu.memory_space<hbm>> -> memref<131072x384xf32, #tpu.memory_space<hbm>>
    tpu.enqueue_indirect_dma source(%dma_start3A_50 : memref<131072x384xf32, #tpu.memory_space<hbm>>) target(%arg7 : memref<128x384xf32, #tpu.memory_space<vmem>>) offsets(%dma_start3A_47 : memref<128xi32, #tpu.memory_space<vmem>>) semaphore(%arg9 : memref<!tpu.dma_semaphore, #tpu.memory_space<semaphore_mem>>)
    %dma_wait3A_51 = arith.constant 256 : i32
    %dma_wait3A_52 = tpu.memref_slice %arg5[%dma_wait3A_51] : memref<1024xi32, #tpu.memory_space<vmem>> -> memref<128xi32, #tpu.memory_space<vmem>>
    %dma_wait3A_53 = arith.constant 0 : i32
    %dma_wait3A_54 = arith.constant 0 : i32
    %dma_wait3A_55 = tpu.memref_slice %arg2[%dma_wait3A_53, %dma_wait3A_54] : memref<131072x384xf32, #tpu.memory_space<hbm>> -> memref<131072x384xf32, #tpu.memory_space<hbm>>
    tpu.wait_indirect_dma semaphore(%arg8 : memref<!tpu.dma_semaphore, #tpu.memory_space<semaphore_mem>>) src(%dma_wait3A_55 : memref<131072x384xf32, #tpu.memory_space<hbm>>) dst(%arg6 : memref<128x384xf32, #tpu.memory_space<vmem>>)
    %add3A_56 = arith.constant 256 : i32
    %add3A_57 = arith.addi %mul3A_2, %add3A_56 : i32
    %dma_start3A_58 = arith.constant 0 : i32
    %dma_start3A_59 = tpu.memref_slice %arg4[%add3A_57, %dma_start3A_58] : memref<32768x384xf32, #tpu.memory_space<hbm>> -> memref<128x384xf32, #tpu.memory_space<hbm>>
    %dma_start3A_60 = arith.constant 0 : i32
    %dma_start3A_61 = tpu.memref_slice %arg4[%add3A_57, %dma_start3A_60] : memref<32768x384xf32, #tpu.memory_space<hbm>> -> memref<128x384xf32, #tpu.memory_space<hbm>>
    tpu.enqueue_dma source(%arg6 : memref<128x384xf32, #tpu.memory_space<vmem>>) target(%dma_start3A_61 : memref<128x384xf32, #tpu.memory_space<hbm>>) target_semaphore(%arg10 : memref<!tpu.dma_semaphore, #tpu.memory_space<semaphore_mem>>)
    %dma_wait3A_62 = arith.constant 0 : i32
    %dma_wait3A_63 = tpu.memref_slice %arg4[%add3A_57, %dma_wait3A_62] : memref<32768x384xf32, #tpu.memory_space<hbm>> -> memref<128x384xf32, #tpu.memory_space<hbm>>
    %dma_wait3A_64 = arith.constant 0 : i32
    %dma_wait3A_65 = tpu.memref_slice %arg4[%add3A_57, %dma_wait3A_64] : memref<32768x384xf32, #tpu.memory_space<hbm>> -> memref<128x384xf32, #tpu.memory_space<hbm>>
    tpu.wait_dma2 semaphore(%arg10 : memref<!tpu.dma_semaphore, #tpu.memory_space<semaphore_mem>>) src(%arg6 : memref<128x384xf32, #tpu.memory_space<vmem>>) dst(%dma_wait3A_65 : memref<128x384xf32, #tpu.memory_space<hbm>>)
    %dma_start3A_66 = arith.constant 512 : i32
    %dma_start3A_67 = tpu.memref_slice %arg5[%dma_start3A_66] : memref<1024xi32, #tpu.memory_space<vmem>> -> memref<128xi32, #tpu.memory_space<vmem>>
    %dma_start3A_68 = arith.constant 0 : i32
    %dma_start3A_69 = arith.constant 0 : i32
    %dma_start3A_70 = tpu.memref_slice %arg2[%dma_start3A_68, %dma_start3A_69] : memref<131072x384xf32, #tpu.memory_space<hbm>> -> memref<131072x384xf32, #tpu.memory_space<hbm>>
    tpu.enqueue_indirect_dma source(%dma_start3A_70 : memref<131072x384xf32, #tpu.memory_space<hbm>>) target(%arg6 : memref<128x384xf32, #tpu.memory_space<vmem>>) offsets(%dma_start3A_67 : memref<128xi32, #tpu.memory_space<vmem>>) semaphore(%arg8 : memref<!tpu.dma_semaphore, #tpu.memory_space<semaphore_mem>>)
    %dma_wait3A_71 = arith.constant 384 : i32
    %dma_wait3A_72 = tpu.memref_slice %arg5[%dma_wait3A_71] : memref<1024xi32, #tpu.memory_space<vmem>> -> memref<128xi32, #tpu.memory_space<vmem>>
    %dma_wait3A_73 = arith.constant 0 : i32
    %dma_wait3A_74 = arith.constant 0 : i32
    %dma_wait3A_75 = tpu.memref_slice %arg2[%dma_wait3A_73, %dma_wait3A_74] : memref<131072x384xf32, #tpu.memory_space<hbm>> -> memref<131072x384xf32, #tpu.memory_space<hbm>>
    tpu.wait_indirect_dma semaphore(%arg9 : memref<!tpu.dma_semaphore, #tpu.memory_space<semaphore_mem>>) src(%dma_wait3A_75 : memref<131072x384xf32, #tpu.memory_space<hbm>>) dst(%arg7 : memref<128x384xf32, #tpu.memory_space<vmem>>)
    %add3A_76 = arith.constant 384 : i32
    %add3A_77 = arith.addi %mul3A_2, %add3A_76 : i32
    %dma_start3A_78 = arith.constant 0 : i32
    %dma_start3A_79 = tpu.memref_slice %arg4[%add3A_77, %dma_start3A_78] : memref<32768x384xf32, #tpu.memory_space<hbm>> -> memref<128x384xf32, #tpu.memory_space<hbm>>
    %dma_start3A_80 = arith.constant 0 : i32
    %dma_start3A_81 = tpu.memref_slice %arg4[%add3A_77, %dma_start3A_80] : memref<32768x384xf32, #tpu.memory_space<hbm>> -> memref<128x384xf32, #tpu.memory_space<hbm>>
    tpu.enqueue_dma source(%arg7 : memref<128x384xf32, #tpu.memory_space<vmem>>) target(%dma_start3A_81 : memref<128x384xf32, #tpu.memory_space<hbm>>) target_semaphore(%arg11 : memref<!tpu.dma_semaphore, #tpu.memory_space<semaphore_mem>>)
    %dma_wait3A_82 = arith.constant 0 : i32
    %dma_wait3A_83 = tpu.memref_slice %arg4[%add3A_77, %dma_wait3A_82] : memref<32768x384xf32, #tpu.memory_space<hbm>> -> memref<128x384xf32, #tpu.memory_space<hbm>>
    %dma_wait3A_84 = arith.constant 0 : i32
    %dma_wait3A_85 = tpu.memref_slice %arg4[%add3A_77, %dma_wait3A_84] : memref<32768x384xf32, #tpu.memory_space<hbm>> -> memref<128x384xf32, #tpu.memory_space<hbm>>
    tpu.wait_dma2 semaphore(%arg11 : memref<!tpu.dma_semaphore, #tpu.memory_space<semaphore_mem>>) src(%arg7 : memref<128x384xf32, #tpu.memory_space<vmem>>) dst(%dma_wait3A_85 : memref<128x384xf32, #tpu.memory_space<hbm>>)
    %dma_start3A_86 = arith.constant 640 : i32
    %dma_start3A_87 = tpu.memref_slice %arg5[%dma_start3A_86] : memref<1024xi32, #tpu.memory_space<vmem>> -> memref<128xi32, #tpu.memory_space<vmem>>
    %dma_start3A_88 = arith.constant 0 : i32
    %dma_start3A_89 = arith.constant 0 : i32
    %dma_start3A_90 = tpu.memref_slice %arg2[%dma_start3A_88, %dma_start3A_89] : memref<131072x384xf32, #tpu.memory_space<hbm>> -> memref<131072x384xf32, #tpu.memory_space<hbm>>
    tpu.enqueue_indirect_dma source(%dma_start3A_90 : memref<131072x384xf32, #tpu.memory_space<hbm>>) target(%arg7 : memref<128x384xf32, #tpu.memory_space<vmem>>) offsets(%dma_start3A_87 : memref<128xi32, #tpu.memory_space<vmem>>) semaphore(%arg9 : memref<!tpu.dma_semaphore, #tpu.memory_space<semaphore_mem>>)
    %dma_wait3A_91 = arith.constant 512 : i32
    %dma_wait3A_92 = tpu.memref_slice %arg5[%dma_wait3A_91] : memref<1024xi32, #tpu.memory_space<vmem>> -> memref<128xi32, #tpu.memory_space<vmem>>
    %dma_wait3A_93 = arith.constant 0 : i32
    %dma_wait3A_94 = arith.constant 0 : i32
    %dma_wait3A_95 = tpu.memref_slice %arg2[%dma_wait3A_93, %dma_wait3A_94] : memref<131072x384xf32, #tpu.memory_space<hbm>> -> memref<131072x384xf32, #tpu.memory_space<hbm>>
    tpu.wait_indirect_dma semaphore(%arg8 : memref<!tpu.dma_semaphore, #tpu.memory_space<semaphore_mem>>) src(%dma_wait3A_95 : memref<131072x384xf32, #tpu.memory_space<hbm>>) dst(%arg6 : memref<128x384xf32, #tpu.memory_space<vmem>>)
    %add3A_96 = arith.constant 512 : i32
    %add3A_97 = arith.addi %mul3A_2, %add3A_96 : i32
    %dma_start3A_98 = arith.constant 0 : i32
    %dma_start3A_99 = tpu.memref_slice %arg4[%add3A_97, %dma_start3A_98] : memref<32768x384xf32, #tpu.memory_space<hbm>> -> memref<128x384xf32, #tpu.memory_space<hbm>>
    %dma_start3A_100 = arith.constant 0 : i32
    %dma_start3A_101 = tpu.memref_slice %arg4[%add3A_97, %dma_start3A_100] : memref<32768x384xf32, #tpu.memory_space<hbm>> -> memref<128x384xf32, #tpu.memory_space<hbm>>
    tpu.enqueue_dma source(%arg6 : memref<128x384xf32, #tpu.memory_space<vmem>>) target(%dma_start3A_101 : memref<128x384xf32, #tpu.memory_space<hbm>>) target_semaphore(%arg10 : memref<!tpu.dma_semaphore, #tpu.memory_space<semaphore_mem>>)
    %dma_wait3A_102 = arith.constant 0 : i32
    %dma_wait3A_103 = tpu.memref_slice %arg4[%add3A_97, %dma_wait3A_102] : memref<32768x384xf32, #tpu.memory_space<hbm>> -> memref<128x384xf32, #tpu.memory_space<hbm>>
    %dma_wait3A_104 = arith.constant 0 : i32
    %dma_wait3A_105 = tpu.memref_slice %arg4[%add3A_97, %dma_wait3A_104] : memref<32768x384xf32, #tpu.memory_space<hbm>> -> memref<128x384xf32, #tpu.memory_space<hbm>>
    tpu.wait_dma2 semaphore(%arg10 : memref<!tpu.dma_semaphore, #tpu.memory_space<semaphore_mem>>) src(%arg6 : memref<128x384xf32, #tpu.memory_space<vmem>>) dst(%dma_wait3A_105 : memref<128x384xf32, #tpu.memory_space<hbm>>)
    %dma_start3A_106 = arith.constant 768 : i32
    %dma_start3A_107 = tpu.memref_slice %arg5[%dma_start3A_106] : memref<1024xi32, #tpu.memory_space<vmem>> -> memref<128xi32, #tpu.memory_space<vmem>>
    %dma_start3A_108 = arith.constant 0 : i32
    %dma_start3A_109 = arith.constant 0 : i32
    %dma_start3A_110 = tpu.memref_slice %arg2[%dma_start3A_108, %dma_start3A_109] : memref<131072x384xf32, #tpu.memory_space<hbm>> -> memref<131072x384xf32, #tpu.memory_space<hbm>>
    tpu.enqueue_indirect_dma source(%dma_start3A_110 : memref<131072x384xf32, #tpu.memory_space<hbm>>) target(%arg6 : memref<128x384xf32, #tpu.memory_space<vmem>>) offsets(%dma_start3A_107 : memref<128xi32, #tpu.memory_space<vmem>>) semaphore(%arg8 : memref<!tpu.dma_semaphore, #tpu.memory_space<semaphore_mem>>)
    %dma_wait3A_111 = arith.constant 640 : i32
    %dma_wait3A_112 = tpu.memref_slice %arg5[%dma_wait3A_111] : memref<1024xi32, #tpu.memory_space<vmem>> -> memref<128xi32, #tpu.memory_space<vmem>>
    %dma_wait3A_113 = arith.constant 0 : i32
    %dma_wait3A_114 = arith.constant 0 : i32
    %dma_wait3A_115 = tpu.memref_slice %arg2[%dma_wait3A_113, %dma_wait3A_114] : memref<131072x384xf32, #tpu.memory_space<hbm>> -> memref<131072x384xf32, #tpu.memory_space<hbm>>
    tpu.wait_indirect_dma semaphore(%arg9 : memref<!tpu.dma_semaphore, #tpu.memory_space<semaphore_mem>>) src(%dma_wait3A_115 : memref<131072x384xf32, #tpu.memory_space<hbm>>) dst(%arg7 : memref<128x384xf32, #tpu.memory_space<vmem>>)
    %add3A_116 = arith.constant 640 : i32
    %add3A_117 = arith.addi %mul3A_2, %add3A_116 : i32
    %dma_start3A_118 = arith.constant 0 : i32
    %dma_start3A_119 = tpu.memref_slice %arg4[%add3A_117, %dma_start3A_118] : memref<32768x384xf32, #tpu.memory_space<hbm>> -> memref<128x384xf32, #tpu.memory_space<hbm>>
    %dma_start3A_120 = arith.constant 0 : i32
    %dma_start3A_121 = tpu.memref_slice %arg4[%add3A_117, %dma_start3A_120] : memref<32768x384xf32, #tpu.memory_space<hbm>> -> memref<128x384xf32, #tpu.memory_space<hbm>>
    tpu.enqueue_dma source(%arg7 : memref<128x384xf32, #tpu.memory_space<vmem>>) target(%dma_start3A_121 : memref<128x384xf32, #tpu.memory_space<hbm>>) target_semaphore(%arg11 : memref<!tpu.dma_semaphore, #tpu.memory_space<semaphore_mem>>)
    %dma_wait3A_122 = arith.constant 0 : i32
    %dma_wait3A_123 = tpu.memref_slice %arg4[%add3A_117, %dma_wait3A_122] : memref<32768x384xf32, #tpu.memory_space<hbm>> -> memref<128x384xf32, #tpu.memory_space<hbm>>
    %dma_wait3A_124 = arith.constant 0 : i32
    %dma_wait3A_125 = tpu.memref_slice %arg4[%add3A_117, %dma_wait3A_124] : memref<32768x384xf32, #tpu.memory_space<hbm>> -> memref<128x384xf32, #tpu.memory_space<hbm>>
    tpu.wait_dma2 semaphore(%arg11 : memref<!tpu.dma_semaphore, #tpu.memory_space<semaphore_mem>>) src(%arg7 : memref<128x384xf32, #tpu.memory_space<vmem>>) dst(%dma_wait3A_125 : memref<128x384xf32, #tpu.memory_space<hbm>>)
    %dma_start3A_126 = arith.constant 896 : i32
    %dma_start3A_127 = tpu.memref_slice %arg5[%dma_start3A_126] : memref<1024xi32, #tpu.memory_space<vmem>> -> memref<128xi32, #tpu.memory_space<vmem>>
    %dma_start3A_128 = arith.constant 0 : i32
    %dma_start3A_129 = arith.constant 0 : i32
    %dma_start3A_130 = tpu.memref_slice %arg2[%dma_start3A_128, %dma_start3A_129] : memref<131072x384xf32, #tpu.memory_space<hbm>> -> memref<131072x384xf32, #tpu.memory_space<hbm>>
    tpu.enqueue_indirect_dma source(%dma_start3A_130 : memref<131072x384xf32, #tpu.memory_space<hbm>>) target(%arg7 : memref<128x384xf32, #tpu.memory_space<vmem>>) offsets(%dma_start3A_127 : memref<128xi32, #tpu.memory_space<vmem>>) semaphore(%arg9 : memref<!tpu.dma_semaphore, #tpu.memory_space<semaphore_mem>>)
    %dma_wait3A_131 = arith.constant 768 : i32
    %dma_wait3A_132 = tpu.memref_slice %arg5[%dma_wait3A_131] : memref<1024xi32, #tpu.memory_space<vmem>> -> memref<128xi32, #tpu.memory_space<vmem>>
    %dma_wait3A_133 = arith.constant 0 : i32
    %dma_wait3A_134 = arith.constant 0 : i32
    %dma_wait3A_135 = tpu.memref_slice %arg2[%dma_wait3A_133, %dma_wait3A_134] : memref<131072x384xf32, #tpu.memory_space<hbm>> -> memref<131072x384xf32, #tpu.memory_space<hbm>>
    tpu.wait_indirect_dma semaphore(%arg8 : memref<!tpu.dma_semaphore, #tpu.memory_space<semaphore_mem>>) src(%dma_wait3A_135 : memref<131072x384xf32, #tpu.memory_space<hbm>>) dst(%arg6 : memref<128x384xf32, #tpu.memory_space<vmem>>)
    %add3A_136 = arith.constant 768 : i32
    %add3A_137 = arith.addi %mul3A_2, %add3A_136 : i32
    %dma_start3A_138 = arith.constant 0 : i32
    %dma_start3A_139 = tpu.memref_slice %arg4[%add3A_137, %dma_start3A_138] : memref<32768x384xf32, #tpu.memory_space<hbm>> -> memref<128x384xf32, #tpu.memory_space<hbm>>
    %dma_start3A_140 = arith.constant 0 : i32
    %dma_start3A_141 = tpu.memref_slice %arg4[%add3A_137, %dma_start3A_140] : memref<32768x384xf32, #tpu.memory_space<hbm>> -> memref<128x384xf32, #tpu.memory_space<hbm>>
    tpu.enqueue_dma source(%arg6 : memref<128x384xf32, #tpu.memory_space<vmem>>) target(%dma_start3A_141 : memref<128x384xf32, #tpu.memory_space<hbm>>) target_semaphore(%arg10 : memref<!tpu.dma_semaphore, #tpu.memory_space<semaphore_mem>>)
    %dma_wait3A_142 = arith.constant 896 : i32
    %dma_wait3A_143 = tpu.memref_slice %arg5[%dma_wait3A_142] : memref<1024xi32, #tpu.memory_space<vmem>> -> memref<128xi32, #tpu.memory_space<vmem>>
    %dma_wait3A_144 = arith.constant 0 : i32
    %dma_wait3A_145 = arith.constant 0 : i32
    %dma_wait3A_146 = tpu.memref_slice %arg2[%dma_wait3A_144, %dma_wait3A_145] : memref<131072x384xf32, #tpu.memory_space<hbm>> -> memref<131072x384xf32, #tpu.memory_space<hbm>>
    tpu.wait_indirect_dma semaphore(%arg9 : memref<!tpu.dma_semaphore, #tpu.memory_space<semaphore_mem>>) src(%dma_wait3A_146 : memref<131072x384xf32, #tpu.memory_space<hbm>>) dst(%arg7 : memref<128x384xf32, #tpu.memory_space<vmem>>)
    %add3A_147 = arith.constant 896 : i32
    %add3A_148 = arith.addi %mul3A_2, %add3A_147 : i32
    %dma_start3A_149 = arith.constant 0 : i32
    %dma_start3A_150 = tpu.memref_slice %arg4[%add3A_148, %dma_start3A_149] : memref<32768x384xf32, #tpu.memory_space<hbm>> -> memref<128x384xf32, #tpu.memory_space<hbm>>
    %dma_start3A_151 = arith.constant 0 : i32
    %dma_start3A_152 = tpu.memref_slice %arg4[%add3A_148, %dma_start3A_151] : memref<32768x384xf32, #tpu.memory_space<hbm>> -> memref<128x384xf32, #tpu.memory_space<hbm>>
    tpu.enqueue_dma source(%arg7 : memref<128x384xf32, #tpu.memory_space<vmem>>) target(%dma_start3A_152 : memref<128x384xf32, #tpu.memory_space<hbm>>) target_semaphore(%arg11 : memref<!tpu.dma_semaphore, #tpu.memory_space<semaphore_mem>>)
    %dma_wait3A_153 = arith.constant 0 : i32
    %dma_wait3A_154 = tpu.memref_slice %arg4[%add3A_148, %dma_wait3A_153] : memref<32768x384xf32, #tpu.memory_space<hbm>> -> memref<128x384xf32, #tpu.memory_space<hbm>>
    %dma_wait3A_155 = arith.constant 0 : i32
    %dma_wait3A_156 = tpu.memref_slice %arg4[%add3A_148, %dma_wait3A_155] : memref<32768x384xf32, #tpu.memory_space<hbm>> -> memref<128x384xf32, #tpu.memory_space<hbm>>
    tpu.wait_dma2 semaphore(%arg11 : memref<!tpu.dma_semaphore, #tpu.memory_space<semaphore_mem>>) src(%arg7 : memref<128x384xf32, #tpu.memory_space<vmem>>) dst(%dma_wait3A_156 : memref<128x384xf32, #tpu.memory_space<hbm>>)
    %dma_wait3A_157 = arith.constant 0 : i32
    %dma_wait3A_158 = tpu.memref_slice %arg4[%add3A_137, %dma_wait3A_157] : memref<32768x384xf32, #tpu.memory_space<hbm>> -> memref<128x384xf32, #tpu.memory_space<hbm>>
    %dma_wait3A_159 = arith.constant 0 : i32
    %dma_wait3A_160 = tpu.memref_slice %arg4[%add3A_137, %dma_wait3A_159] : memref<32768x384xf32, #tpu.memory_space<hbm>> -> memref<128x384xf32, #tpu.memory_space<hbm>>
    tpu.wait_dma2 semaphore(%arg10 : memref<!tpu.dma_semaphore, #tpu.memory_space<semaphore_mem>>) src(%arg6 : memref<128x384xf32, #tpu.memory_space<vmem>>) dst(%dma_wait3A_160 : memref<128x384xf32, #tpu.memory_space<hbm>>)
    return
  }
}

module attributes {stable_mosaic.version = 14 : i64} {
  func.func @_stats_kernel(%arg0: i32, %arg1: memref<1x1024x384xf32, #tpu.memory_space<vmem>>, %arg2: memref<1x1x384xf32, #tpu.memory_space<vmem>>, %arg3: memref<1x1x1024xf32, #tpu.memory_space<vmem>>) attributes {dimension_semantics = [#tpu.dimension_semantics<arbitrary>], iteration_bounds = array<i64: 128>, scalar_prefetch = 0 : i64, scratch_operands = 0 : i64, tpu.core_type = #tpu.core_type<tc>, window_params = [{transform_indices = @transform_0, window_bounds = array<i64: 1, 1024, 384>}, {transform_indices = @transform_1, window_bounds = array<i64: 1, 1, 384>}, {transform_indices = @transform_2, window_bounds = array<i64: 1, 1, 1024>}]} {
    %broadcast_in_dim3A = arith.constant 0.000000e+00 : f32
    %broadcast_in_dim3A_0 = vector.broadcast %broadcast_in_dim3A : f32 to vector<8x384xf32>
    %get3A = arith.constant 0 : index
    %get3A_1 = arith.constant 0 : index
    %get3A_2 = arith.constant 0 : index
    %get3A_3 = vector.load %arg1[%get3A, %get3A_1, %get3A_2] : memref<1x1024x384xf32, #tpu.memory_space<vmem>>, vector<1x128x384xf32>
    %get3A_4 = vector.shape_cast %get3A_3 : vector<1x128x384xf32> to vector<128x384xf32>
    %slice3A = vector.extract_strided_slice %get3A_4 {offsets = [0, 0], sizes = [8, 384], strides = [1, 1]} : vector<128x384xf32> to vector<8x384xf32>
    %add3A = arith.addf %broadcast_in_dim3A_0, %slice3A : vector<8x384xf32>
    %slice3A_5 = vector.extract_strided_slice %get3A_4 {offsets = [8, 0], sizes = [8, 384], strides = [1, 1]} : vector<128x384xf32> to vector<8x384xf32>
    %add3A_6 = arith.addf %add3A, %slice3A_5 : vector<8x384xf32>
    %slice3A_7 = vector.extract_strided_slice %get3A_4 {offsets = [16, 0], sizes = [8, 384], strides = [1, 1]} : vector<128x384xf32> to vector<8x384xf32>
    %add3A_8 = arith.addf %add3A_6, %slice3A_7 : vector<8x384xf32>
    %slice3A_9 = vector.extract_strided_slice %get3A_4 {offsets = [24, 0], sizes = [8, 384], strides = [1, 1]} : vector<128x384xf32> to vector<8x384xf32>
    %add3A_10 = arith.addf %add3A_8, %slice3A_9 : vector<8x384xf32>
    %slice3A_11 = vector.extract_strided_slice %get3A_4 {offsets = [32, 0], sizes = [8, 384], strides = [1, 1]} : vector<128x384xf32> to vector<8x384xf32>
    %add3A_12 = arith.addf %add3A_10, %slice3A_11 : vector<8x384xf32>
    %slice3A_13 = vector.extract_strided_slice %get3A_4 {offsets = [40, 0], sizes = [8, 384], strides = [1, 1]} : vector<128x384xf32> to vector<8x384xf32>
    %add3A_14 = arith.addf %add3A_12, %slice3A_13 : vector<8x384xf32>
    %slice3A_15 = vector.extract_strided_slice %get3A_4 {offsets = [48, 0], sizes = [8, 384], strides = [1, 1]} : vector<128x384xf32> to vector<8x384xf32>
    %add3A_16 = arith.addf %add3A_14, %slice3A_15 : vector<8x384xf32>
    %slice3A_17 = vector.extract_strided_slice %get3A_4 {offsets = [56, 0], sizes = [8, 384], strides = [1, 1]} : vector<128x384xf32> to vector<8x384xf32>
    %add3A_18 = arith.addf %add3A_16, %slice3A_17 : vector<8x384xf32>
    %slice3A_19 = vector.extract_strided_slice %get3A_4 {offsets = [64, 0], sizes = [8, 384], strides = [1, 1]} : vector<128x384xf32> to vector<8x384xf32>
    %add3A_20 = arith.addf %add3A_18, %slice3A_19 : vector<8x384xf32>
    %slice3A_21 = vector.extract_strided_slice %get3A_4 {offsets = [72, 0], sizes = [8, 384], strides = [1, 1]} : vector<128x384xf32> to vector<8x384xf32>
    %add3A_22 = arith.addf %add3A_20, %slice3A_21 : vector<8x384xf32>
    %slice3A_23 = vector.extract_strided_slice %get3A_4 {offsets = [80, 0], sizes = [8, 384], strides = [1, 1]} : vector<128x384xf32> to vector<8x384xf32>
    %add3A_24 = arith.addf %add3A_22, %slice3A_23 : vector<8x384xf32>
    %slice3A_25 = vector.extract_strided_slice %get3A_4 {offsets = [88, 0], sizes = [8, 384], strides = [1, 1]} : vector<128x384xf32> to vector<8x384xf32>
    %add3A_26 = arith.addf %add3A_24, %slice3A_25 : vector<8x384xf32>
    %slice3A_27 = vector.extract_strided_slice %get3A_4 {offsets = [96, 0], sizes = [8, 384], strides = [1, 1]} : vector<128x384xf32> to vector<8x384xf32>
    %add3A_28 = arith.addf %add3A_26, %slice3A_27 : vector<8x384xf32>
    %slice3A_29 = vector.extract_strided_slice %get3A_4 {offsets = [104, 0], sizes = [8, 384], strides = [1, 1]} : vector<128x384xf32> to vector<8x384xf32>
    %add3A_30 = arith.addf %add3A_28, %slice3A_29 : vector<8x384xf32>
    %slice3A_31 = vector.extract_strided_slice %get3A_4 {offsets = [112, 0], sizes = [8, 384], strides = [1, 1]} : vector<128x384xf32> to vector<8x384xf32>
    %add3A_32 = arith.addf %add3A_30, %slice3A_31 : vector<8x384xf32>
    %slice3A_33 = vector.extract_strided_slice %get3A_4 {offsets = [120, 0], sizes = [8, 384], strides = [1, 1]} : vector<128x384xf32> to vector<8x384xf32>
    %add3A_34 = arith.addf %add3A_32, %slice3A_33 : vector<8x384xf32>
    %mul3A = arith.mulf %get3A_4, %get3A_4 : vector<128x384xf32>
    %slice3A_35 = vector.extract_strided_slice %mul3A {offsets = [0, 0], sizes = [128, 128], strides = [1, 1]} : vector<128x384xf32> to vector<128x128xf32>
    %transpose3A = tpu.transpose %slice3A_35, [1, 0] : vector<128x128xf32> -> vector<128x128xf32>
    %slice3A_36 = vector.extract_strided_slice %transpose3A {offsets = [0, 0], sizes = [8, 128], strides = [1, 1]} : vector<128x128xf32> to vector<8x128xf32>
    %slice3A_37 = vector.extract_strided_slice %transpose3A {offsets = [8, 0], sizes = [8, 128], strides = [1, 1]} : vector<128x128xf32> to vector<8x128xf32>
    %add3A_38 = arith.addf %slice3A_36, %slice3A_37 : vector<8x128xf32>
    %slice3A_39 = vector.extract_strided_slice %transpose3A {offsets = [16, 0], sizes = [8, 128], strides = [1, 1]} : vector<128x128xf32> to vector<8x128xf32>
    %add3A_40 = arith.addf %add3A_38, %slice3A_39 : vector<8x128xf32>
    %slice3A_41 = vector.extract_strided_slice %transpose3A {offsets = [24, 0], sizes = [8, 128], strides = [1, 1]} : vector<128x128xf32> to vector<8x128xf32>
    %add3A_42 = arith.addf %add3A_40, %slice3A_41 : vector<8x128xf32>
    %slice3A_43 = vector.extract_strided_slice %transpose3A {offsets = [32, 0], sizes = [8, 128], strides = [1, 1]} : vector<128x128xf32> to vector<8x128xf32>
    %add3A_44 = arith.addf %add3A_42, %slice3A_43 : vector<8x128xf32>
    %slice3A_45 = vector.extract_strided_slice %transpose3A {offsets = [40, 0], sizes = [8, 128], strides = [1, 1]} : vector<128x128xf32> to vector<8x128xf32>
    %add3A_46 = arith.addf %add3A_44, %slice3A_45 : vector<8x128xf32>
    %slice3A_47 = vector.extract_strided_slice %transpose3A {offsets = [48, 0], sizes = [8, 128], strides = [1, 1]} : vector<128x128xf32> to vector<8x128xf32>
    %add3A_48 = arith.addf %add3A_46, %slice3A_47 : vector<8x128xf32>
    %slice3A_49 = vector.extract_strided_slice %transpose3A {offsets = [56, 0], sizes = [8, 128], strides = [1, 1]} : vector<128x128xf32> to vector<8x128xf32>
    %add3A_50 = arith.addf %add3A_48, %slice3A_49 : vector<8x128xf32>
    %slice3A_51 = vector.extract_strided_slice %transpose3A {offsets = [64, 0], sizes = [8, 128], strides = [1, 1]} : vector<128x128xf32> to vector<8x128xf32>
    %add3A_52 = arith.addf %add3A_50, %slice3A_51 : vector<8x128xf32>
    %slice3A_53 = vector.extract_strided_slice %transpose3A {offsets = [72, 0], sizes = [8, 128], strides = [1, 1]} : vector<128x128xf32> to vector<8x128xf32>
    %add3A_54 = arith.addf %add3A_52, %slice3A_53 : vector<8x128xf32>
    %slice3A_55 = vector.extract_strided_slice %transpose3A {offsets = [80, 0], sizes = [8, 128], strides = [1, 1]} : vector<128x128xf32> to vector<8x128xf32>
    %add3A_56 = arith.addf %add3A_54, %slice3A_55 : vector<8x128xf32>
    %slice3A_57 = vector.extract_strided_slice %transpose3A {offsets = [88, 0], sizes = [8, 128], strides = [1, 1]} : vector<128x128xf32> to vector<8x128xf32>
    %add3A_58 = arith.addf %add3A_56, %slice3A_57 : vector<8x128xf32>
    %slice3A_59 = vector.extract_strided_slice %transpose3A {offsets = [96, 0], sizes = [8, 128], strides = [1, 1]} : vector<128x128xf32> to vector<8x128xf32>
    %add3A_60 = arith.addf %add3A_58, %slice3A_59 : vector<8x128xf32>
    %slice3A_61 = vector.extract_strided_slice %transpose3A {offsets = [104, 0], sizes = [8, 128], strides = [1, 1]} : vector<128x128xf32> to vector<8x128xf32>
    %add3A_62 = arith.addf %add3A_60, %slice3A_61 : vector<8x128xf32>
    %slice3A_63 = vector.extract_strided_slice %transpose3A {offsets = [112, 0], sizes = [8, 128], strides = [1, 1]} : vector<128x128xf32> to vector<8x128xf32>
    %add3A_64 = arith.addf %add3A_62, %slice3A_63 : vector<8x128xf32>
    %slice3A_65 = vector.extract_strided_slice %transpose3A {offsets = [120, 0], sizes = [8, 128], strides = [1, 1]} : vector<128x128xf32> to vector<8x128xf32>
    %add3A_66 = arith.addf %add3A_64, %slice3A_65 : vector<8x128xf32>
    %slice3A_67 = vector.extract_strided_slice %add3A_66 {offsets = [0, 0], sizes = [4, 128], strides = [1, 1]} : vector<8x128xf32> to vector<4x128xf32>
    %slice3A_68 = vector.extract_strided_slice %add3A_66 {offsets = [4, 0], sizes = [4, 128], strides = [1, 1]} : vector<8x128xf32> to vector<4x128xf32>
    %add3A_69 = arith.addf %slice3A_67, %slice3A_68 : vector<4x128xf32>
    %slice3A_70 = vector.extract_strided_slice %add3A_69 {offsets = [0, 0], sizes = [2, 128], strides = [1, 1]} : vector<4x128xf32> to vector<2x128xf32>
    %slice3A_71 = vector.extract_strided_slice %add3A_69 {offsets = [2, 0], sizes = [2, 128], strides = [1, 1]} : vector<4x128xf32> to vector<2x128xf32>
    %add3A_72 = arith.addf %slice3A_70, %slice3A_71 : vector<2x128xf32>
    %slice3A_73 = vector.extract_strided_slice %add3A_72 {offsets = [0, 0], sizes = [1, 128], strides = [1, 1]} : vector<2x128xf32> to vector<1x128xf32>
    %slice3A_74 = vector.extract_strided_slice %add3A_72 {offsets = [1, 0], sizes = [1, 128], strides = [1, 1]} : vector<2x128xf32> to vector<1x128xf32>
    %add3A_75 = arith.addf %slice3A_73, %slice3A_74 : vector<1x128xf32>
    %slice3A_76 = vector.extract_strided_slice %mul3A {offsets = [0, 128], sizes = [128, 128], strides = [1, 1]} : vector<128x384xf32> to vector<128x128xf32>
    %transpose3A_77 = tpu.transpose %slice3A_76, [1, 0] : vector<128x128xf32> -> vector<128x128xf32>
    %slice3A_78 = vector.extract_strided_slice %transpose3A_77 {offsets = [0, 0], sizes = [8, 128], strides = [1, 1]} : vector<128x128xf32> to vector<8x128xf32>
    %slice3A_79 = vector.extract_strided_slice %transpose3A_77 {offsets = [8, 0], sizes = [8, 128], strides = [1, 1]} : vector<128x128xf32> to vector<8x128xf32>
    %add3A_80 = arith.addf %slice3A_78, %slice3A_79 : vector<8x128xf32>
    %slice3A_81 = vector.extract_strided_slice %transpose3A_77 {offsets = [16, 0], sizes = [8, 128], strides = [1, 1]} : vector<128x128xf32> to vector<8x128xf32>
    %add3A_82 = arith.addf %add3A_80, %slice3A_81 : vector<8x128xf32>
    %slice3A_83 = vector.extract_strided_slice %transpose3A_77 {offsets = [24, 0], sizes = [8, 128], strides = [1, 1]} : vector<128x128xf32> to vector<8x128xf32>
    %add3A_84 = arith.addf %add3A_82, %slice3A_83 : vector<8x128xf32>
    %slice3A_85 = vector.extract_strided_slice %transpose3A_77 {offsets = [32, 0], sizes = [8, 128], strides = [1, 1]} : vector<128x128xf32> to vector<8x128xf32>
    %add3A_86 = arith.addf %add3A_84, %slice3A_85 : vector<8x128xf32>
    %slice3A_87 = vector.extract_strided_slice %transpose3A_77 {offsets = [40, 0], sizes = [8, 128], strides = [1, 1]} : vector<128x128xf32> to vector<8x128xf32>
    %add3A_88 = arith.addf %add3A_86, %slice3A_87 : vector<8x128xf32>
    %slice3A_89 = vector.extract_strided_slice %transpose3A_77 {offsets = [48, 0], sizes = [8, 128], strides = [1, 1]} : vector<128x128xf32> to vector<8x128xf32>
    %add3A_90 = arith.addf %add3A_88, %slice3A_89 : vector<8x128xf32>
    %slice3A_91 = vector.extract_strided_slice %transpose3A_77 {offsets = [56, 0], sizes = [8, 128], strides = [1, 1]} : vector<128x128xf32> to vector<8x128xf32>
    %add3A_92 = arith.addf %add3A_90, %slice3A_91 : vector<8x128xf32>
    %slice3A_93 = vector.extract_strided_slice %transpose3A_77 {offsets = [64, 0], sizes = [8, 128], strides = [1, 1]} : vector<128x128xf32> to vector<8x128xf32>
    %add3A_94 = arith.addf %add3A_92, %slice3A_93 : vector<8x128xf32>
    %slice3A_95 = vector.extract_strided_slice %transpose3A_77 {offsets = [72, 0], sizes = [8, 128], strides = [1, 1]} : vector<128x128xf32> to vector<8x128xf32>
    %add3A_96 = arith.addf %add3A_94, %slice3A_95 : vector<8x128xf32>
    %slice3A_97 = vector.extract_strided_slice %transpose3A_77 {offsets = [80, 0], sizes = [8, 128], strides = [1, 1]} : vector<128x128xf32> to vector<8x128xf32>
    %add3A_98 = arith.addf %add3A_96, %slice3A_97 : vector<8x128xf32>
    %slice3A_99 = vector.extract_strided_slice %transpose3A_77 {offsets = [88, 0], sizes = [8, 128], strides = [1, 1]} : vector<128x128xf32> to vector<8x128xf32>
    %add3A_100 = arith.addf %add3A_98, %slice3A_99 : vector<8x128xf32>
    %slice3A_101 = vector.extract_strided_slice %transpose3A_77 {offsets = [96, 0], sizes = [8, 128], strides = [1, 1]} : vector<128x128xf32> to vector<8x128xf32>
    %add3A_102 = arith.addf %add3A_100, %slice3A_101 : vector<8x128xf32>
    %slice3A_103 = vector.extract_strided_slice %transpose3A_77 {offsets = [104, 0], sizes = [8, 128], strides = [1, 1]} : vector<128x128xf32> to vector<8x128xf32>
    %add3A_104 = arith.addf %add3A_102, %slice3A_103 : vector<8x128xf32>
    %slice3A_105 = vector.extract_strided_slice %transpose3A_77 {offsets = [112, 0], sizes = [8, 128], strides = [1, 1]} : vector<128x128xf32> to vector<8x128xf32>
    %add3A_106 = arith.addf %add3A_104, %slice3A_105 : vector<8x128xf32>
    %slice3A_107 = vector.extract_strided_slice %transpose3A_77 {offsets = [120, 0], sizes = [8, 128], strides = [1, 1]} : vector<128x128xf32> to vector<8x128xf32>
    %add3A_108 = arith.addf %add3A_106, %slice3A_107 : vector<8x128xf32>
    %slice3A_109 = vector.extract_strided_slice %add3A_108 {offsets = [0, 0], sizes = [4, 128], strides = [1, 1]} : vector<8x128xf32> to vector<4x128xf32>
    %slice3A_110 = vector.extract_strided_slice %add3A_108 {offsets = [4, 0], sizes = [4, 128], strides = [1, 1]} : vector<8x128xf32> to vector<4x128xf32>
    %add3A_111 = arith.addf %slice3A_109, %slice3A_110 : vector<4x128xf32>
    %slice3A_112 = vector.extract_strided_slice %add3A_111 {offsets = [0, 0], sizes = [2, 128], strides = [1, 1]} : vector<4x128xf32> to vector<2x128xf32>
    %slice3A_113 = vector.extract_strided_slice %add3A_111 {offsets = [2, 0], sizes = [2, 128], strides = [1, 1]} : vector<4x128xf32> to vector<2x128xf32>
    %add3A_114 = arith.addf %slice3A_112, %slice3A_113 : vector<2x128xf32>
    %slice3A_115 = vector.extract_strided_slice %add3A_114 {offsets = [0, 0], sizes = [1, 128], strides = [1, 1]} : vector<2x128xf32> to vector<1x128xf32>
    %slice3A_116 = vector.extract_strided_slice %add3A_114 {offsets = [1, 0], sizes = [1, 128], strides = [1, 1]} : vector<2x128xf32> to vector<1x128xf32>
    %add3A_117 = arith.addf %slice3A_115, %slice3A_116 : vector<1x128xf32>
    %slice3A_118 = vector.extract_strided_slice %mul3A {offsets = [0, 256], sizes = [128, 128], strides = [1, 1]} : vector<128x384xf32> to vector<128x128xf32>
    %transpose3A_119 = tpu.transpose %slice3A_118, [1, 0] : vector<128x128xf32> -> vector<128x128xf32>
    %slice3A_120 = vector.extract_strided_slice %transpose3A_119 {offsets = [0, 0], sizes = [8, 128], strides = [1, 1]} : vector<128x128xf32> to vector<8x128xf32>
    %slice3A_121 = vector.extract_strided_slice %transpose3A_119 {offsets = [8, 0], sizes = [8, 128], strides = [1, 1]} : vector<128x128xf32> to vector<8x128xf32>
    %add3A_122 = arith.addf %slice3A_120, %slice3A_121 : vector<8x128xf32>
    %slice3A_123 = vector.extract_strided_slice %transpose3A_119 {offsets = [16, 0], sizes = [8, 128], strides = [1, 1]} : vector<128x128xf32> to vector<8x128xf32>
    %add3A_124 = arith.addf %add3A_122, %slice3A_123 : vector<8x128xf32>
    %slice3A_125 = vector.extract_strided_slice %transpose3A_119 {offsets = [24, 0], sizes = [8, 128], strides = [1, 1]} : vector<128x128xf32> to vector<8x128xf32>
    %add3A_126 = arith.addf %add3A_124, %slice3A_125 : vector<8x128xf32>
    %slice3A_127 = vector.extract_strided_slice %transpose3A_119 {offsets = [32, 0], sizes = [8, 128], strides = [1, 1]} : vector<128x128xf32> to vector<8x128xf32>
    %add3A_128 = arith.addf %add3A_126, %slice3A_127 : vector<8x128xf32>
    %slice3A_129 = vector.extract_strided_slice %transpose3A_119 {offsets = [40, 0], sizes = [8, 128], strides = [1, 1]} : vector<128x128xf32> to vector<8x128xf32>
    %add3A_130 = arith.addf %add3A_128, %slice3A_129 : vector<8x128xf32>
    %slice3A_131 = vector.extract_strided_slice %transpose3A_119 {offsets = [48, 0], sizes = [8, 128], strides = [1, 1]} : vector<128x128xf32> to vector<8x128xf32>
    %add3A_132 = arith.addf %add3A_130, %slice3A_131 : vector<8x128xf32>
    %slice3A_133 = vector.extract_strided_slice %transpose3A_119 {offsets = [56, 0], sizes = [8, 128], strides = [1, 1]} : vector<128x128xf32> to vector<8x128xf32>
    %add3A_134 = arith.addf %add3A_132, %slice3A_133 : vector<8x128xf32>
    %slice3A_135 = vector.extract_strided_slice %transpose3A_119 {offsets = [64, 0], sizes = [8, 128], strides = [1, 1]} : vector<128x128xf32> to vector<8x128xf32>
    %add3A_136 = arith.addf %add3A_134, %slice3A_135 : vector<8x128xf32>
    %slice3A_137 = vector.extract_strided_slice %transpose3A_119 {offsets = [72, 0], sizes = [8, 128], strides = [1, 1]} : vector<128x128xf32> to vector<8x128xf32>
    %add3A_138 = arith.addf %add3A_136, %slice3A_137 : vector<8x128xf32>
    %slice3A_139 = vector.extract_strided_slice %transpose3A_119 {offsets = [80, 0], sizes = [8, 128], strides = [1, 1]} : vector<128x128xf32> to vector<8x128xf32>
    %add3A_140 = arith.addf %add3A_138, %slice3A_139 : vector<8x128xf32>
    %slice3A_141 = vector.extract_strided_slice %transpose3A_119 {offsets = [88, 0], sizes = [8, 128], strides = [1, 1]} : vector<128x128xf32> to vector<8x128xf32>
    %add3A_142 = arith.addf %add3A_140, %slice3A_141 : vector<8x128xf32>
    %slice3A_143 = vector.extract_strided_slice %transpose3A_119 {offsets = [96, 0], sizes = [8, 128], strides = [1, 1]} : vector<128x128xf32> to vector<8x128xf32>
    %add3A_144 = arith.addf %add3A_142, %slice3A_143 : vector<8x128xf32>
    %slice3A_145 = vector.extract_strided_slice %transpose3A_119 {offsets = [104, 0], sizes = [8, 128], strides = [1, 1]} : vector<128x128xf32> to vector<8x128xf32>
    %add3A_146 = arith.addf %add3A_144, %slice3A_145 : vector<8x128xf32>
    %slice3A_147 = vector.extract_strided_slice %transpose3A_119 {offsets = [112, 0], sizes = [8, 128], strides = [1, 1]} : vector<128x128xf32> to vector<8x128xf32>
    %add3A_148 = arith.addf %add3A_146, %slice3A_147 : vector<8x128xf32>
    %slice3A_149 = vector.extract_strided_slice %transpose3A_119 {offsets = [120, 0], sizes = [8, 128], strides = [1, 1]} : vector<128x128xf32> to vector<8x128xf32>
    %add3A_150 = arith.addf %add3A_148, %slice3A_149 : vector<8x128xf32>
    %slice3A_151 = vector.extract_strided_slice %add3A_150 {offsets = [0, 0], sizes = [4, 128], strides = [1, 1]} : vector<8x128xf32> to vector<4x128xf32>
    %slice3A_152 = vector.extract_strided_slice %add3A_150 {offsets = [4, 0], sizes = [4, 128], strides = [1, 1]} : vector<8x128xf32> to vector<4x128xf32>
    %add3A_153 = arith.addf %slice3A_151, %slice3A_152 : vector<4x128xf32>
    %slice3A_154 = vector.extract_strided_slice %add3A_153 {offsets = [0, 0], sizes = [2, 128], strides = [1, 1]} : vector<4x128xf32> to vector<2x128xf32>
    %slice3A_155 = vector.extract_strided_slice %add3A_153 {offsets = [2, 0], sizes = [2, 128], strides = [1, 1]} : vector<4x128xf32> to vector<2x128xf32>
    %add3A_156 = arith.addf %slice3A_154, %slice3A_155 : vector<2x128xf32>
    %slice3A_157 = vector.extract_strided_slice %add3A_156 {offsets = [0, 0], sizes = [1, 128], strides = [1, 1]} : vector<2x128xf32> to vector<1x128xf32>
    %slice3A_158 = vector.extract_strided_slice %add3A_156 {offsets = [1, 0], sizes = [1, 128], strides = [1, 1]} : vector<2x128xf32> to vector<1x128xf32>
    %add3A_159 = arith.addf %slice3A_157, %slice3A_158 : vector<1x128xf32>
    %add3A_160 = arith.addf %add3A_75, %add3A_117 : vector<1x128xf32>
    %add3A_161 = arith.addf %add3A_160, %add3A_159 : vector<1x128xf32>
    %get3A_162 = arith.constant 0 : index
    %get3A_163 = arith.constant 128 : index
    %get3A_164 = arith.constant 0 : index
    %get3A_165 = vector.load %arg1[%get3A_162, %get3A_163, %get3A_164] : memref<1x1024x384xf32, #tpu.memory_space<vmem>>, vector<1x128x384xf32>
    %get3A_166 = vector.shape_cast %get3A_165 : vector<1x128x384xf32> to vector<128x384xf32>
    %slice3A_167 = vector.extract_strided_slice %get3A_166 {offsets = [0, 0], sizes = [8, 384], strides = [1, 1]} : vector<128x384xf32> to vector<8x384xf32>
    %add3A_168 = arith.addf %add3A_34, %slice3A_167 : vector<8x384xf32>
    %slice3A_169 = vector.extract_strided_slice %get3A_166 {offsets = [8, 0], sizes = [8, 384], strides = [1, 1]} : vector<128x384xf32> to vector<8x384xf32>
    %add3A_170 = arith.addf %add3A_168, %slice3A_169 : vector<8x384xf32>
    %slice3A_171 = vector.extract_strided_slice %get3A_166 {offsets = [16, 0], sizes = [8, 384], strides = [1, 1]} : vector<128x384xf32> to vector<8x384xf32>
    %add3A_172 = arith.addf %add3A_170, %slice3A_171 : vector<8x384xf32>
    %slice3A_173 = vector.extract_strided_slice %get3A_166 {offsets = [24, 0], sizes = [8, 384], strides = [1, 1]} : vector<128x384xf32> to vector<8x384xf32>
    %add3A_174 = arith.addf %add3A_172, %slice3A_173 : vector<8x384xf32>
    %slice3A_175 = vector.extract_strided_slice %get3A_166 {offsets = [32, 0], sizes = [8, 384], strides = [1, 1]} : vector<128x384xf32> to vector<8x384xf32>
    %add3A_176 = arith.addf %add3A_174, %slice3A_175 : vector<8x384xf32>
    %slice3A_177 = vector.extract_strided_slice %get3A_166 {offsets = [40, 0], sizes = [8, 384], strides = [1, 1]} : vector<128x384xf32> to vector<8x384xf32>
    %add3A_178 = arith.addf %add3A_176, %slice3A_177 : vector<8x384xf32>
    %slice3A_179 = vector.extract_strided_slice %get3A_166 {offsets = [48, 0], sizes = [8, 384], strides = [1, 1]} : vector<128x384xf32> to vector<8x384xf32>
    %add3A_180 = arith.addf %add3A_178, %slice3A_179 : vector<8x384xf32>
    %slice3A_181 = vector.extract_strided_slice %get3A_166 {offsets = [56, 0], sizes = [8, 384], strides = [1, 1]} : vector<128x384xf32> to vector<8x384xf32>
    %add3A_182 = arith.addf %add3A_180, %slice3A_181 : vector<8x384xf32>
    %slice3A_183 = vector.extract_strided_slice %get3A_166 {offsets = [64, 0], sizes = [8, 384], strides = [1, 1]} : vector<128x384xf32> to vector<8x384xf32>
    %add3A_184 = arith.addf %add3A_182, %slice3A_183 : vector<8x384xf32>
    %slice3A_185 = vector.extract_strided_slice %get3A_166 {offsets = [72, 0], sizes = [8, 384], strides = [1, 1]} : vector<128x384xf32> to vector<8x384xf32>
    %add3A_186 = arith.addf %add3A_184, %slice3A_185 : vector<8x384xf32>
    %slice3A_187 = vector.extract_strided_slice %get3A_166 {offsets = [80, 0], sizes = [8, 384], strides = [1, 1]} : vector<128x384xf32> to vector<8x384xf32>
    %add3A_188 = arith.addf %add3A_186, %slice3A_187 : vector<8x384xf32>
    %slice3A_189 = vector.extract_strided_slice %get3A_166 {offsets = [88, 0], sizes = [8, 384], strides = [1, 1]} : vector<128x384xf32> to vector<8x384xf32>
    %add3A_190 = arith.addf %add3A_188, %slice3A_189 : vector<8x384xf32>
    %slice3A_191 = vector.extract_strided_slice %get3A_166 {offsets = [96, 0], sizes = [8, 384], strides = [1, 1]} : vector<128x384xf32> to vector<8x384xf32>
    %add3A_192 = arith.addf %add3A_190, %slice3A_191 : vector<8x384xf32>
    %slice3A_193 = vector.extract_strided_slice %get3A_166 {offsets = [104, 0], sizes = [8, 384], strides = [1, 1]} : vector<128x384xf32> to vector<8x384xf32>
    %add3A_194 = arith.addf %add3A_192, %slice3A_193 : vector<8x384xf32>
    %slice3A_195 = vector.extract_strided_slice %get3A_166 {offsets = [112, 0], sizes = [8, 384], strides = [1, 1]} : vector<128x384xf32> to vector<8x384xf32>
    %add3A_196 = arith.addf %add3A_194, %slice3A_195 : vector<8x384xf32>
    %slice3A_197 = vector.extract_strided_slice %get3A_166 {offsets = [120, 0], sizes = [8, 384], strides = [1, 1]} : vector<128x384xf32> to vector<8x384xf32>
    %add3A_198 = arith.addf %add3A_196, %slice3A_197 : vector<8x384xf32>
    %mul3A_199 = arith.mulf %get3A_166, %get3A_166 : vector<128x384xf32>
    %slice3A_200 = vector.extract_strided_slice %mul3A_199 {offsets = [0, 0], sizes = [128, 128], strides = [1, 1]} : vector<128x384xf32> to vector<128x128xf32>
    %transpose3A_201 = tpu.transpose %slice3A_200, [1, 0] : vector<128x128xf32> -> vector<128x128xf32>
    %slice3A_202 = vector.extract_strided_slice %transpose3A_201 {offsets = [0, 0], sizes = [8, 128], strides = [1, 1]} : vector<128x128xf32> to vector<8x128xf32>
    %slice3A_203 = vector.extract_strided_slice %transpose3A_201 {offsets = [8, 0], sizes = [8, 128], strides = [1, 1]} : vector<128x128xf32> to vector<8x128xf32>
    %add3A_204 = arith.addf %slice3A_202, %slice3A_203 : vector<8x128xf32>
    %slice3A_205 = vector.extract_strided_slice %transpose3A_201 {offsets = [16, 0], sizes = [8, 128], strides = [1, 1]} : vector<128x128xf32> to vector<8x128xf32>
    %add3A_206 = arith.addf %add3A_204, %slice3A_205 : vector<8x128xf32>
    %slice3A_207 = vector.extract_strided_slice %transpose3A_201 {offsets = [24, 0], sizes = [8, 128], strides = [1, 1]} : vector<128x128xf32> to vector<8x128xf32>
    %add3A_208 = arith.addf %add3A_206, %slice3A_207 : vector<8x128xf32>
    %slice3A_209 = vector.extract_strided_slice %transpose3A_201 {offsets = [32, 0], sizes = [8, 128], strides = [1, 1]} : vector<128x128xf32> to vector<8x128xf32>
    %add3A_210 = arith.addf %add3A_208, %slice3A_209 : vector<8x128xf32>
    %slice3A_211 = vector.extract_strided_slice %transpose3A_201 {offsets = [40, 0], sizes = [8, 128], strides = [1, 1]} : vector<128x128xf32> to vector<8x128xf32>
    %add3A_212 = arith.addf %add3A_210, %slice3A_211 : vector<8x128xf32>
    %slice3A_213 = vector.extract_strided_slice %transpose3A_201 {offsets = [48, 0], sizes = [8, 128], strides = [1, 1]} : vector<128x128xf32> to vector<8x128xf32>
    %add3A_214 = arith.addf %add3A_212, %slice3A_213 : vector<8x128xf32>
    %slice3A_215 = vector.extract_strided_slice %transpose3A_201 {offsets = [56, 0], sizes = [8, 128], strides = [1, 1]} : vector<128x128xf32> to vector<8x128xf32>
    %add3A_216 = arith.addf %add3A_214, %slice3A_215 : vector<8x128xf32>
    %slice3A_217 = vector.extract_strided_slice %transpose3A_201 {offsets = [64, 0], sizes = [8, 128], strides = [1, 1]} : vector<128x128xf32> to vector<8x128xf32>
    %add3A_218 = arith.addf %add3A_216, %slice3A_217 : vector<8x128xf32>
    %slice3A_219 = vector.extract_strided_slice %transpose3A_201 {offsets = [72, 0], sizes = [8, 128], strides = [1, 1]} : vector<128x128xf32> to vector<8x128xf32>
    %add3A_220 = arith.addf %add3A_218, %slice3A_219 : vector<8x128xf32>
    %slice3A_221 = vector.extract_strided_slice %transpose3A_201 {offsets = [80, 0], sizes = [8, 128], strides = [1, 1]} : vector<128x128xf32> to vector<8x128xf32>
    %add3A_222 = arith.addf %add3A_220, %slice3A_221 : vector<8x128xf32>
    %slice3A_223 = vector.extract_strided_slice %transpose3A_201 {offsets = [88, 0], sizes = [8, 128], strides = [1, 1]} : vector<128x128xf32> to vector<8x128xf32>
    %add3A_224 = arith.addf %add3A_222, %slice3A_223 : vector<8x128xf32>
    %slice3A_225 = vector.extract_strided_slice %transpose3A_201 {offsets = [96, 0], sizes = [8, 128], strides = [1, 1]} : vector<128x128xf32> to vector<8x128xf32>
    %add3A_226 = arith.addf %add3A_224, %slice3A_225 : vector<8x128xf32>
    %slice3A_227 = vector.extract_strided_slice %transpose3A_201 {offsets = [104, 0], sizes = [8, 128], strides = [1, 1]} : vector<128x128xf32> to vector<8x128xf32>
    %add3A_228 = arith.addf %add3A_226, %slice3A_227 : vector<8x128xf32>
    %slice3A_229 = vector.extract_strided_slice %transpose3A_201 {offsets = [112, 0], sizes = [8, 128], strides = [1, 1]} : vector<128x128xf32> to vector<8x128xf32>
    %add3A_230 = arith.addf %add3A_228, %slice3A_229 : vector<8x128xf32>
    %slice3A_231 = vector.extract_strided_slice %transpose3A_201 {offsets = [120, 0], sizes = [8, 128], strides = [1, 1]} : vector<128x128xf32> to vector<8x128xf32>
    %add3A_232 = arith.addf %add3A_230, %slice3A_231 : vector<8x128xf32>
    %slice3A_233 = vector.extract_strided_slice %add3A_232 {offsets = [0, 0], sizes = [4, 128], strides = [1, 1]} : vector<8x128xf32> to vector<4x128xf32>
    %slice3A_234 = vector.extract_strided_slice %add3A_232 {offsets = [4, 0], sizes = [4, 128], strides = [1, 1]} : vector<8x128xf32> to vector<4x128xf32>
    %add3A_235 = arith.addf %slice3A_233, %slice3A_234 : vector<4x128xf32>
    %slice3A_236 = vector.extract_strided_slice %add3A_235 {offsets = [0, 0], sizes = [2, 128], strides = [1, 1]} : vector<4x128xf32> to vector<2x128xf32>
    %slice3A_237 = vector.extract_strided_slice %add3A_235 {offsets = [2, 0], sizes = [2, 128], strides = [1, 1]} : vector<4x128xf32> to vector<2x128xf32>
    %add3A_238 = arith.addf %slice3A_236, %slice3A_237 : vector<2x128xf32>
    %slice3A_239 = vector.extract_strided_slice %add3A_238 {offsets = [0, 0], sizes = [1, 128], strides = [1, 1]} : vector<2x128xf32> to vector<1x128xf32>
    %slice3A_240 = vector.extract_strided_slice %add3A_238 {offsets = [1, 0], sizes = [1, 128], strides = [1, 1]} : vector<2x128xf32> to vector<1x128xf32>
    %add3A_241 = arith.addf %slice3A_239, %slice3A_240 : vector<1x128xf32>
    %slice3A_242 = vector.extract_strided_slice %mul3A_199 {offsets = [0, 128], sizes = [128, 128], strides = [1, 1]} : vector<128x384xf32> to vector<128x128xf32>
    %transpose3A_243 = tpu.transpose %slice3A_242, [1, 0] : vector<128x128xf32> -> vector<128x128xf32>
    %slice3A_244 = vector.extract_strided_slice %transpose3A_243 {offsets = [0, 0], sizes = [8, 128], strides = [1, 1]} : vector<128x128xf32> to vector<8x128xf32>
    %slice3A_245 = vector.extract_strided_slice %transpose3A_243 {offsets = [8, 0], sizes = [8, 128], strides = [1, 1]} : vector<128x128xf32> to vector<8x128xf32>
    %add3A_246 = arith.addf %slice3A_244, %slice3A_245 : vector<8x128xf32>
    %slice3A_247 = vector.extract_strided_slice %transpose3A_243 {offsets = [16, 0], sizes = [8, 128], strides = [1, 1]} : vector<128x128xf32> to vector<8x128xf32>
    %add3A_248 = arith.addf %add3A_246, %slice3A_247 : vector<8x128xf32>
    %slice3A_249 = vector.extract_strided_slice %transpose3A_243 {offsets = [24, 0], sizes = [8, 128], strides = [1, 1]} : vector<128x128xf32> to vector<8x128xf32>
    %add3A_250 = arith.addf %add3A_248, %slice3A_249 : vector<8x128xf32>
    %slice3A_251 = vector.extract_strided_slice %transpose3A_243 {offsets = [32, 0], sizes = [8, 128], strides = [1, 1]} : vector<128x128xf32> to vector<8x128xf32>
    %add3A_252 = arith.addf %add3A_250, %slice3A_251 : vector<8x128xf32>
    %slice3A_253 = vector.extract_strided_slice %transpose3A_243 {offsets = [40, 0], sizes = [8, 128], strides = [1, 1]} : vector<128x128xf32> to vector<8x128xf32>
    %add3A_254 = arith.addf %add3A_252, %slice3A_253 : vector<8x128xf32>
    %slice3A_255 = vector.extract_strided_slice %transpose3A_243 {offsets = [48, 0], sizes = [8, 128], strides = [1, 1]} : vector<128x128xf32> to vector<8x128xf32>
    %add3A_256 = arith.addf %add3A_254, %slice3A_255 : vector<8x128xf32>
    %slice3A_257 = vector.extract_strided_slice %transpose3A_243 {offsets = [56, 0], sizes = [8, 128], strides = [1, 1]} : vector<128x128xf32> to vector<8x128xf32>
    %add3A_258 = arith.addf %add3A_256, %slice3A_257 : vector<8x128xf32>
    %slice3A_259 = vector.extract_strided_slice %transpose3A_243 {offsets = [64, 0], sizes = [8, 128], strides = [1, 1]} : vector<128x128xf32> to vector<8x128xf32>
    %add3A_260 = arith.addf %add3A_258, %slice3A_259 : vector<8x128xf32>
    %slice3A_261 = vector.extract_strided_slice %transpose3A_243 {offsets = [72, 0], sizes = [8, 128], strides = [1, 1]} : vector<128x128xf32> to vector<8x128xf32>
    %add3A_262 = arith.addf %add3A_260, %slice3A_261 : vector<8x128xf32>
    %slice3A_263 = vector.extract_strided_slice %transpose3A_243 {offsets = [80, 0], sizes = [8, 128], strides = [1, 1]} : vector<128x128xf32> to vector<8x128xf32>
    %add3A_264 = arith.addf %add3A_262, %slice3A_263 : vector<8x128xf32>
    %slice3A_265 = vector.extract_strided_slice %transpose3A_243 {offsets = [88, 0], sizes = [8, 128], strides = [1, 1]} : vector<128x128xf32> to vector<8x128xf32>
    %add3A_266 = arith.addf %add3A_264, %slice3A_265 : vector<8x128xf32>
    %slice3A_267 = vector.extract_strided_slice %transpose3A_243 {offsets = [96, 0], sizes = [8, 128], strides = [1, 1]} : vector<128x128xf32> to vector<8x128xf32>
    %add3A_268 = arith.addf %add3A_266, %slice3A_267 : vector<8x128xf32>
    %slice3A_269 = vector.extract_strided_slice %transpose3A_243 {offsets = [104, 0], sizes = [8, 128], strides = [1, 1]} : vector<128x128xf32> to vector<8x128xf32>
    %add3A_270 = arith.addf %add3A_268, %slice3A_269 : vector<8x128xf32>
    %slice3A_271 = vector.extract_strided_slice %transpose3A_243 {offsets = [112, 0], sizes = [8, 128], strides = [1, 1]} : vector<128x128xf32> to vector<8x128xf32>
    %add3A_272 = arith.addf %add3A_270, %slice3A_271 : vector<8x128xf32>
    %slice3A_273 = vector.extract_strided_slice %transpose3A_243 {offsets = [120, 0], sizes = [8, 128], strides = [1, 1]} : vector<128x128xf32> to vector<8x128xf32>
    %add3A_274 = arith.addf %add3A_272, %slice3A_273 : vector<8x128xf32>
    %slice3A_275 = vector.extract_strided_slice %add3A_274 {offsets = [0, 0], sizes = [4, 128], strides = [1, 1]} : vector<8x128xf32> to vector<4x128xf32>
    %slice3A_276 = vector.extract_strided_slice %add3A_274 {offsets = [4, 0], sizes = [4, 128], strides = [1, 1]} : vector<8x128xf32> to vector<4x128xf32>
    %add3A_277 = arith.addf %slice3A_275, %slice3A_276 : vector<4x128xf32>
    %slice3A_278 = vector.extract_strided_slice %add3A_277 {offsets = [0, 0], sizes = [2, 128], strides = [1, 1]} : vector<4x128xf32> to vector<2x128xf32>
    %slice3A_279 = vector.extract_strided_slice %add3A_277 {offsets = [2, 0], sizes = [2, 128], strides = [1, 1]} : vector<4x128xf32> to vector<2x128xf32>
    %add3A_280 = arith.addf %slice3A_278, %slice3A_279 : vector<2x128xf32>
    %slice3A_281 = vector.extract_strided_slice %add3A_280 {offsets = [0, 0], sizes = [1, 128], strides = [1, 1]} : vector<2x128xf32> to vector<1x128xf32>
    %slice3A_282 = vector.extract_strided_slice %add3A_280 {offsets = [1, 0], sizes = [1, 128], strides = [1, 1]} : vector<2x128xf32> to vector<1x128xf32>
    %add3A_283 = arith.addf %slice3A_281, %slice3A_282 : vector<1x128xf32>
    %slice3A_284 = vector.extract_strided_slice %mul3A_199 {offsets = [0, 256], sizes = [128, 128], strides = [1, 1]} : vector<128x384xf32> to vector<128x128xf32>
    %transpose3A_285 = tpu.transpose %slice3A_284, [1, 0] : vector<128x128xf32> -> vector<128x128xf32>
    %slice3A_286 = vector.extract_strided_slice %transpose3A_285 {offsets = [0, 0], sizes = [8, 128], strides = [1, 1]} : vector<128x128xf32> to vector<8x128xf32>
    %slice3A_287 = vector.extract_strided_slice %transpose3A_285 {offsets = [8, 0], sizes = [8, 128], strides = [1, 1]} : vector<128x128xf32> to vector<8x128xf32>
    %add3A_288 = arith.addf %slice3A_286, %slice3A_287 : vector<8x128xf32>
    %slice3A_289 = vector.extract_strided_slice %transpose3A_285 {offsets = [16, 0], sizes = [8, 128], strides = [1, 1]} : vector<128x128xf32> to vector<8x128xf32>
    %add3A_290 = arith.addf %add3A_288, %slice3A_289 : vector<8x128xf32>
    %slice3A_291 = vector.extract_strided_slice %transpose3A_285 {offsets = [24, 0], sizes = [8, 128], strides = [1, 1]} : vector<128x128xf32> to vector<8x128xf32>
    %add3A_292 = arith.addf %add3A_290, %slice3A_291 : vector<8x128xf32>
    %slice3A_293 = vector.extract_strided_slice %transpose3A_285 {offsets = [32, 0], sizes = [8, 128], strides = [1, 1]} : vector<128x128xf32> to vector<8x128xf32>
    %add3A_294 = arith.addf %add3A_292, %slice3A_293 : vector<8x128xf32>
    %slice3A_295 = vector.extract_strided_slice %transpose3A_285 {offsets = [40, 0], sizes = [8, 128], strides = [1, 1]} : vector<128x128xf32> to vector<8x128xf32>
    %add3A_296 = arith.addf %add3A_294, %slice3A_295 : vector<8x128xf32>
    %slice3A_297 = vector.extract_strided_slice %transpose3A_285 {offsets = [48, 0], sizes = [8, 128], strides = [1, 1]} : vector<128x128xf32> to vector<8x128xf32>
    %add3A_298 = arith.addf %add3A_296, %slice3A_297 : vector<8x128xf32>
    %slice3A_299 = vector.extract_strided_slice %transpose3A_285 {offsets = [56, 0], sizes = [8, 128], strides = [1, 1]} : vector<128x128xf32> to vector<8x128xf32>
    %add3A_300 = arith.addf %add3A_298, %slice3A_299 : vector<8x128xf32>
    %slice3A_301 = vector.extract_strided_slice %transpose3A_285 {offsets = [64, 0], sizes = [8, 128], strides = [1, 1]} : vector<128x128xf32> to vector<8x128xf32>
    %add3A_302 = arith.addf %add3A_300, %slice3A_301 : vector<8x128xf32>
    %slice3A_303 = vector.extract_strided_slice %transpose3A_285 {offsets = [72, 0], sizes = [8, 128], strides = [1, 1]} : vector<128x128xf32> to vector<8x128xf32>
    %add3A_304 = arith.addf %add3A_302, %slice3A_303 : vector<8x128xf32>
    %slice3A_305 = vector.extract_strided_slice %transpose3A_285 {offsets = [80, 0], sizes = [8, 128], strides = [1, 1]} : vector<128x128xf32> to vector<8x128xf32>
    %add3A_306 = arith.addf %add3A_304, %slice3A_305 : vector<8x128xf32>
    %slice3A_307 = vector.extract_strided_slice %transpose3A_285 {offsets = [88, 0], sizes = [8, 128], strides = [1, 1]} : vector<128x128xf32> to vector<8x128xf32>
    %add3A_308 = arith.addf %add3A_306, %slice3A_307 : vector<8x128xf32>
    %slice3A_309 = vector.extract_strided_slice %transpose3A_285 {offsets = [96, 0], sizes = [8, 128], strides = [1, 1]} : vector<128x128xf32> to vector<8x128xf32>
    %add3A_310 = arith.addf %add3A_308, %slice3A_309 : vector<8x128xf32>
    %slice3A_311 = vector.extract_strided_slice %transpose3A_285 {offsets = [104, 0], sizes = [8, 128], strides = [1, 1]} : vector<128x128xf32> to vector<8x128xf32>
    %add3A_312 = arith.addf %add3A_310, %slice3A_311 : vector<8x128xf32>
    %slice3A_313 = vector.extract_strided_slice %transpose3A_285 {offsets = [112, 0], sizes = [8, 128], strides = [1, 1]} : vector<128x128xf32> to vector<8x128xf32>
    %add3A_314 = arith.addf %add3A_312, %slice3A_313 : vector<8x128xf32>
    %slice3A_315 = vector.extract_strided_slice %transpose3A_285 {offsets = [120, 0], sizes = [8, 128], strides = [1, 1]} : vector<128x128xf32> to vector<8x128xf32>
    %add3A_316 = arith.addf %add3A_314, %slice3A_315 : vector<8x128xf32>
    %slice3A_317 = vector.extract_strided_slice %add3A_316 {offsets = [0, 0], sizes = [4, 128], strides = [1, 1]} : vector<8x128xf32> to vector<4x128xf32>
    %slice3A_318 = vector.extract_strided_slice %add3A_316 {offsets = [4, 0], sizes = [4, 128], strides = [1, 1]} : vector<8x128xf32> to vector<4x128xf32>
    %add3A_319 = arith.addf %slice3A_317, %slice3A_318 : vector<4x128xf32>
    %slice3A_320 = vector.extract_strided_slice %add3A_319 {offsets = [0, 0], sizes = [2, 128], strides = [1, 1]} : vector<4x128xf32> to vector<2x128xf32>
    %slice3A_321 = vector.extract_strided_slice %add3A_319 {offsets = [2, 0], sizes = [2, 128], strides = [1, 1]} : vector<4x128xf32> to vector<2x128xf32>
    %add3A_322 = arith.addf %slice3A_320, %slice3A_321 : vector<2x128xf32>
    %slice3A_323 = vector.extract_strided_slice %add3A_322 {offsets = [0, 0], sizes = [1, 128], strides = [1, 1]} : vector<2x128xf32> to vector<1x128xf32>
    %slice3A_324 = vector.extract_strided_slice %add3A_322 {offsets = [1, 0], sizes = [1, 128], strides = [1, 1]} : vector<2x128xf32> to vector<1x128xf32>
    %add3A_325 = arith.addf %slice3A_323, %slice3A_324 : vector<1x128xf32>
    %add3A_326 = arith.addf %add3A_241, %add3A_283 : vector<1x128xf32>
    %add3A_327 = arith.addf %add3A_326, %add3A_325 : vector<1x128xf32>
    %get3A_328 = arith.constant 0 : index
    %get3A_329 = arith.constant 256 : index
    %get3A_330 = arith.constant 0 : index
    %get3A_331 = vector.load %arg1[%get3A_328, %get3A_329, %get3A_330] : memref<1x1024x384xf32, #tpu.memory_space<vmem>>, vector<1x128x384xf32>
    %get3A_332 = vector.shape_cast %get3A_331 : vector<1x128x384xf32> to vector<128x384xf32>
    %slice3A_333 = vector.extract_strided_slice %get3A_332 {offsets = [0, 0], sizes = [8, 384], strides = [1, 1]} : vector<128x384xf32> to vector<8x384xf32>
    %add3A_334 = arith.addf %add3A_198, %slice3A_333 : vector<8x384xf32>
    %slice3A_335 = vector.extract_strided_slice %get3A_332 {offsets = [8, 0], sizes = [8, 384], strides = [1, 1]} : vector<128x384xf32> to vector<8x384xf32>
    %add3A_336 = arith.addf %add3A_334, %slice3A_335 : vector<8x384xf32>
    %slice3A_337 = vector.extract_strided_slice %get3A_332 {offsets = [16, 0], sizes = [8, 384], strides = [1, 1]} : vector<128x384xf32> to vector<8x384xf32>
    %add3A_338 = arith.addf %add3A_336, %slice3A_337 : vector<8x384xf32>
    %slice3A_339 = vector.extract_strided_slice %get3A_332 {offsets = [24, 0], sizes = [8, 384], strides = [1, 1]} : vector<128x384xf32> to vector<8x384xf32>
    %add3A_340 = arith.addf %add3A_338, %slice3A_339 : vector<8x384xf32>
    %slice3A_341 = vector.extract_strided_slice %get3A_332 {offsets = [32, 0], sizes = [8, 384], strides = [1, 1]} : vector<128x384xf32> to vector<8x384xf32>
    %add3A_342 = arith.addf %add3A_340, %slice3A_341 : vector<8x384xf32>
    %slice3A_343 = vector.extract_strided_slice %get3A_332 {offsets = [40, 0], sizes = [8, 384], strides = [1, 1]} : vector<128x384xf32> to vector<8x384xf32>
    %add3A_344 = arith.addf %add3A_342, %slice3A_343 : vector<8x384xf32>
    %slice3A_345 = vector.extract_strided_slice %get3A_332 {offsets = [48, 0], sizes = [8, 384], strides = [1, 1]} : vector<128x384xf32> to vector<8x384xf32>
    %add3A_346 = arith.addf %add3A_344, %slice3A_345 : vector<8x384xf32>
    %slice3A_347 = vector.extract_strided_slice %get3A_332 {offsets = [56, 0], sizes = [8, 384], strides = [1, 1]} : vector<128x384xf32> to vector<8x384xf32>
    %add3A_348 = arith.addf %add3A_346, %slice3A_347 : vector<8x384xf32>
    %slice3A_349 = vector.extract_strided_slice %get3A_332 {offsets = [64, 0], sizes = [8, 384], strides = [1, 1]} : vector<128x384xf32> to vector<8x384xf32>
    %add3A_350 = arith.addf %add3A_348, %slice3A_349 : vector<8x384xf32>
    %slice3A_351 = vector.extract_strided_slice %get3A_332 {offsets = [72, 0], sizes = [8, 384], strides = [1, 1]} : vector<128x384xf32> to vector<8x384xf32>
    %add3A_352 = arith.addf %add3A_350, %slice3A_351 : vector<8x384xf32>
    %slice3A_353 = vector.extract_strided_slice %get3A_332 {offsets = [80, 0], sizes = [8, 384], strides = [1, 1]} : vector<128x384xf32> to vector<8x384xf32>
    %add3A_354 = arith.addf %add3A_352, %slice3A_353 : vector<8x384xf32>
    %slice3A_355 = vector.extract_strided_slice %get3A_332 {offsets = [88, 0], sizes = [8, 384], strides = [1, 1]} : vector<128x384xf32> to vector<8x384xf32>
    %add3A_356 = arith.addf %add3A_354, %slice3A_355 : vector<8x384xf32>
    %slice3A_357 = vector.extract_strided_slice %get3A_332 {offsets = [96, 0], sizes = [8, 384], strides = [1, 1]} : vector<128x384xf32> to vector<8x384xf32>
    %add3A_358 = arith.addf %add3A_356, %slice3A_357 : vector<8x384xf32>
    %slice3A_359 = vector.extract_strided_slice %get3A_332 {offsets = [104, 0], sizes = [8, 384], strides = [1, 1]} : vector<128x384xf32> to vector<8x384xf32>
    %add3A_360 = arith.addf %add3A_358, %slice3A_359 : vector<8x384xf32>
    %slice3A_361 = vector.extract_strided_slice %get3A_332 {offsets = [112, 0], sizes = [8, 384], strides = [1, 1]} : vector<128x384xf32> to vector<8x384xf32>
    %add3A_362 = arith.addf %add3A_360, %slice3A_361 : vector<8x384xf32>
    %slice3A_363 = vector.extract_strided_slice %get3A_332 {offsets = [120, 0], sizes = [8, 384], strides = [1, 1]} : vector<128x384xf32> to vector<8x384xf32>
    %add3A_364 = arith.addf %add3A_362, %slice3A_363 : vector<8x384xf32>
    %mul3A_365 = arith.mulf %get3A_332, %get3A_332 : vector<128x384xf32>
    %slice3A_366 = vector.extract_strided_slice %mul3A_365 {offsets = [0, 0], sizes = [128, 128], strides = [1, 1]} : vector<128x384xf32> to vector<128x128xf32>
    %transpose3A_367 = tpu.transpose %slice3A_366, [1, 0] : vector<128x128xf32> -> vector<128x128xf32>
    %slice3A_368 = vector.extract_strided_slice %transpose3A_367 {offsets = [0, 0], sizes = [8, 128], strides = [1, 1]} : vector<128x128xf32> to vector<8x128xf32>
    %slice3A_369 = vector.extract_strided_slice %transpose3A_367 {offsets = [8, 0], sizes = [8, 128], strides = [1, 1]} : vector<128x128xf32> to vector<8x128xf32>
    %add3A_370 = arith.addf %slice3A_368, %slice3A_369 : vector<8x128xf32>
    %slice3A_371 = vector.extract_strided_slice %transpose3A_367 {offsets = [16, 0], sizes = [8, 128], strides = [1, 1]} : vector<128x128xf32> to vector<8x128xf32>
    %add3A_372 = arith.addf %add3A_370, %slice3A_371 : vector<8x128xf32>
    %slice3A_373 = vector.extract_strided_slice %transpose3A_367 {offsets = [24, 0], sizes = [8, 128], strides = [1, 1]} : vector<128x128xf32> to vector<8x128xf32>
    %add3A_374 = arith.addf %add3A_372, %slice3A_373 : vector<8x128xf32>
    %slice3A_375 = vector.extract_strided_slice %transpose3A_367 {offsets = [32, 0], sizes = [8, 128], strides = [1, 1]} : vector<128x128xf32> to vector<8x128xf32>
    %add3A_376 = arith.addf %add3A_374, %slice3A_375 : vector<8x128xf32>
    %slice3A_377 = vector.extract_strided_slice %transpose3A_367 {offsets = [40, 0], sizes = [8, 128], strides = [1, 1]} : vector<128x128xf32> to vector<8x128xf32>
    %add3A_378 = arith.addf %add3A_376, %slice3A_377 : vector<8x128xf32>
    %slice3A_379 = vector.extract_strided_slice %transpose3A_367 {offsets = [48, 0], sizes = [8, 128], strides = [1, 1]} : vector<128x128xf32> to vector<8x128xf32>
    %add3A_380 = arith.addf %add3A_378, %slice3A_379 : vector<8x128xf32>
    %slice3A_381 = vector.extract_strided_slice %transpose3A_367 {offsets = [56, 0], sizes = [8, 128], strides = [1, 1]} : vector<128x128xf32> to vector<8x128xf32>
    %add3A_382 = arith.addf %add3A_380, %slice3A_381 : vector<8x128xf32>
    %slice3A_383 = vector.extract_strided_slice %transpose3A_367 {offsets = [64, 0], sizes = [8, 128], strides = [1, 1]} : vector<128x128xf32> to vector<8x128xf32>
    %add3A_384 = arith.addf %add3A_382, %slice3A_383 : vector<8x128xf32>
    %slice3A_385 = vector.extract_strided_slice %transpose3A_367 {offsets = [72, 0], sizes = [8, 128], strides = [1, 1]} : vector<128x128xf32> to vector<8x128xf32>
    %add3A_386 = arith.addf %add3A_384, %slice3A_385 : vector<8x128xf32>
    %slice3A_387 = vector.extract_strided_slice %transpose3A_367 {offsets = [80, 0], sizes = [8, 128], strides = [1, 1]} : vector<128x128xf32> to vector<8x128xf32>
    %add3A_388 = arith.addf %add3A_386, %slice3A_387 : vector<8x128xf32>
    %slice3A_389 = vector.extract_strided_slice %transpose3A_367 {offsets = [88, 0], sizes = [8, 128], strides = [1, 1]} : vector<128x128xf32> to vector<8x128xf32>
    %add3A_390 = arith.addf %add3A_388, %slice3A_389 : vector<8x128xf32>
    %slice3A_391 = vector.extract_strided_slice %transpose3A_367 {offsets = [96, 0], sizes = [8, 128], strides = [1, 1]} : vector<128x128xf32> to vector<8x128xf32>
    %add3A_392 = arith.addf %add3A_390, %slice3A_391 : vector<8x128xf32>
    %slice3A_393 = vector.extract_strided_slice %transpose3A_367 {offsets = [104, 0], sizes = [8, 128], strides = [1, 1]} : vector<128x128xf32> to vector<8x128xf32>
    %add3A_394 = arith.addf %add3A_392, %slice3A_393 : vector<8x128xf32>
    %slice3A_395 = vector.extract_strided_slice %transpose3A_367 {offsets = [112, 0], sizes = [8, 128], strides = [1, 1]} : vector<128x128xf32> to vector<8x128xf32>
    %add3A_396 = arith.addf %add3A_394, %slice3A_395 : vector<8x128xf32>
    %slice3A_397 = vector.extract_strided_slice %transpose3A_367 {offsets = [120, 0], sizes = [8, 128], strides = [1, 1]} : vector<128x128xf32> to vector<8x128xf32>
    %add3A_398 = arith.addf %add3A_396, %slice3A_397 : vector<8x128xf32>
    %slice3A_399 = vector.extract_strided_slice %add3A_398 {offsets = [0, 0], sizes = [4, 128], strides = [1, 1]} : vector<8x128xf32> to vector<4x128xf32>
    %slice3A_400 = vector.extract_strided_slice %add3A_398 {offsets = [4, 0], sizes = [4, 128], strides = [1, 1]} : vector<8x128xf32> to vector<4x128xf32>
    %add3A_401 = arith.addf %slice3A_399, %slice3A_400 : vector<4x128xf32>
    %slice3A_402 = vector.extract_strided_slice %add3A_401 {offsets = [0, 0], sizes = [2, 128], strides = [1, 1]} : vector<4x128xf32> to vector<2x128xf32>
    %slice3A_403 = vector.extract_strided_slice %add3A_401 {offsets = [2, 0], sizes = [2, 128], strides = [1, 1]} : vector<4x128xf32> to vector<2x128xf32>
    %add3A_404 = arith.addf %slice3A_402, %slice3A_403 : vector<2x128xf32>
    %slice3A_405 = vector.extract_strided_slice %add3A_404 {offsets = [0, 0], sizes = [1, 128], strides = [1, 1]} : vector<2x128xf32> to vector<1x128xf32>
    %slice3A_406 = vector.extract_strided_slice %add3A_404 {offsets = [1, 0], sizes = [1, 128], strides = [1, 1]} : vector<2x128xf32> to vector<1x128xf32>
    %add3A_407 = arith.addf %slice3A_405, %slice3A_406 : vector<1x128xf32>
    %slice3A_408 = vector.extract_strided_slice %mul3A_365 {offsets = [0, 128], sizes = [128, 128], strides = [1, 1]} : vector<128x384xf32> to vector<128x128xf32>
    %transpose3A_409 = tpu.transpose %slice3A_408, [1, 0] : vector<128x128xf32> -> vector<128x128xf32>
    %slice3A_410 = vector.extract_strided_slice %transpose3A_409 {offsets = [0, 0], sizes = [8, 128], strides = [1, 1]} : vector<128x128xf32> to vector<8x128xf32>
    %slice3A_411 = vector.extract_strided_slice %transpose3A_409 {offsets = [8, 0], sizes = [8, 128], strides = [1, 1]} : vector<128x128xf32> to vector<8x128xf32>
    %add3A_412 = arith.addf %slice3A_410, %slice3A_411 : vector<8x128xf32>
    %slice3A_413 = vector.extract_strided_slice %transpose3A_409 {offsets = [16, 0], sizes = [8, 128], strides = [1, 1]} : vector<128x128xf32> to vector<8x128xf32>
    %add3A_414 = arith.addf %add3A_412, %slice3A_413 : vector<8x128xf32>
    %slice3A_415 = vector.extract_strided_slice %transpose3A_409 {offsets = [24, 0], sizes = [8, 128], strides = [1, 1]} : vector<128x128xf32> to vector<8x128xf32>
    %add3A_416 = arith.addf %add3A_414, %slice3A_415 : vector<8x128xf32>
    %slice3A_417 = vector.extract_strided_slice %transpose3A_409 {offsets = [32, 0], sizes = [8, 128], strides = [1, 1]} : vector<128x128xf32> to vector<8x128xf32>
    %add3A_418 = arith.addf %add3A_416, %slice3A_417 : vector<8x128xf32>
    %slice3A_419 = vector.extract_strided_slice %transpose3A_409 {offsets = [40, 0], sizes = [8, 128], strides = [1, 1]} : vector<128x128xf32> to vector<8x128xf32>
    %add3A_420 = arith.addf %add3A_418, %slice3A_419 : vector<8x128xf32>
    %slice3A_421 = vector.extract_strided_slice %transpose3A_409 {offsets = [48, 0], sizes = [8, 128], strides = [1, 1]} : vector<128x128xf32> to vector<8x128xf32>
    %add3A_422 = arith.addf %add3A_420, %slice3A_421 : vector<8x128xf32>
    %slice3A_423 = vector.extract_strided_slice %transpose3A_409 {offsets = [56, 0], sizes = [8, 128], strides = [1, 1]} : vector<128x128xf32> to vector<8x128xf32>
    %add3A_424 = arith.addf %add3A_422, %slice3A_423 : vector<8x128xf32>
    %slice3A_425 = vector.extract_strided_slice %transpose3A_409 {offsets = [64, 0], sizes = [8, 128], strides = [1, 1]} : vector<128x128xf32> to vector<8x128xf32>
    %add3A_426 = arith.addf %add3A_424, %slice3A_425 : vector<8x128xf32>
    %slice3A_427 = vector.extract_strided_slice %transpose3A_409 {offsets = [72, 0], sizes = [8, 128], strides = [1, 1]} : vector<128x128xf32> to vector<8x128xf32>
    %add3A_428 = arith.addf %add3A_426, %slice3A_427 : vector<8x128xf32>
    %slice3A_429 = vector.extract_strided_slice %transpose3A_409 {offsets = [80, 0], sizes = [8, 128], strides = [1, 1]} : vector<128x128xf32> to vector<8x128xf32>
    %add3A_430 = arith.addf %add3A_428, %slice3A_429 : vector<8x128xf32>
    %slice3A_431 = vector.extract_strided_slice %transpose3A_409 {offsets = [88, 0], sizes = [8, 128], strides = [1, 1]} : vector<128x128xf32> to vector<8x128xf32>
    %add3A_432 = arith.addf %add3A_430, %slice3A_431 : vector<8x128xf32>
    %slice3A_433 = vector.extract_strided_slice %transpose3A_409 {offsets = [96, 0], sizes = [8, 128], strides = [1, 1]} : vector<128x128xf32> to vector<8x128xf32>
    %add3A_434 = arith.addf %add3A_432, %slice3A_433 : vector<8x128xf32>
    %slice3A_435 = vector.extract_strided_slice %transpose3A_409 {offsets = [104, 0], sizes = [8, 128], strides = [1, 1]} : vector<128x128xf32> to vector<8x128xf32>
    %add3A_436 = arith.addf %add3A_434, %slice3A_435 : vector<8x128xf32>
    %slice3A_437 = vector.extract_strided_slice %transpose3A_409 {offsets = [112, 0], sizes = [8, 128], strides = [1, 1]} : vector<128x128xf32> to vector<8x128xf32>
    %add3A_438 = arith.addf %add3A_436, %slice3A_437 : vector<8x128xf32>
    %slice3A_439 = vector.extract_strided_slice %transpose3A_409 {offsets = [120, 0], sizes = [8, 128], strides = [1, 1]} : vector<128x128xf32> to vector<8x128xf32>
    %add3A_440 = arith.addf %add3A_438, %slice3A_439 : vector<8x128xf32>
    %slice3A_441 = vector.extract_strided_slice %add3A_440 {offsets = [0, 0], sizes = [4, 128], strides = [1, 1]} : vector<8x128xf32> to vector<4x128xf32>
    %slice3A_442 = vector.extract_strided_slice %add3A_440 {offsets = [4, 0], sizes = [4, 128], strides = [1, 1]} : vector<8x128xf32> to vector<4x128xf32>
    %add3A_443 = arith.addf %slice3A_441, %slice3A_442 : vector<4x128xf32>
    %slice3A_444 = vector.extract_strided_slice %add3A_443 {offsets = [0, 0], sizes = [2, 128], strides = [1, 1]} : vector<4x128xf32> to vector<2x128xf32>
    %slice3A_445 = vector.extract_strided_slice %add3A_443 {offsets = [2, 0], sizes = [2, 128], strides = [1, 1]} : vector<4x128xf32> to vector<2x128xf32>
    %add3A_446 = arith.addf %slice3A_444, %slice3A_445 : vector<2x128xf32>
    %slice3A_447 = vector.extract_strided_slice %add3A_446 {offsets = [0, 0], sizes = [1, 128], strides = [1, 1]} : vector<2x128xf32> to vector<1x128xf32>
    %slice3A_448 = vector.extract_strided_slice %add3A_446 {offsets = [1, 0], sizes = [1, 128], strides = [1, 1]} : vector<2x128xf32> to vector<1x128xf32>
    %add3A_449 = arith.addf %slice3A_447, %slice3A_448 : vector<1x128xf32>
    %slice3A_450 = vector.extract_strided_slice %mul3A_365 {offsets = [0, 256], sizes = [128, 128], strides = [1, 1]} : vector<128x384xf32> to vector<128x128xf32>
    %transpose3A_451 = tpu.transpose %slice3A_450, [1, 0] : vector<128x128xf32> -> vector<128x128xf32>
    %slice3A_452 = vector.extract_strided_slice %transpose3A_451 {offsets = [0, 0], sizes = [8, 128], strides = [1, 1]} : vector<128x128xf32> to vector<8x128xf32>
    %slice3A_453 = vector.extract_strided_slice %transpose3A_451 {offsets = [8, 0], sizes = [8, 128], strides = [1, 1]} : vector<128x128xf32> to vector<8x128xf32>
    %add3A_454 = arith.addf %slice3A_452, %slice3A_453 : vector<8x128xf32>
    %slice3A_455 = vector.extract_strided_slice %transpose3A_451 {offsets = [16, 0], sizes = [8, 128], strides = [1, 1]} : vector<128x128xf32> to vector<8x128xf32>
    %add3A_456 = arith.addf %add3A_454, %slice3A_455 : vector<8x128xf32>
    %slice3A_457 = vector.extract_strided_slice %transpose3A_451 {offsets = [24, 0], sizes = [8, 128], strides = [1, 1]} : vector<128x128xf32> to vector<8x128xf32>
    %add3A_458 = arith.addf %add3A_456, %slice3A_457 : vector<8x128xf32>
    %slice3A_459 = vector.extract_strided_slice %transpose3A_451 {offsets = [32, 0], sizes = [8, 128], strides = [1, 1]} : vector<128x128xf32> to vector<8x128xf32>
    %add3A_460 = arith.addf %add3A_458, %slice3A_459 : vector<8x128xf32>
    %slice3A_461 = vector.extract_strided_slice %transpose3A_451 {offsets = [40, 0], sizes = [8, 128], strides = [1, 1]} : vector<128x128xf32> to vector<8x128xf32>
    %add3A_462 = arith.addf %add3A_460, %slice3A_461 : vector<8x128xf32>
    %slice3A_463 = vector.extract_strided_slice %transpose3A_451 {offsets = [48, 0], sizes = [8, 128], strides = [1, 1]} : vector<128x128xf32> to vector<8x128xf32>
    %add3A_464 = arith.addf %add3A_462, %slice3A_463 : vector<8x128xf32>
    %slice3A_465 = vector.extract_strided_slice %transpose3A_451 {offsets = [56, 0], sizes = [8, 128], strides = [1, 1]} : vector<128x128xf32> to vector<8x128xf32>
    %add3A_466 = arith.addf %add3A_464, %slice3A_465 : vector<8x128xf32>
    %slice3A_467 = vector.extract_strided_slice %transpose3A_451 {offsets = [64, 0], sizes = [8, 128], strides = [1, 1]} : vector<128x128xf32> to vector<8x128xf32>
    %add3A_468 = arith.addf %add3A_466, %slice3A_467 : vector<8x128xf32>
    %slice3A_469 = vector.extract_strided_slice %transpose3A_451 {offsets = [72, 0], sizes = [8, 128], strides = [1, 1]} : vector<128x128xf32> to vector<8x128xf32>
    %add3A_470 = arith.addf %add3A_468, %slice3A_469 : vector<8x128xf32>
    %slice3A_471 = vector.extract_strided_slice %transpose3A_451 {offsets = [80, 0], sizes = [8, 128], strides = [1, 1]} : vector<128x128xf32> to vector<8x128xf32>
    %add3A_472 = arith.addf %add3A_470, %slice3A_471 : vector<8x128xf32>
    %slice3A_473 = vector.extract_strided_slice %transpose3A_451 {offsets = [88, 0], sizes = [8, 128], strides = [1, 1]} : vector<128x128xf32> to vector<8x128xf32>
    %add3A_474 = arith.addf %add3A_472, %slice3A_473 : vector<8x128xf32>
    %slice3A_475 = vector.extract_strided_slice %transpose3A_451 {offsets = [96, 0], sizes = [8, 128], strides = [1, 1]} : vector<128x128xf32> to vector<8x128xf32>
    %add3A_476 = arith.addf %add3A_474, %slice3A_475 : vector<8x128xf32>
    %slice3A_477 = vector.extract_strided_slice %transpose3A_451 {offsets = [104, 0], sizes = [8, 128], strides = [1, 1]} : vector<128x128xf32> to vector<8x128xf32>
    %add3A_478 = arith.addf %add3A_476, %slice3A_477 : vector<8x128xf32>
    %slice3A_479 = vector.extract_strided_slice %transpose3A_451 {offsets = [112, 0], sizes = [8, 128], strides = [1, 1]} : vector<128x128xf32> to vector<8x128xf32>
    %add3A_480 = arith.addf %add3A_478, %slice3A_479 : vector<8x128xf32>
    %slice3A_481 = vector.extract_strided_slice %transpose3A_451 {offsets = [120, 0], sizes = [8, 128], strides = [1, 1]} : vector<128x128xf32> to vector<8x128xf32>
    %add3A_482 = arith.addf %add3A_480, %slice3A_481 : vector<8x128xf32>
    %slice3A_483 = vector.extract_strided_slice %add3A_482 {offsets = [0, 0], sizes = [4, 128], strides = [1, 1]} : vector<8x128xf32> to vector<4x128xf32>
    %slice3A_484 = vector.extract_strided_slice %add3A_482 {offsets = [4, 0], sizes = [4, 128], strides = [1, 1]} : vector<8x128xf32> to vector<4x128xf32>
    %add3A_485 = arith.addf %slice3A_483, %slice3A_484 : vector<4x128xf32>
    %slice3A_486 = vector.extract_strided_slice %add3A_485 {offsets = [0, 0], sizes = [2, 128], strides = [1, 1]} : vector<4x128xf32> to vector<2x128xf32>
    %slice3A_487 = vector.extract_strided_slice %add3A_485 {offsets = [2, 0], sizes = [2, 128], strides = [1, 1]} : vector<4x128xf32> to vector<2x128xf32>
    %add3A_488 = arith.addf %slice3A_486, %slice3A_487 : vector<2x128xf32>
    %slice3A_489 = vector.extract_strided_slice %add3A_488 {offsets = [0, 0], sizes = [1, 128], strides = [1, 1]} : vector<2x128xf32> to vector<1x128xf32>
    %slice3A_490 = vector.extract_strided_slice %add3A_488 {offsets = [1, 0], sizes = [1, 128], strides = [1, 1]} : vector<2x128xf32> to vector<1x128xf32>
    %add3A_491 = arith.addf %slice3A_489, %slice3A_490 : vector<1x128xf32>
    %add3A_492 = arith.addf %add3A_407, %add3A_449 : vector<1x128xf32>
    %add3A_493 = arith.addf %add3A_492, %add3A_491 : vector<1x128xf32>
    %get3A_494 = arith.constant 0 : index
    %get3A_495 = arith.constant 384 : index
    %get3A_496 = arith.constant 0 : index
    %get3A_497 = vector.load %arg1[%get3A_494, %get3A_495, %get3A_496] : memref<1x1024x384xf32, #tpu.memory_space<vmem>>, vector<1x128x384xf32>
    %get3A_498 = vector.shape_cast %get3A_497 : vector<1x128x384xf32> to vector<128x384xf32>
    %slice3A_499 = vector.extract_strided_slice %get3A_498 {offsets = [0, 0], sizes = [8, 384], strides = [1, 1]} : vector<128x384xf32> to vector<8x384xf32>
    %add3A_500 = arith.addf %add3A_364, %slice3A_499 : vector<8x384xf32>
    %slice3A_501 = vector.extract_strided_slice %get3A_498 {offsets = [8, 0], sizes = [8, 384], strides = [1, 1]} : vector<128x384xf32> to vector<8x384xf32>
    %add3A_502 = arith.addf %add3A_500, %slice3A_501 : vector<8x384xf32>
    %slice3A_503 = vector.extract_strided_slice %get3A_498 {offsets = [16, 0], sizes = [8, 384], strides = [1, 1]} : vector<128x384xf32> to vector<8x384xf32>
    %add3A_504 = arith.addf %add3A_502, %slice3A_503 : vector<8x384xf32>
    %slice3A_505 = vector.extract_strided_slice %get3A_498 {offsets = [24, 0], sizes = [8, 384], strides = [1, 1]} : vector<128x384xf32> to vector<8x384xf32>
    %add3A_506 = arith.addf %add3A_504, %slice3A_505 : vector<8x384xf32>
    %slice3A_507 = vector.extract_strided_slice %get3A_498 {offsets = [32, 0], sizes = [8, 384], strides = [1, 1]} : vector<128x384xf32> to vector<8x384xf32>
    %add3A_508 = arith.addf %add3A_506, %slice3A_507 : vector<8x384xf32>
    %slice3A_509 = vector.extract_strided_slice %get3A_498 {offsets = [40, 0], sizes = [8, 384], strides = [1, 1]} : vector<128x384xf32> to vector<8x384xf32>
    %add3A_510 = arith.addf %add3A_508, %slice3A_509 : vector<8x384xf32>
    %slice3A_511 = vector.extract_strided_slice %get3A_498 {offsets = [48, 0], sizes = [8, 384], strides = [1, 1]} : vector<128x384xf32> to vector<8x384xf32>
    %add3A_512 = arith.addf %add3A_510, %slice3A_511 : vector<8x384xf32>
    %slice3A_513 = vector.extract_strided_slice %get3A_498 {offsets = [56, 0], sizes = [8, 384], strides = [1, 1]} : vector<128x384xf32> to vector<8x384xf32>
    %add3A_514 = arith.addf %add3A_512, %slice3A_513 : vector<8x384xf32>
    %slice3A_515 = vector.extract_strided_slice %get3A_498 {offsets = [64, 0], sizes = [8, 384], strides = [1, 1]} : vector<128x384xf32> to vector<8x384xf32>
    %add3A_516 = arith.addf %add3A_514, %slice3A_515 : vector<8x384xf32>
    %slice3A_517 = vector.extract_strided_slice %get3A_498 {offsets = [72, 0], sizes = [8, 384], strides = [1, 1]} : vector<128x384xf32> to vector<8x384xf32>
    %add3A_518 = arith.addf %add3A_516, %slice3A_517 : vector<8x384xf32>
    %slice3A_519 = vector.extract_strided_slice %get3A_498 {offsets = [80, 0], sizes = [8, 384], strides = [1, 1]} : vector<128x384xf32> to vector<8x384xf32>
    %add3A_520 = arith.addf %add3A_518, %slice3A_519 : vector<8x384xf32>
    %slice3A_521 = vector.extract_strided_slice %get3A_498 {offsets = [88, 0], sizes = [8, 384], strides = [1, 1]} : vector<128x384xf32> to vector<8x384xf32>
    %add3A_522 = arith.addf %add3A_520, %slice3A_521 : vector<8x384xf32>
    %slice3A_523 = vector.extract_strided_slice %get3A_498 {offsets = [96, 0], sizes = [8, 384], strides = [1, 1]} : vector<128x384xf32> to vector<8x384xf32>
    %add3A_524 = arith.addf %add3A_522, %slice3A_523 : vector<8x384xf32>
    %slice3A_525 = vector.extract_strided_slice %get3A_498 {offsets = [104, 0], sizes = [8, 384], strides = [1, 1]} : vector<128x384xf32> to vector<8x384xf32>
    %add3A_526 = arith.addf %add3A_524, %slice3A_525 : vector<8x384xf32>
    %slice3A_527 = vector.extract_strided_slice %get3A_498 {offsets = [112, 0], sizes = [8, 384], strides = [1, 1]} : vector<128x384xf32> to vector<8x384xf32>
    %add3A_528 = arith.addf %add3A_526, %slice3A_527 : vector<8x384xf32>
    %slice3A_529 = vector.extract_strided_slice %get3A_498 {offsets = [120, 0], sizes = [8, 384], strides = [1, 1]} : vector<128x384xf32> to vector<8x384xf32>
    %add3A_530 = arith.addf %add3A_528, %slice3A_529 : vector<8x384xf32>
    %mul3A_531 = arith.mulf %get3A_498, %get3A_498 : vector<128x384xf32>
    %slice3A_532 = vector.extract_strided_slice %mul3A_531 {offsets = [0, 0], sizes = [128, 128], strides = [1, 1]} : vector<128x384xf32> to vector<128x128xf32>
    %transpose3A_533 = tpu.transpose %slice3A_532, [1, 0] : vector<128x128xf32> -> vector<128x128xf32>
    %slice3A_534 = vector.extract_strided_slice %transpose3A_533 {offsets = [0, 0], sizes = [8, 128], strides = [1, 1]} : vector<128x128xf32> to vector<8x128xf32>
    %slice3A_535 = vector.extract_strided_slice %transpose3A_533 {offsets = [8, 0], sizes = [8, 128], strides = [1, 1]} : vector<128x128xf32> to vector<8x128xf32>
    %add3A_536 = arith.addf %slice3A_534, %slice3A_535 : vector<8x128xf32>
    %slice3A_537 = vector.extract_strided_slice %transpose3A_533 {offsets = [16, 0], sizes = [8, 128], strides = [1, 1]} : vector<128x128xf32> to vector<8x128xf32>
    %add3A_538 = arith.addf %add3A_536, %slice3A_537 : vector<8x128xf32>
    %slice3A_539 = vector.extract_strided_slice %transpose3A_533 {offsets = [24, 0], sizes = [8, 128], strides = [1, 1]} : vector<128x128xf32> to vector<8x128xf32>
    %add3A_540 = arith.addf %add3A_538, %slice3A_539 : vector<8x128xf32>
    %slice3A_541 = vector.extract_strided_slice %transpose3A_533 {offsets = [32, 0], sizes = [8, 128], strides = [1, 1]} : vector<128x128xf32> to vector<8x128xf32>
    %add3A_542 = arith.addf %add3A_540, %slice3A_541 : vector<8x128xf32>
    %slice3A_543 = vector.extract_strided_slice %transpose3A_533 {offsets = [40, 0], sizes = [8, 128], strides = [1, 1]} : vector<128x128xf32> to vector<8x128xf32>
    %add3A_544 = arith.addf %add3A_542, %slice3A_543 : vector<8x128xf32>
    %slice3A_545 = vector.extract_strided_slice %transpose3A_533 {offsets = [48, 0], sizes = [8, 128], strides = [1, 1]} : vector<128x128xf32> to vector<8x128xf32>
    %add3A_546 = arith.addf %add3A_544, %slice3A_545 : vector<8x128xf32>
    %slice3A_547 = vector.extract_strided_slice %transpose3A_533 {offsets = [56, 0], sizes = [8, 128], strides = [1, 1]} : vector<128x128xf32> to vector<8x128xf32>
    %add3A_548 = arith.addf %add3A_546, %slice3A_547 : vector<8x128xf32>
    %slice3A_549 = vector.extract_strided_slice %transpose3A_533 {offsets = [64, 0], sizes = [8, 128], strides = [1, 1]} : vector<128x128xf32> to vector<8x128xf32>
    %add3A_550 = arith.addf %add3A_548, %slice3A_549 : vector<8x128xf32>
    %slice3A_551 = vector.extract_strided_slice %transpose3A_533 {offsets = [72, 0], sizes = [8, 128], strides = [1, 1]} : vector<128x128xf32> to vector<8x128xf32>
    %add3A_552 = arith.addf %add3A_550, %slice3A_551 : vector<8x128xf32>
    %slice3A_553 = vector.extract_strided_slice %transpose3A_533 {offsets = [80, 0], sizes = [8, 128], strides = [1, 1]} : vector<128x128xf32> to vector<8x128xf32>
    %add3A_554 = arith.addf %add3A_552, %slice3A_553 : vector<8x128xf32>
    %slice3A_555 = vector.extract_strided_slice %transpose3A_533 {offsets = [88, 0], sizes = [8, 128], strides = [1, 1]} : vector<128x128xf32> to vector<8x128xf32>
    %add3A_556 = arith.addf %add3A_554, %slice3A_555 : vector<8x128xf32>
    %slice3A_557 = vector.extract_strided_slice %transpose3A_533 {offsets = [96, 0], sizes = [8, 128], strides = [1, 1]} : vector<128x128xf32> to vector<8x128xf32>
    %add3A_558 = arith.addf %add3A_556, %slice3A_557 : vector<8x128xf32>
    %slice3A_559 = vector.extract_strided_slice %transpose3A_533 {offsets = [104, 0], sizes = [8, 128], strides = [1, 1]} : vector<128x128xf32> to vector<8x128xf32>
    %add3A_560 = arith.addf %add3A_558, %slice3A_559 : vector<8x128xf32>
    %slice3A_561 = vector.extract_strided_slice %transpose3A_533 {offsets = [112, 0], sizes = [8, 128], strides = [1, 1]} : vector<128x128xf32> to vector<8x128xf32>
    %add3A_562 = arith.addf %add3A_560, %slice3A_561 : vector<8x128xf32>
    %slice3A_563 = vector.extract_strided_slice %transpose3A_533 {offsets = [120, 0], sizes = [8, 128], strides = [1, 1]} : vector<128x128xf32> to vector<8x128xf32>
    %add3A_564 = arith.addf %add3A_562, %slice3A_563 : vector<8x128xf32>
    %slice3A_565 = vector.extract_strided_slice %add3A_564 {offsets = [0, 0], sizes = [4, 128], strides = [1, 1]} : vector<8x128xf32> to vector<4x128xf32>
    %slice3A_566 = vector.extract_strided_slice %add3A_564 {offsets = [4, 0], sizes = [4, 128], strides = [1, 1]} : vector<8x128xf32> to vector<4x128xf32>
    %add3A_567 = arith.addf %slice3A_565, %slice3A_566 : vector<4x128xf32>
    %slice3A_568 = vector.extract_strided_slice %add3A_567 {offsets = [0, 0], sizes = [2, 128], strides = [1, 1]} : vector<4x128xf32> to vector<2x128xf32>
    %slice3A_569 = vector.extract_strided_slice %add3A_567 {offsets = [2, 0], sizes = [2, 128], strides = [1, 1]} : vector<4x128xf32> to vector<2x128xf32>
    %add3A_570 = arith.addf %slice3A_568, %slice3A_569 : vector<2x128xf32>
    %slice3A_571 = vector.extract_strided_slice %add3A_570 {offsets = [0, 0], sizes = [1, 128], strides = [1, 1]} : vector<2x128xf32> to vector<1x128xf32>
    %slice3A_572 = vector.extract_strided_slice %add3A_570 {offsets = [1, 0], sizes = [1, 128], strides = [1, 1]} : vector<2x128xf32> to vector<1x128xf32>
    %add3A_573 = arith.addf %slice3A_571, %slice3A_572 : vector<1x128xf32>
    %slice3A_574 = vector.extract_strided_slice %mul3A_531 {offsets = [0, 128], sizes = [128, 128], strides = [1, 1]} : vector<128x384xf32> to vector<128x128xf32>
    %transpose3A_575 = tpu.transpose %slice3A_574, [1, 0] : vector<128x128xf32> -> vector<128x128xf32>
    %slice3A_576 = vector.extract_strided_slice %transpose3A_575 {offsets = [0, 0], sizes = [8, 128], strides = [1, 1]} : vector<128x128xf32> to vector<8x128xf32>
    %slice3A_577 = vector.extract_strided_slice %transpose3A_575 {offsets = [8, 0], sizes = [8, 128], strides = [1, 1]} : vector<128x128xf32> to vector<8x128xf32>
    %add3A_578 = arith.addf %slice3A_576, %slice3A_577 : vector<8x128xf32>
    %slice3A_579 = vector.extract_strided_slice %transpose3A_575 {offsets = [16, 0], sizes = [8, 128], strides = [1, 1]} : vector<128x128xf32> to vector<8x128xf32>
    %add3A_580 = arith.addf %add3A_578, %slice3A_579 : vector<8x128xf32>
    %slice3A_581 = vector.extract_strided_slice %transpose3A_575 {offsets = [24, 0], sizes = [8, 128], strides = [1, 1]} : vector<128x128xf32> to vector<8x128xf32>
    %add3A_582 = arith.addf %add3A_580, %slice3A_581 : vector<8x128xf32>
    %slice3A_583 = vector.extract_strided_slice %transpose3A_575 {offsets = [32, 0], sizes = [8, 128], strides = [1, 1]} : vector<128x128xf32> to vector<8x128xf32>
    %add3A_584 = arith.addf %add3A_582, %slice3A_583 : vector<8x128xf32>
    %slice3A_585 = vector.extract_strided_slice %transpose3A_575 {offsets = [40, 0], sizes = [8, 128], strides = [1, 1]} : vector<128x128xf32> to vector<8x128xf32>
    %add3A_586 = arith.addf %add3A_584, %slice3A_585 : vector<8x128xf32>
    %slice3A_587 = vector.extract_strided_slice %transpose3A_575 {offsets = [48, 0], sizes = [8, 128], strides = [1, 1]} : vector<128x128xf32> to vector<8x128xf32>
    %add3A_588 = arith.addf %add3A_586, %slice3A_587 : vector<8x128xf32>
    %slice3A_589 = vector.extract_strided_slice %transpose3A_575 {offsets = [56, 0], sizes = [8, 128], strides = [1, 1]} : vector<128x128xf32> to vector<8x128xf32>
    %add3A_590 = arith.addf %add3A_588, %slice3A_589 : vector<8x128xf32>
    %slice3A_591 = vector.extract_strided_slice %transpose3A_575 {offsets = [64, 0], sizes = [8, 128], strides = [1, 1]} : vector<128x128xf32> to vector<8x128xf32>
    %add3A_592 = arith.addf %add3A_590, %slice3A_591 : vector<8x128xf32>
    %slice3A_593 = vector.extract_strided_slice %transpose3A_575 {offsets = [72, 0], sizes = [8, 128], strides = [1, 1]} : vector<128x128xf32> to vector<8x128xf32>
    %add3A_594 = arith.addf %add3A_592, %slice3A_593 : vector<8x128xf32>
    %slice3A_595 = vector.extract_strided_slice %transpose3A_575 {offsets = [80, 0], sizes = [8, 128], strides = [1, 1]} : vector<128x128xf32> to vector<8x128xf32>
    %add3A_596 = arith.addf %add3A_594, %slice3A_595 : vector<8x128xf32>
    %slice3A_597 = vector.extract_strided_slice %transpose3A_575 {offsets = [88, 0], sizes = [8, 128], strides = [1, 1]} : vector<128x128xf32> to vector<8x128xf32>
    %add3A_598 = arith.addf %add3A_596, %slice3A_597 : vector<8x128xf32>
    %slice3A_599 = vector.extract_strided_slice %transpose3A_575 {offsets = [96, 0], sizes = [8, 128], strides = [1, 1]} : vector<128x128xf32> to vector<8x128xf32>
    %add3A_600 = arith.addf %add3A_598, %slice3A_599 : vector<8x128xf32>
    %slice3A_601 = vector.extract_strided_slice %transpose3A_575 {offsets = [104, 0], sizes = [8, 128], strides = [1, 1]} : vector<128x128xf32> to vector<8x128xf32>
    %add3A_602 = arith.addf %add3A_600, %slice3A_601 : vector<8x128xf32>
    %slice3A_603 = vector.extract_strided_slice %transpose3A_575 {offsets = [112, 0], sizes = [8, 128], strides = [1, 1]} : vector<128x128xf32> to vector<8x128xf32>
    %add3A_604 = arith.addf %add3A_602, %slice3A_603 : vector<8x128xf32>
    %slice3A_605 = vector.extract_strided_slice %transpose3A_575 {offsets = [120, 0], sizes = [8, 128], strides = [1, 1]} : vector<128x128xf32> to vector<8x128xf32>
    %add3A_606 = arith.addf %add3A_604, %slice3A_605 : vector<8x128xf32>
    %slice3A_607 = vector.extract_strided_slice %add3A_606 {offsets = [0, 0], sizes = [4, 128], strides = [1, 1]} : vector<8x128xf32> to vector<4x128xf32>
    %slice3A_608 = vector.extract_strided_slice %add3A_606 {offsets = [4, 0], sizes = [4, 128], strides = [1, 1]} : vector<8x128xf32> to vector<4x128xf32>
    %add3A_609 = arith.addf %slice3A_607, %slice3A_608 : vector<4x128xf32>
    %slice3A_610 = vector.extract_strided_slice %add3A_609 {offsets = [0, 0], sizes = [2, 128], strides = [1, 1]} : vector<4x128xf32> to vector<2x128xf32>
    %slice3A_611 = vector.extract_strided_slice %add3A_609 {offsets = [2, 0], sizes = [2, 128], strides = [1, 1]} : vector<4x128xf32> to vector<2x128xf32>
    %add3A_612 = arith.addf %slice3A_610, %slice3A_611 : vector<2x128xf32>
    %slice3A_613 = vector.extract_strided_slice %add3A_612 {offsets = [0, 0], sizes = [1, 128], strides = [1, 1]} : vector<2x128xf32> to vector<1x128xf32>
    %slice3A_614 = vector.extract_strided_slice %add3A_612 {offsets = [1, 0], sizes = [1, 128], strides = [1, 1]} : vector<2x128xf32> to vector<1x128xf32>
    %add3A_615 = arith.addf %slice3A_613, %slice3A_614 : vector<1x128xf32>
    %slice3A_616 = vector.extract_strided_slice %mul3A_531 {offsets = [0, 256], sizes = [128, 128], strides = [1, 1]} : vector<128x384xf32> to vector<128x128xf32>
    %transpose3A_617 = tpu.transpose %slice3A_616, [1, 0] : vector<128x128xf32> -> vector<128x128xf32>
    %slice3A_618 = vector.extract_strided_slice %transpose3A_617 {offsets = [0, 0], sizes = [8, 128], strides = [1, 1]} : vector<128x128xf32> to vector<8x128xf32>
    %slice3A_619 = vector.extract_strided_slice %transpose3A_617 {offsets = [8, 0], sizes = [8, 128], strides = [1, 1]} : vector<128x128xf32> to vector<8x128xf32>
    %add3A_620 = arith.addf %slice3A_618, %slice3A_619 : vector<8x128xf32>
    %slice3A_621 = vector.extract_strided_slice %transpose3A_617 {offsets = [16, 0], sizes = [8, 128], strides = [1, 1]} : vector<128x128xf32> to vector<8x128xf32>
    %add3A_622 = arith.addf %add3A_620, %slice3A_621 : vector<8x128xf32>
    %slice3A_623 = vector.extract_strided_slice %transpose3A_617 {offsets = [24, 0], sizes = [8, 128], strides = [1, 1]} : vector<128x128xf32> to vector<8x128xf32>
    %add3A_624 = arith.addf %add3A_622, %slice3A_623 : vector<8x128xf32>
    %slice3A_625 = vector.extract_strided_slice %transpose3A_617 {offsets = [32, 0], sizes = [8, 128], strides = [1, 1]} : vector<128x128xf32> to vector<8x128xf32>
    %add3A_626 = arith.addf %add3A_624, %slice3A_625 : vector<8x128xf32>
    %slice3A_627 = vector.extract_strided_slice %transpose3A_617 {offsets = [40, 0], sizes = [8, 128], strides = [1, 1]} : vector<128x128xf32> to vector<8x128xf32>
    %add3A_628 = arith.addf %add3A_626, %slice3A_627 : vector<8x128xf32>
    %slice3A_629 = vector.extract_strided_slice %transpose3A_617 {offsets = [48, 0], sizes = [8, 128], strides = [1, 1]} : vector<128x128xf32> to vector<8x128xf32>
    %add3A_630 = arith.addf %add3A_628, %slice3A_629 : vector<8x128xf32>
    %slice3A_631 = vector.extract_strided_slice %transpose3A_617 {offsets = [56, 0], sizes = [8, 128], strides = [1, 1]} : vector<128x128xf32> to vector<8x128xf32>
    %add3A_632 = arith.addf %add3A_630, %slice3A_631 : vector<8x128xf32>
    %slice3A_633 = vector.extract_strided_slice %transpose3A_617 {offsets = [64, 0], sizes = [8, 128], strides = [1, 1]} : vector<128x128xf32> to vector<8x128xf32>
    %add3A_634 = arith.addf %add3A_632, %slice3A_633 : vector<8x128xf32>
    %slice3A_635 = vector.extract_strided_slice %transpose3A_617 {offsets = [72, 0], sizes = [8, 128], strides = [1, 1]} : vector<128x128xf32> to vector<8x128xf32>
    %add3A_636 = arith.addf %add3A_634, %slice3A_635 : vector<8x128xf32>
    %slice3A_637 = vector.extract_strided_slice %transpose3A_617 {offsets = [80, 0], sizes = [8, 128], strides = [1, 1]} : vector<128x128xf32> to vector<8x128xf32>
    %add3A_638 = arith.addf %add3A_636, %slice3A_637 : vector<8x128xf32>
    %slice3A_639 = vector.extract_strided_slice %transpose3A_617 {offsets = [88, 0], sizes = [8, 128], strides = [1, 1]} : vector<128x128xf32> to vector<8x128xf32>
    %add3A_640 = arith.addf %add3A_638, %slice3A_639 : vector<8x128xf32>
    %slice3A_641 = vector.extract_strided_slice %transpose3A_617 {offsets = [96, 0], sizes = [8, 128], strides = [1, 1]} : vector<128x128xf32> to vector<8x128xf32>
    %add3A_642 = arith.addf %add3A_640, %slice3A_641 : vector<8x128xf32>
    %slice3A_643 = vector.extract_strided_slice %transpose3A_617 {offsets = [104, 0], sizes = [8, 128], strides = [1, 1]} : vector<128x128xf32> to vector<8x128xf32>
    %add3A_644 = arith.addf %add3A_642, %slice3A_643 : vector<8x128xf32>
    %slice3A_645 = vector.extract_strided_slice %transpose3A_617 {offsets = [112, 0], sizes = [8, 128], strides = [1, 1]} : vector<128x128xf32> to vector<8x128xf32>
    %add3A_646 = arith.addf %add3A_644, %slice3A_645 : vector<8x128xf32>
    %slice3A_647 = vector.extract_strided_slice %transpose3A_617 {offsets = [120, 0], sizes = [8, 128], strides = [1, 1]} : vector<128x128xf32> to vector<8x128xf32>
    %add3A_648 = arith.addf %add3A_646, %slice3A_647 : vector<8x128xf32>
    %slice3A_649 = vector.extract_strided_slice %add3A_648 {offsets = [0, 0], sizes = [4, 128], strides = [1, 1]} : vector<8x128xf32> to vector<4x128xf32>
    %slice3A_650 = vector.extract_strided_slice %add3A_648 {offsets = [4, 0], sizes = [4, 128], strides = [1, 1]} : vector<8x128xf32> to vector<4x128xf32>
    %add3A_651 = arith.addf %slice3A_649, %slice3A_650 : vector<4x128xf32>
    %slice3A_652 = vector.extract_strided_slice %add3A_651 {offsets = [0, 0], sizes = [2, 128], strides = [1, 1]} : vector<4x128xf32> to vector<2x128xf32>
    %slice3A_653 = vector.extract_strided_slice %add3A_651 {offsets = [2, 0], sizes = [2, 128], strides = [1, 1]} : vector<4x128xf32> to vector<2x128xf32>
    %add3A_654 = arith.addf %slice3A_652, %slice3A_653 : vector<2x128xf32>
    %slice3A_655 = vector.extract_strided_slice %add3A_654 {offsets = [0, 0], sizes = [1, 128], strides = [1, 1]} : vector<2x128xf32> to vector<1x128xf32>
    %slice3A_656 = vector.extract_strided_slice %add3A_654 {offsets = [1, 0], sizes = [1, 128], strides = [1, 1]} : vector<2x128xf32> to vector<1x128xf32>
    %add3A_657 = arith.addf %slice3A_655, %slice3A_656 : vector<1x128xf32>
    %add3A_658 = arith.addf %add3A_573, %add3A_615 : vector<1x128xf32>
    %add3A_659 = arith.addf %add3A_658, %add3A_657 : vector<1x128xf32>
    %get3A_660 = arith.constant 0 : index
    %get3A_661 = arith.constant 512 : index
    %get3A_662 = arith.constant 0 : index
    %get3A_663 = vector.load %arg1[%get3A_660, %get3A_661, %get3A_662] : memref<1x1024x384xf32, #tpu.memory_space<vmem>>, vector<1x128x384xf32>
    %get3A_664 = vector.shape_cast %get3A_663 : vector<1x128x384xf32> to vector<128x384xf32>
    %slice3A_665 = vector.extract_strided_slice %get3A_664 {offsets = [0, 0], sizes = [8, 384], strides = [1, 1]} : vector<128x384xf32> to vector<8x384xf32>
    %add3A_666 = arith.addf %add3A_530, %slice3A_665 : vector<8x384xf32>
    %slice3A_667 = vector.extract_strided_slice %get3A_664 {offsets = [8, 0], sizes = [8, 384], strides = [1, 1]} : vector<128x384xf32> to vector<8x384xf32>
    %add3A_668 = arith.addf %add3A_666, %slice3A_667 : vector<8x384xf32>
    %slice3A_669 = vector.extract_strided_slice %get3A_664 {offsets = [16, 0], sizes = [8, 384], strides = [1, 1]} : vector<128x384xf32> to vector<8x384xf32>
    %add3A_670 = arith.addf %add3A_668, %slice3A_669 : vector<8x384xf32>
    %slice3A_671 = vector.extract_strided_slice %get3A_664 {offsets = [24, 0], sizes = [8, 384], strides = [1, 1]} : vector<128x384xf32> to vector<8x384xf32>
    %add3A_672 = arith.addf %add3A_670, %slice3A_671 : vector<8x384xf32>
    %slice3A_673 = vector.extract_strided_slice %get3A_664 {offsets = [32, 0], sizes = [8, 384], strides = [1, 1]} : vector<128x384xf32> to vector<8x384xf32>
    %add3A_674 = arith.addf %add3A_672, %slice3A_673 : vector<8x384xf32>
    %slice3A_675 = vector.extract_strided_slice %get3A_664 {offsets = [40, 0], sizes = [8, 384], strides = [1, 1]} : vector<128x384xf32> to vector<8x384xf32>
    %add3A_676 = arith.addf %add3A_674, %slice3A_675 : vector<8x384xf32>
    %slice3A_677 = vector.extract_strided_slice %get3A_664 {offsets = [48, 0], sizes = [8, 384], strides = [1, 1]} : vector<128x384xf32> to vector<8x384xf32>
    %add3A_678 = arith.addf %add3A_676, %slice3A_677 : vector<8x384xf32>
    %slice3A_679 = vector.extract_strided_slice %get3A_664 {offsets = [56, 0], sizes = [8, 384], strides = [1, 1]} : vector<128x384xf32> to vector<8x384xf32>
    %add3A_680 = arith.addf %add3A_678, %slice3A_679 : vector<8x384xf32>
    %slice3A_681 = vector.extract_strided_slice %get3A_664 {offsets = [64, 0], sizes = [8, 384], strides = [1, 1]} : vector<128x384xf32> to vector<8x384xf32>
    %add3A_682 = arith.addf %add3A_680, %slice3A_681 : vector<8x384xf32>
    %slice3A_683 = vector.extract_strided_slice %get3A_664 {offsets = [72, 0], sizes = [8, 384], strides = [1, 1]} : vector<128x384xf32> to vector<8x384xf32>
    %add3A_684 = arith.addf %add3A_682, %slice3A_683 : vector<8x384xf32>
    %slice3A_685 = vector.extract_strided_slice %get3A_664 {offsets = [80, 0], sizes = [8, 384], strides = [1, 1]} : vector<128x384xf32> to vector<8x384xf32>
    %add3A_686 = arith.addf %add3A_684, %slice3A_685 : vector<8x384xf32>
    %slice3A_687 = vector.extract_strided_slice %get3A_664 {offsets = [88, 0], sizes = [8, 384], strides = [1, 1]} : vector<128x384xf32> to vector<8x384xf32>
    %add3A_688 = arith.addf %add3A_686, %slice3A_687 : vector<8x384xf32>
    %slice3A_689 = vector.extract_strided_slice %get3A_664 {offsets = [96, 0], sizes = [8, 384], strides = [1, 1]} : vector<128x384xf32> to vector<8x384xf32>
    %add3A_690 = arith.addf %add3A_688, %slice3A_689 : vector<8x384xf32>
    %slice3A_691 = vector.extract_strided_slice %get3A_664 {offsets = [104, 0], sizes = [8, 384], strides = [1, 1]} : vector<128x384xf32> to vector<8x384xf32>
    %add3A_692 = arith.addf %add3A_690, %slice3A_691 : vector<8x384xf32>
    %slice3A_693 = vector.extract_strided_slice %get3A_664 {offsets = [112, 0], sizes = [8, 384], strides = [1, 1]} : vector<128x384xf32> to vector<8x384xf32>
    %add3A_694 = arith.addf %add3A_692, %slice3A_693 : vector<8x384xf32>
    %slice3A_695 = vector.extract_strided_slice %get3A_664 {offsets = [120, 0], sizes = [8, 384], strides = [1, 1]} : vector<128x384xf32> to vector<8x384xf32>
    %add3A_696 = arith.addf %add3A_694, %slice3A_695 : vector<8x384xf32>
    %mul3A_697 = arith.mulf %get3A_664, %get3A_664 : vector<128x384xf32>
    %slice3A_698 = vector.extract_strided_slice %mul3A_697 {offsets = [0, 0], sizes = [128, 128], strides = [1, 1]} : vector<128x384xf32> to vector<128x128xf32>
    %transpose3A_699 = tpu.transpose %slice3A_698, [1, 0] : vector<128x128xf32> -> vector<128x128xf32>
    %slice3A_700 = vector.extract_strided_slice %transpose3A_699 {offsets = [0, 0], sizes = [8, 128], strides = [1, 1]} : vector<128x128xf32> to vector<8x128xf32>
    %slice3A_701 = vector.extract_strided_slice %transpose3A_699 {offsets = [8, 0], sizes = [8, 128], strides = [1, 1]} : vector<128x128xf32> to vector<8x128xf32>
    %add3A_702 = arith.addf %slice3A_700, %slice3A_701 : vector<8x128xf32>
    %slice3A_703 = vector.extract_strided_slice %transpose3A_699 {offsets = [16, 0], sizes = [8, 128], strides = [1, 1]} : vector<128x128xf32> to vector<8x128xf32>
    %add3A_704 = arith.addf %add3A_702, %slice3A_703 : vector<8x128xf32>
    %slice3A_705 = vector.extract_strided_slice %transpose3A_699 {offsets = [24, 0], sizes = [8, 128], strides = [1, 1]} : vector<128x128xf32> to vector<8x128xf32>
    %add3A_706 = arith.addf %add3A_704, %slice3A_705 : vector<8x128xf32>
    %slice3A_707 = vector.extract_strided_slice %transpose3A_699 {offsets = [32, 0], sizes = [8, 128], strides = [1, 1]} : vector<128x128xf32> to vector<8x128xf32>
    %add3A_708 = arith.addf %add3A_706, %slice3A_707 : vector<8x128xf32>
    %slice3A_709 = vector.extract_strided_slice %transpose3A_699 {offsets = [40, 0], sizes = [8, 128], strides = [1, 1]} : vector<128x128xf32> to vector<8x128xf32>
    %add3A_710 = arith.addf %add3A_708, %slice3A_709 : vector<8x128xf32>
    %slice3A_711 = vector.extract_strided_slice %transpose3A_699 {offsets = [48, 0], sizes = [8, 128], strides = [1, 1]} : vector<128x128xf32> to vector<8x128xf32>
    %add3A_712 = arith.addf %add3A_710, %slice3A_711 : vector<8x128xf32>
    %slice3A_713 = vector.extract_strided_slice %transpose3A_699 {offsets = [56, 0], sizes = [8, 128], strides = [1, 1]} : vector<128x128xf32> to vector<8x128xf32>
    %add3A_714 = arith.addf %add3A_712, %slice3A_713 : vector<8x128xf32>
    %slice3A_715 = vector.extract_strided_slice %transpose3A_699 {offsets = [64, 0], sizes = [8, 128], strides = [1, 1]} : vector<128x128xf32> to vector<8x128xf32>
    %add3A_716 = arith.addf %add3A_714, %slice3A_715 : vector<8x128xf32>
    %slice3A_717 = vector.extract_strided_slice %transpose3A_699 {offsets = [72, 0], sizes = [8, 128], strides = [1, 1]} : vector<128x128xf32> to vector<8x128xf32>
    %add3A_718 = arith.addf %add3A_716, %slice3A_717 : vector<8x128xf32>
    %slice3A_719 = vector.extract_strided_slice %transpose3A_699 {offsets = [80, 0], sizes = [8, 128], strides = [1, 1]} : vector<128x128xf32> to vector<8x128xf32>
    %add3A_720 = arith.addf %add3A_718, %slice3A_719 : vector<8x128xf32>
    %slice3A_721 = vector.extract_strided_slice %transpose3A_699 {offsets = [88, 0], sizes = [8, 128], strides = [1, 1]} : vector<128x128xf32> to vector<8x128xf32>
    %add3A_722 = arith.addf %add3A_720, %slice3A_721 : vector<8x128xf32>
    %slice3A_723 = vector.extract_strided_slice %transpose3A_699 {offsets = [96, 0], sizes = [8, 128], strides = [1, 1]} : vector<128x128xf32> to vector<8x128xf32>
    %add3A_724 = arith.addf %add3A_722, %slice3A_723 : vector<8x128xf32>
    %slice3A_725 = vector.extract_strided_slice %transpose3A_699 {offsets = [104, 0], sizes = [8, 128], strides = [1, 1]} : vector<128x128xf32> to vector<8x128xf32>
    %add3A_726 = arith.addf %add3A_724, %slice3A_725 : vector<8x128xf32>
    %slice3A_727 = vector.extract_strided_slice %transpose3A_699 {offsets = [112, 0], sizes = [8, 128], strides = [1, 1]} : vector<128x128xf32> to vector<8x128xf32>
    %add3A_728 = arith.addf %add3A_726, %slice3A_727 : vector<8x128xf32>
    %slice3A_729 = vector.extract_strided_slice %transpose3A_699 {offsets = [120, 0], sizes = [8, 128], strides = [1, 1]} : vector<128x128xf32> to vector<8x128xf32>
    %add3A_730 = arith.addf %add3A_728, %slice3A_729 : vector<8x128xf32>
    %slice3A_731 = vector.extract_strided_slice %add3A_730 {offsets = [0, 0], sizes = [4, 128], strides = [1, 1]} : vector<8x128xf32> to vector<4x128xf32>
    %slice3A_732 = vector.extract_strided_slice %add3A_730 {offsets = [4, 0], sizes = [4, 128], strides = [1, 1]} : vector<8x128xf32> to vector<4x128xf32>
    %add3A_733 = arith.addf %slice3A_731, %slice3A_732 : vector<4x128xf32>
    %slice3A_734 = vector.extract_strided_slice %add3A_733 {offsets = [0, 0], sizes = [2, 128], strides = [1, 1]} : vector<4x128xf32> to vector<2x128xf32>
    %slice3A_735 = vector.extract_strided_slice %add3A_733 {offsets = [2, 0], sizes = [2, 128], strides = [1, 1]} : vector<4x128xf32> to vector<2x128xf32>
    %add3A_736 = arith.addf %slice3A_734, %slice3A_735 : vector<2x128xf32>
    %slice3A_737 = vector.extract_strided_slice %add3A_736 {offsets = [0, 0], sizes = [1, 128], strides = [1, 1]} : vector<2x128xf32> to vector<1x128xf32>
    %slice3A_738 = vector.extract_strided_slice %add3A_736 {offsets = [1, 0], sizes = [1, 128], strides = [1, 1]} : vector<2x128xf32> to vector<1x128xf32>
    %add3A_739 = arith.addf %slice3A_737, %slice3A_738 : vector<1x128xf32>
    %slice3A_740 = vector.extract_strided_slice %mul3A_697 {offsets = [0, 128], sizes = [128, 128], strides = [1, 1]} : vector<128x384xf32> to vector<128x128xf32>
    %transpose3A_741 = tpu.transpose %slice3A_740, [1, 0] : vector<128x128xf32> -> vector<128x128xf32>
    %slice3A_742 = vector.extract_strided_slice %transpose3A_741 {offsets = [0, 0], sizes = [8, 128], strides = [1, 1]} : vector<128x128xf32> to vector<8x128xf32>
    %slice3A_743 = vector.extract_strided_slice %transpose3A_741 {offsets = [8, 0], sizes = [8, 128], strides = [1, 1]} : vector<128x128xf32> to vector<8x128xf32>
    %add3A_744 = arith.addf %slice3A_742, %slice3A_743 : vector<8x128xf32>
    %slice3A_745 = vector.extract_strided_slice %transpose3A_741 {offsets = [16, 0], sizes = [8, 128], strides = [1, 1]} : vector<128x128xf32> to vector<8x128xf32>
    %add3A_746 = arith.addf %add3A_744, %slice3A_745 : vector<8x128xf32>
    %slice3A_747 = vector.extract_strided_slice %transpose3A_741 {offsets = [24, 0], sizes = [8, 128], strides = [1, 1]} : vector<128x128xf32> to vector<8x128xf32>
    %add3A_748 = arith.addf %add3A_746, %slice3A_747 : vector<8x128xf32>
    %slice3A_749 = vector.extract_strided_slice %transpose3A_741 {offsets = [32, 0], sizes = [8, 128], strides = [1, 1]} : vector<128x128xf32> to vector<8x128xf32>
    %add3A_750 = arith.addf %add3A_748, %slice3A_749 : vector<8x128xf32>
    %slice3A_751 = vector.extract_strided_slice %transpose3A_741 {offsets = [40, 0], sizes = [8, 128], strides = [1, 1]} : vector<128x128xf32> to vector<8x128xf32>
    %add3A_752 = arith.addf %add3A_750, %slice3A_751 : vector<8x128xf32>
    %slice3A_753 = vector.extract_strided_slice %transpose3A_741 {offsets = [48, 0], sizes = [8, 128], strides = [1, 1]} : vector<128x128xf32> to vector<8x128xf32>
    %add3A_754 = arith.addf %add3A_752, %slice3A_753 : vector<8x128xf32>
    %slice3A_755 = vector.extract_strided_slice %transpose3A_741 {offsets = [56, 0], sizes = [8, 128], strides = [1, 1]} : vector<128x128xf32> to vector<8x128xf32>
    %add3A_756 = arith.addf %add3A_754, %slice3A_755 : vector<8x128xf32>
    %slice3A_757 = vector.extract_strided_slice %transpose3A_741 {offsets = [64, 0], sizes = [8, 128], strides = [1, 1]} : vector<128x128xf32> to vector<8x128xf32>
    %add3A_758 = arith.addf %add3A_756, %slice3A_757 : vector<8x128xf32>
    %slice3A_759 = vector.extract_strided_slice %transpose3A_741 {offsets = [72, 0], sizes = [8, 128], strides = [1, 1]} : vector<128x128xf32> to vector<8x128xf32>
    %add3A_760 = arith.addf %add3A_758, %slice3A_759 : vector<8x128xf32>
    %slice3A_761 = vector.extract_strided_slice %transpose3A_741 {offsets = [80, 0], sizes = [8, 128], strides = [1, 1]} : vector<128x128xf32> to vector<8x128xf32>
    %add3A_762 = arith.addf %add3A_760, %slice3A_761 : vector<8x128xf32>
    %slice3A_763 = vector.extract_strided_slice %transpose3A_741 {offsets = [88, 0], sizes = [8, 128], strides = [1, 1]} : vector<128x128xf32> to vector<8x128xf32>
    %add3A_764 = arith.addf %add3A_762, %slice3A_763 : vector<8x128xf32>
    %slice3A_765 = vector.extract_strided_slice %transpose3A_741 {offsets = [96, 0], sizes = [8, 128], strides = [1, 1]} : vector<128x128xf32> to vector<8x128xf32>
    %add3A_766 = arith.addf %add3A_764, %slice3A_765 : vector<8x128xf32>
    %slice3A_767 = vector.extract_strided_slice %transpose3A_741 {offsets = [104, 0], sizes = [8, 128], strides = [1, 1]} : vector<128x128xf32> to vector<8x128xf32>
    %add3A_768 = arith.addf %add3A_766, %slice3A_767 : vector<8x128xf32>
    %slice3A_769 = vector.extract_strided_slice %transpose3A_741 {offsets = [112, 0], sizes = [8, 128], strides = [1, 1]} : vector<128x128xf32> to vector<8x128xf32>
    %add3A_770 = arith.addf %add3A_768, %slice3A_769 : vector<8x128xf32>
    %slice3A_771 = vector.extract_strided_slice %transpose3A_741 {offsets = [120, 0], sizes = [8, 128], strides = [1, 1]} : vector<128x128xf32> to vector<8x128xf32>
    %add3A_772 = arith.addf %add3A_770, %slice3A_771 : vector<8x128xf32>
    %slice3A_773 = vector.extract_strided_slice %add3A_772 {offsets = [0, 0], sizes = [4, 128], strides = [1, 1]} : vector<8x128xf32> to vector<4x128xf32>
    %slice3A_774 = vector.extract_strided_slice %add3A_772 {offsets = [4, 0], sizes = [4, 128], strides = [1, 1]} : vector<8x128xf32> to vector<4x128xf32>
    %add3A_775 = arith.addf %slice3A_773, %slice3A_774 : vector<4x128xf32>
    %slice3A_776 = vector.extract_strided_slice %add3A_775 {offsets = [0, 0], sizes = [2, 128], strides = [1, 1]} : vector<4x128xf32> to vector<2x128xf32>
    %slice3A_777 = vector.extract_strided_slice %add3A_775 {offsets = [2, 0], sizes = [2, 128], strides = [1, 1]} : vector<4x128xf32> to vector<2x128xf32>
    %add3A_778 = arith.addf %slice3A_776, %slice3A_777 : vector<2x128xf32>
    %slice3A_779 = vector.extract_strided_slice %add3A_778 {offsets = [0, 0], sizes = [1, 128], strides = [1, 1]} : vector<2x128xf32> to vector<1x128xf32>
    %slice3A_780 = vector.extract_strided_slice %add3A_778 {offsets = [1, 0], sizes = [1, 128], strides = [1, 1]} : vector<2x128xf32> to vector<1x128xf32>
    %add3A_781 = arith.addf %slice3A_779, %slice3A_780 : vector<1x128xf32>
    %slice3A_782 = vector.extract_strided_slice %mul3A_697 {offsets = [0, 256], sizes = [128, 128], strides = [1, 1]} : vector<128x384xf32> to vector<128x128xf32>
    %transpose3A_783 = tpu.transpose %slice3A_782, [1, 0] : vector<128x128xf32> -> vector<128x128xf32>
    %slice3A_784 = vector.extract_strided_slice %transpose3A_783 {offsets = [0, 0], sizes = [8, 128], strides = [1, 1]} : vector<128x128xf32> to vector<8x128xf32>
    %slice3A_785 = vector.extract_strided_slice %transpose3A_783 {offsets = [8, 0], sizes = [8, 128], strides = [1, 1]} : vector<128x128xf32> to vector<8x128xf32>
    %add3A_786 = arith.addf %slice3A_784, %slice3A_785 : vector<8x128xf32>
    %slice3A_787 = vector.extract_strided_slice %transpose3A_783 {offsets = [16, 0], sizes = [8, 128], strides = [1, 1]} : vector<128x128xf32> to vector<8x128xf32>
    %add3A_788 = arith.addf %add3A_786, %slice3A_787 : vector<8x128xf32>
    %slice3A_789 = vector.extract_strided_slice %transpose3A_783 {offsets = [24, 0], sizes = [8, 128], strides = [1, 1]} : vector<128x128xf32> to vector<8x128xf32>
    %add3A_790 = arith.addf %add3A_788, %slice3A_789 : vector<8x128xf32>
    %slice3A_791 = vector.extract_strided_slice %transpose3A_783 {offsets = [32, 0], sizes = [8, 128], strides = [1, 1]} : vector<128x128xf32> to vector<8x128xf32>
    %add3A_792 = arith.addf %add3A_790, %slice3A_791 : vector<8x128xf32>
    %slice3A_793 = vector.extract_strided_slice %transpose3A_783 {offsets = [40, 0], sizes = [8, 128], strides = [1, 1]} : vector<128x128xf32> to vector<8x128xf32>
    %add3A_794 = arith.addf %add3A_792, %slice3A_793 : vector<8x128xf32>
    %slice3A_795 = vector.extract_strided_slice %transpose3A_783 {offsets = [48, 0], sizes = [8, 128], strides = [1, 1]} : vector<128x128xf32> to vector<8x128xf32>
    %add3A_796 = arith.addf %add3A_794, %slice3A_795 : vector<8x128xf32>
    %slice3A_797 = vector.extract_strided_slice %transpose3A_783 {offsets = [56, 0], sizes = [8, 128], strides = [1, 1]} : vector<128x128xf32> to vector<8x128xf32>
    %add3A_798 = arith.addf %add3A_796, %slice3A_797 : vector<8x128xf32>
    %slice3A_799 = vector.extract_strided_slice %transpose3A_783 {offsets = [64, 0], sizes = [8, 128], strides = [1, 1]} : vector<128x128xf32> to vector<8x128xf32>
    %add3A_800 = arith.addf %add3A_798, %slice3A_799 : vector<8x128xf32>
    %slice3A_801 = vector.extract_strided_slice %transpose3A_783 {offsets = [72, 0], sizes = [8, 128], strides = [1, 1]} : vector<128x128xf32> to vector<8x128xf32>
    %add3A_802 = arith.addf %add3A_800, %slice3A_801 : vector<8x128xf32>
    %slice3A_803 = vector.extract_strided_slice %transpose3A_783 {offsets = [80, 0], sizes = [8, 128], strides = [1, 1]} : vector<128x128xf32> to vector<8x128xf32>
    %add3A_804 = arith.addf %add3A_802, %slice3A_803 : vector<8x128xf32>
    %slice3A_805 = vector.extract_strided_slice %transpose3A_783 {offsets = [88, 0], sizes = [8, 128], strides = [1, 1]} : vector<128x128xf32> to vector<8x128xf32>
    %add3A_806 = arith.addf %add3A_804, %slice3A_805 : vector<8x128xf32>
    %slice3A_807 = vector.extract_strided_slice %transpose3A_783 {offsets = [96, 0], sizes = [8, 128], strides = [1, 1]} : vector<128x128xf32> to vector<8x128xf32>
    %add3A_808 = arith.addf %add3A_806, %slice3A_807 : vector<8x128xf32>
    %slice3A_809 = vector.extract_strided_slice %transpose3A_783 {offsets = [104, 0], sizes = [8, 128], strides = [1, 1]} : vector<128x128xf32> to vector<8x128xf32>
    %add3A_810 = arith.addf %add3A_808, %slice3A_809 : vector<8x128xf32>
    %slice3A_811 = vector.extract_strided_slice %transpose3A_783 {offsets = [112, 0], sizes = [8, 128], strides = [1, 1]} : vector<128x128xf32> to vector<8x128xf32>
    %add3A_812 = arith.addf %add3A_810, %slice3A_811 : vector<8x128xf32>
    %slice3A_813 = vector.extract_strided_slice %transpose3A_783 {offsets = [120, 0], sizes = [8, 128], strides = [1, 1]} : vector<128x128xf32> to vector<8x128xf32>
    %add3A_814 = arith.addf %add3A_812, %slice3A_813 : vector<8x128xf32>
    %slice3A_815 = vector.extract_strided_slice %add3A_814 {offsets = [0, 0], sizes = [4, 128], strides = [1, 1]} : vector<8x128xf32> to vector<4x128xf32>
    %slice3A_816 = vector.extract_strided_slice %add3A_814 {offsets = [4, 0], sizes = [4, 128], strides = [1, 1]} : vector<8x128xf32> to vector<4x128xf32>
    %add3A_817 = arith.addf %slice3A_815, %slice3A_816 : vector<4x128xf32>
    %slice3A_818 = vector.extract_strided_slice %add3A_817 {offsets = [0, 0], sizes = [2, 128], strides = [1, 1]} : vector<4x128xf32> to vector<2x128xf32>
    %slice3A_819 = vector.extract_strided_slice %add3A_817 {offsets = [2, 0], sizes = [2, 128], strides = [1, 1]} : vector<4x128xf32> to vector<2x128xf32>
    %add3A_820 = arith.addf %slice3A_818, %slice3A_819 : vector<2x128xf32>
    %slice3A_821 = vector.extract_strided_slice %add3A_820 {offsets = [0, 0], sizes = [1, 128], strides = [1, 1]} : vector<2x128xf32> to vector<1x128xf32>
    %slice3A_822 = vector.extract_strided_slice %add3A_820 {offsets = [1, 0], sizes = [1, 128], strides = [1, 1]} : vector<2x128xf32> to vector<1x128xf32>
    %add3A_823 = arith.addf %slice3A_821, %slice3A_822 : vector<1x128xf32>
    %add3A_824 = arith.addf %add3A_739, %add3A_781 : vector<1x128xf32>
    %add3A_825 = arith.addf %add3A_824, %add3A_823 : vector<1x128xf32>
    %get3A_826 = arith.constant 0 : index
    %get3A_827 = arith.constant 640 : index
    %get3A_828 = arith.constant 0 : index
    %get3A_829 = vector.load %arg1[%get3A_826, %get3A_827, %get3A_828] : memref<1x1024x384xf32, #tpu.memory_space<vmem>>, vector<1x128x384xf32>
    %get3A_830 = vector.shape_cast %get3A_829 : vector<1x128x384xf32> to vector<128x384xf32>
    %slice3A_831 = vector.extract_strided_slice %get3A_830 {offsets = [0, 0], sizes = [8, 384], strides = [1, 1]} : vector<128x384xf32> to vector<8x384xf32>
    %add3A_832 = arith.addf %add3A_696, %slice3A_831 : vector<8x384xf32>
    %slice3A_833 = vector.extract_strided_slice %get3A_830 {offsets = [8, 0], sizes = [8, 384], strides = [1, 1]} : vector<128x384xf32> to vector<8x384xf32>
    %add3A_834 = arith.addf %add3A_832, %slice3A_833 : vector<8x384xf32>
    %slice3A_835 = vector.extract_strided_slice %get3A_830 {offsets = [16, 0], sizes = [8, 384], strides = [1, 1]} : vector<128x384xf32> to vector<8x384xf32>
    %add3A_836 = arith.addf %add3A_834, %slice3A_835 : vector<8x384xf32>
    %slice3A_837 = vector.extract_strided_slice %get3A_830 {offsets = [24, 0], sizes = [8, 384], strides = [1, 1]} : vector<128x384xf32> to vector<8x384xf32>
    %add3A_838 = arith.addf %add3A_836, %slice3A_837 : vector<8x384xf32>
    %slice3A_839 = vector.extract_strided_slice %get3A_830 {offsets = [32, 0], sizes = [8, 384], strides = [1, 1]} : vector<128x384xf32> to vector<8x384xf32>
    %add3A_840 = arith.addf %add3A_838, %slice3A_839 : vector<8x384xf32>
    %slice3A_841 = vector.extract_strided_slice %get3A_830 {offsets = [40, 0], sizes = [8, 384], strides = [1, 1]} : vector<128x384xf32> to vector<8x384xf32>
    %add3A_842 = arith.addf %add3A_840, %slice3A_841 : vector<8x384xf32>
    %slice3A_843 = vector.extract_strided_slice %get3A_830 {offsets = [48, 0], sizes = [8, 384], strides = [1, 1]} : vector<128x384xf32> to vector<8x384xf32>
    %add3A_844 = arith.addf %add3A_842, %slice3A_843 : vector<8x384xf32>
    %slice3A_845 = vector.extract_strided_slice %get3A_830 {offsets = [56, 0], sizes = [8, 384], strides = [1, 1]} : vector<128x384xf32> to vector<8x384xf32>
    %add3A_846 = arith.addf %add3A_844, %slice3A_845 : vector<8x384xf32>
    %slice3A_847 = vector.extract_strided_slice %get3A_830 {offsets = [64, 0], sizes = [8, 384], strides = [1, 1]} : vector<128x384xf32> to vector<8x384xf32>
    %add3A_848 = arith.addf %add3A_846, %slice3A_847 : vector<8x384xf32>
    %slice3A_849 = vector.extract_strided_slice %get3A_830 {offsets = [72, 0], sizes = [8, 384], strides = [1, 1]} : vector<128x384xf32> to vector<8x384xf32>
    %add3A_850 = arith.addf %add3A_848, %slice3A_849 : vector<8x384xf32>
    %slice3A_851 = vector.extract_strided_slice %get3A_830 {offsets = [80, 0], sizes = [8, 384], strides = [1, 1]} : vector<128x384xf32> to vector<8x384xf32>
    %add3A_852 = arith.addf %add3A_850, %slice3A_851 : vector<8x384xf32>
    %slice3A_853 = vector.extract_strided_slice %get3A_830 {offsets = [88, 0], sizes = [8, 384], strides = [1, 1]} : vector<128x384xf32> to vector<8x384xf32>
    %add3A_854 = arith.addf %add3A_852, %slice3A_853 : vector<8x384xf32>
    %slice3A_855 = vector.extract_strided_slice %get3A_830 {offsets = [96, 0], sizes = [8, 384], strides = [1, 1]} : vector<128x384xf32> to vector<8x384xf32>
    %add3A_856 = arith.addf %add3A_854, %slice3A_855 : vector<8x384xf32>
    %slice3A_857 = vector.extract_strided_slice %get3A_830 {offsets = [104, 0], sizes = [8, 384], strides = [1, 1]} : vector<128x384xf32> to vector<8x384xf32>
    %add3A_858 = arith.addf %add3A_856, %slice3A_857 : vector<8x384xf32>
    %slice3A_859 = vector.extract_strided_slice %get3A_830 {offsets = [112, 0], sizes = [8, 384], strides = [1, 1]} : vector<128x384xf32> to vector<8x384xf32>
    %add3A_860 = arith.addf %add3A_858, %slice3A_859 : vector<8x384xf32>
    %slice3A_861 = vector.extract_strided_slice %get3A_830 {offsets = [120, 0], sizes = [8, 384], strides = [1, 1]} : vector<128x384xf32> to vector<8x384xf32>
    %add3A_862 = arith.addf %add3A_860, %slice3A_861 : vector<8x384xf32>
    %mul3A_863 = arith.mulf %get3A_830, %get3A_830 : vector<128x384xf32>
    %slice3A_864 = vector.extract_strided_slice %mul3A_863 {offsets = [0, 0], sizes = [128, 128], strides = [1, 1]} : vector<128x384xf32> to vector<128x128xf32>
    %transpose3A_865 = tpu.transpose %slice3A_864, [1, 0] : vector<128x128xf32> -> vector<128x128xf32>
    %slice3A_866 = vector.extract_strided_slice %transpose3A_865 {offsets = [0, 0], sizes = [8, 128], strides = [1, 1]} : vector<128x128xf32> to vector<8x128xf32>
    %slice3A_867 = vector.extract_strided_slice %transpose3A_865 {offsets = [8, 0], sizes = [8, 128], strides = [1, 1]} : vector<128x128xf32> to vector<8x128xf32>
    %add3A_868 = arith.addf %slice3A_866, %slice3A_867 : vector<8x128xf32>
    %slice3A_869 = vector.extract_strided_slice %transpose3A_865 {offsets = [16, 0], sizes = [8, 128], strides = [1, 1]} : vector<128x128xf32> to vector<8x128xf32>
    %add3A_870 = arith.addf %add3A_868, %slice3A_869 : vector<8x128xf32>
    %slice3A_871 = vector.extract_strided_slice %transpose3A_865 {offsets = [24, 0], sizes = [8, 128], strides = [1, 1]} : vector<128x128xf32> to vector<8x128xf32>
    %add3A_872 = arith.addf %add3A_870, %slice3A_871 : vector<8x128xf32>
    %slice3A_873 = vector.extract_strided_slice %transpose3A_865 {offsets = [32, 0], sizes = [8, 128], strides = [1, 1]} : vector<128x128xf32> to vector<8x128xf32>
    %add3A_874 = arith.addf %add3A_872, %slice3A_873 : vector<8x128xf32>
    %slice3A_875 = vector.extract_strided_slice %transpose3A_865 {offsets = [40, 0], sizes = [8, 128], strides = [1, 1]} : vector<128x128xf32> to vector<8x128xf32>
    %add3A_876 = arith.addf %add3A_874, %slice3A_875 : vector<8x128xf32>
    %slice3A_877 = vector.extract_strided_slice %transpose3A_865 {offsets = [48, 0], sizes = [8, 128], strides = [1, 1]} : vector<128x128xf32> to vector<8x128xf32>
    %add3A_878 = arith.addf %add3A_876, %slice3A_877 : vector<8x128xf32>
    %slice3A_879 = vector.extract_strided_slice %transpose3A_865 {offsets = [56, 0], sizes = [8, 128], strides = [1, 1]} : vector<128x128xf32> to vector<8x128xf32>
    %add3A_880 = arith.addf %add3A_878, %slice3A_879 : vector<8x128xf32>
    %slice3A_881 = vector.extract_strided_slice %transpose3A_865 {offsets = [64, 0], sizes = [8, 128], strides = [1, 1]} : vector<128x128xf32> to vector<8x128xf32>
    %add3A_882 = arith.addf %add3A_880, %slice3A_881 : vector<8x128xf32>
    %slice3A_883 = vector.extract_strided_slice %transpose3A_865 {offsets = [72, 0], sizes = [8, 128], strides = [1, 1]} : vector<128x128xf32> to vector<8x128xf32>
    %add3A_884 = arith.addf %add3A_882, %slice3A_883 : vector<8x128xf32>
    %slice3A_885 = vector.extract_strided_slice %transpose3A_865 {offsets = [80, 0], sizes = [8, 128], strides = [1, 1]} : vector<128x128xf32> to vector<8x128xf32>
    %add3A_886 = arith.addf %add3A_884, %slice3A_885 : vector<8x128xf32>
    %slice3A_887 = vector.extract_strided_slice %transpose3A_865 {offsets = [88, 0], sizes = [8, 128], strides = [1, 1]} : vector<128x128xf32> to vector<8x128xf32>
    %add3A_888 = arith.addf %add3A_886, %slice3A_887 : vector<8x128xf32>
    %slice3A_889 = vector.extract_strided_slice %transpose3A_865 {offsets = [96, 0], sizes = [8, 128], strides = [1, 1]} : vector<128x128xf32> to vector<8x128xf32>
    %add3A_890 = arith.addf %add3A_888, %slice3A_889 : vector<8x128xf32>
    %slice3A_891 = vector.extract_strided_slice %transpose3A_865 {offsets = [104, 0], sizes = [8, 128], strides = [1, 1]} : vector<128x128xf32> to vector<8x128xf32>
    %add3A_892 = arith.addf %add3A_890, %slice3A_891 : vector<8x128xf32>
    %slice3A_893 = vector.extract_strided_slice %transpose3A_865 {offsets = [112, 0], sizes = [8, 128], strides = [1, 1]} : vector<128x128xf32> to vector<8x128xf32>
    %add3A_894 = arith.addf %add3A_892, %slice3A_893 : vector<8x128xf32>
    %slice3A_895 = vector.extract_strided_slice %transpose3A_865 {offsets = [120, 0], sizes = [8, 128], strides = [1, 1]} : vector<128x128xf32> to vector<8x128xf32>
    %add3A_896 = arith.addf %add3A_894, %slice3A_895 : vector<8x128xf32>
    %slice3A_897 = vector.extract_strided_slice %add3A_896 {offsets = [0, 0], sizes = [4, 128], strides = [1, 1]} : vector<8x128xf32> to vector<4x128xf32>
    %slice3A_898 = vector.extract_strided_slice %add3A_896 {offsets = [4, 0], sizes = [4, 128], strides = [1, 1]} : vector<8x128xf32> to vector<4x128xf32>
    %add3A_899 = arith.addf %slice3A_897, %slice3A_898 : vector<4x128xf32>
    %slice3A_900 = vector.extract_strided_slice %add3A_899 {offsets = [0, 0], sizes = [2, 128], strides = [1, 1]} : vector<4x128xf32> to vector<2x128xf32>
    %slice3A_901 = vector.extract_strided_slice %add3A_899 {offsets = [2, 0], sizes = [2, 128], strides = [1, 1]} : vector<4x128xf32> to vector<2x128xf32>
    %add3A_902 = arith.addf %slice3A_900, %slice3A_901 : vector<2x128xf32>
    %slice3A_903 = vector.extract_strided_slice %add3A_902 {offsets = [0, 0], sizes = [1, 128], strides = [1, 1]} : vector<2x128xf32> to vector<1x128xf32>
    %slice3A_904 = vector.extract_strided_slice %add3A_902 {offsets = [1, 0], sizes = [1, 128], strides = [1, 1]} : vector<2x128xf32> to vector<1x128xf32>
    %add3A_905 = arith.addf %slice3A_903, %slice3A_904 : vector<1x128xf32>
    %slice3A_906 = vector.extract_strided_slice %mul3A_863 {offsets = [0, 128], sizes = [128, 128], strides = [1, 1]} : vector<128x384xf32> to vector<128x128xf32>
    %transpose3A_907 = tpu.transpose %slice3A_906, [1, 0] : vector<128x128xf32> -> vector<128x128xf32>
    %slice3A_908 = vector.extract_strided_slice %transpose3A_907 {offsets = [0, 0], sizes = [8, 128], strides = [1, 1]} : vector<128x128xf32> to vector<8x128xf32>
    %slice3A_909 = vector.extract_strided_slice %transpose3A_907 {offsets = [8, 0], sizes = [8, 128], strides = [1, 1]} : vector<128x128xf32> to vector<8x128xf32>
    %add3A_910 = arith.addf %slice3A_908, %slice3A_909 : vector<8x128xf32>
    %slice3A_911 = vector.extract_strided_slice %transpose3A_907 {offsets = [16, 0], sizes = [8, 128], strides = [1, 1]} : vector<128x128xf32> to vector<8x128xf32>
    %add3A_912 = arith.addf %add3A_910, %slice3A_911 : vector<8x128xf32>
    %slice3A_913 = vector.extract_strided_slice %transpose3A_907 {offsets = [24, 0], sizes = [8, 128], strides = [1, 1]} : vector<128x128xf32> to vector<8x128xf32>
    %add3A_914 = arith.addf %add3A_912, %slice3A_913 : vector<8x128xf32>
    %slice3A_915 = vector.extract_strided_slice %transpose3A_907 {offsets = [32, 0], sizes = [8, 128], strides = [1, 1]} : vector<128x128xf32> to vector<8x128xf32>
    %add3A_916 = arith.addf %add3A_914, %slice3A_915 : vector<8x128xf32>
    %slice3A_917 = vector.extract_strided_slice %transpose3A_907 {offsets = [40, 0], sizes = [8, 128], strides = [1, 1]} : vector<128x128xf32> to vector<8x128xf32>
    %add3A_918 = arith.addf %add3A_916, %slice3A_917 : vector<8x128xf32>
    %slice3A_919 = vector.extract_strided_slice %transpose3A_907 {offsets = [48, 0], sizes = [8, 128], strides = [1, 1]} : vector<128x128xf32> to vector<8x128xf32>
    %add3A_920 = arith.addf %add3A_918, %slice3A_919 : vector<8x128xf32>
    %slice3A_921 = vector.extract_strided_slice %transpose3A_907 {offsets = [56, 0], sizes = [8, 128], strides = [1, 1]} : vector<128x128xf32> to vector<8x128xf32>
    %add3A_922 = arith.addf %add3A_920, %slice3A_921 : vector<8x128xf32>
    %slice3A_923 = vector.extract_strided_slice %transpose3A_907 {offsets = [64, 0], sizes = [8, 128], strides = [1, 1]} : vector<128x128xf32> to vector<8x128xf32>
    %add3A_924 = arith.addf %add3A_922, %slice3A_923 : vector<8x128xf32>
    %slice3A_925 = vector.extract_strided_slice %transpose3A_907 {offsets = [72, 0], sizes = [8, 128], strides = [1, 1]} : vector<128x128xf32> to vector<8x128xf32>
    %add3A_926 = arith.addf %add3A_924, %slice3A_925 : vector<8x128xf32>
    %slice3A_927 = vector.extract_strided_slice %transpose3A_907 {offsets = [80, 0], sizes = [8, 128], strides = [1, 1]} : vector<128x128xf32> to vector<8x128xf32>
    %add3A_928 = arith.addf %add3A_926, %slice3A_927 : vector<8x128xf32>
    %slice3A_929 = vector.extract_strided_slice %transpose3A_907 {offsets = [88, 0], sizes = [8, 128], strides = [1, 1]} : vector<128x128xf32> to vector<8x128xf32>
    %add3A_930 = arith.addf %add3A_928, %slice3A_929 : vector<8x128xf32>
    %slice3A_931 = vector.extract_strided_slice %transpose3A_907 {offsets = [96, 0], sizes = [8, 128], strides = [1, 1]} : vector<128x128xf32> to vector<8x128xf32>
    %add3A_932 = arith.addf %add3A_930, %slice3A_931 : vector<8x128xf32>
    %slice3A_933 = vector.extract_strided_slice %transpose3A_907 {offsets = [104, 0], sizes = [8, 128], strides = [1, 1]} : vector<128x128xf32> to vector<8x128xf32>
    %add3A_934 = arith.addf %add3A_932, %slice3A_933 : vector<8x128xf32>
    %slice3A_935 = vector.extract_strided_slice %transpose3A_907 {offsets = [112, 0], sizes = [8, 128], strides = [1, 1]} : vector<128x128xf32> to vector<8x128xf32>
    %add3A_936 = arith.addf %add3A_934, %slice3A_935 : vector<8x128xf32>
    %slice3A_937 = vector.extract_strided_slice %transpose3A_907 {offsets = [120, 0], sizes = [8, 128], strides = [1, 1]} : vector<128x128xf32> to vector<8x128xf32>
    %add3A_938 = arith.addf %add3A_936, %slice3A_937 : vector<8x128xf32>
    %slice3A_939 = vector.extract_strided_slice %add3A_938 {offsets = [0, 0], sizes = [4, 128], strides = [1, 1]} : vector<8x128xf32> to vector<4x128xf32>
    %slice3A_940 = vector.extract_strided_slice %add3A_938 {offsets = [4, 0], sizes = [4, 128], strides = [1, 1]} : vector<8x128xf32> to vector<4x128xf32>
    %add3A_941 = arith.addf %slice3A_939, %slice3A_940 : vector<4x128xf32>
    %slice3A_942 = vector.extract_strided_slice %add3A_941 {offsets = [0, 0], sizes = [2, 128], strides = [1, 1]} : vector<4x128xf32> to vector<2x128xf32>
    %slice3A_943 = vector.extract_strided_slice %add3A_941 {offsets = [2, 0], sizes = [2, 128], strides = [1, 1]} : vector<4x128xf32> to vector<2x128xf32>
    %add3A_944 = arith.addf %slice3A_942, %slice3A_943 : vector<2x128xf32>
    %slice3A_945 = vector.extract_strided_slice %add3A_944 {offsets = [0, 0], sizes = [1, 128], strides = [1, 1]} : vector<2x128xf32> to vector<1x128xf32>
    %slice3A_946 = vector.extract_strided_slice %add3A_944 {offsets = [1, 0], sizes = [1, 128], strides = [1, 1]} : vector<2x128xf32> to vector<1x128xf32>
    %add3A_947 = arith.addf %slice3A_945, %slice3A_946 : vector<1x128xf32>
    %slice3A_948 = vector.extract_strided_slice %mul3A_863 {offsets = [0, 256], sizes = [128, 128], strides = [1, 1]} : vector<128x384xf32> to vector<128x128xf32>
    %transpose3A_949 = tpu.transpose %slice3A_948, [1, 0] : vector<128x128xf32> -> vector<128x128xf32>
    %slice3A_950 = vector.extract_strided_slice %transpose3A_949 {offsets = [0, 0], sizes = [8, 128], strides = [1, 1]} : vector<128x128xf32> to vector<8x128xf32>
    %slice3A_951 = vector.extract_strided_slice %transpose3A_949 {offsets = [8, 0], sizes = [8, 128], strides = [1, 1]} : vector<128x128xf32> to vector<8x128xf32>
    %add3A_952 = arith.addf %slice3A_950, %slice3A_951 : vector<8x128xf32>
    %slice3A_953 = vector.extract_strided_slice %transpose3A_949 {offsets = [16, 0], sizes = [8, 128], strides = [1, 1]} : vector<128x128xf32> to vector<8x128xf32>
    %add3A_954 = arith.addf %add3A_952, %slice3A_953 : vector<8x128xf32>
    %slice3A_955 = vector.extract_strided_slice %transpose3A_949 {offsets = [24, 0], sizes = [8, 128], strides = [1, 1]} : vector<128x128xf32> to vector<8x128xf32>
    %add3A_956 = arith.addf %add3A_954, %slice3A_955 : vector<8x128xf32>
    %slice3A_957 = vector.extract_strided_slice %transpose3A_949 {offsets = [32, 0], sizes = [8, 128], strides = [1, 1]} : vector<128x128xf32> to vector<8x128xf32>
    %add3A_958 = arith.addf %add3A_956, %slice3A_957 : vector<8x128xf32>
    %slice3A_959 = vector.extract_strided_slice %transpose3A_949 {offsets = [40, 0], sizes = [8, 128], strides = [1, 1]} : vector<128x128xf32> to vector<8x128xf32>
    %add3A_960 = arith.addf %add3A_958, %slice3A_959 : vector<8x128xf32>
    %slice3A_961 = vector.extract_strided_slice %transpose3A_949 {offsets = [48, 0], sizes = [8, 128], strides = [1, 1]} : vector<128x128xf32> to vector<8x128xf32>
    %add3A_962 = arith.addf %add3A_960, %slice3A_961 : vector<8x128xf32>
    %slice3A_963 = vector.extract_strided_slice %transpose3A_949 {offsets = [56, 0], sizes = [8, 128], strides = [1, 1]} : vector<128x128xf32> to vector<8x128xf32>
    %add3A_964 = arith.addf %add3A_962, %slice3A_963 : vector<8x128xf32>
    %slice3A_965 = vector.extract_strided_slice %transpose3A_949 {offsets = [64, 0], sizes = [8, 128], strides = [1, 1]} : vector<128x128xf32> to vector<8x128xf32>
    %add3A_966 = arith.addf %add3A_964, %slice3A_965 : vector<8x128xf32>
    %slice3A_967 = vector.extract_strided_slice %transpose3A_949 {offsets = [72, 0], sizes = [8, 128], strides = [1, 1]} : vector<128x128xf32> to vector<8x128xf32>
    %add3A_968 = arith.addf %add3A_966, %slice3A_967 : vector<8x128xf32>
    %slice3A_969 = vector.extract_strided_slice %transpose3A_949 {offsets = [80, 0], sizes = [8, 128], strides = [1, 1]} : vector<128x128xf32> to vector<8x128xf32>
    %add3A_970 = arith.addf %add3A_968, %slice3A_969 : vector<8x128xf32>
    %slice3A_971 = vector.extract_strided_slice %transpose3A_949 {offsets = [88, 0], sizes = [8, 128], strides = [1, 1]} : vector<128x128xf32> to vector<8x128xf32>
    %add3A_972 = arith.addf %add3A_970, %slice3A_971 : vector<8x128xf32>
    %slice3A_973 = vector.extract_strided_slice %transpose3A_949 {offsets = [96, 0], sizes = [8, 128], strides = [1, 1]} : vector<128x128xf32> to vector<8x128xf32>
    %add3A_974 = arith.addf %add3A_972, %slice3A_973 : vector<8x128xf32>
    %slice3A_975 = vector.extract_strided_slice %transpose3A_949 {offsets = [104, 0], sizes = [8, 128], strides = [1, 1]} : vector<128x128xf32> to vector<8x128xf32>
    %add3A_976 = arith.addf %add3A_974, %slice3A_975 : vector<8x128xf32>
    %slice3A_977 = vector.extract_strided_slice %transpose3A_949 {offsets = [112, 0], sizes = [8, 128], strides = [1, 1]} : vector<128x128xf32> to vector<8x128xf32>
    %add3A_978 = arith.addf %add3A_976, %slice3A_977 : vector<8x128xf32>
    %slice3A_979 = vector.extract_strided_slice %transpose3A_949 {offsets = [120, 0], sizes = [8, 128], strides = [1, 1]} : vector<128x128xf32> to vector<8x128xf32>
    %add3A_980 = arith.addf %add3A_978, %slice3A_979 : vector<8x128xf32>
    %slice3A_981 = vector.extract_strided_slice %add3A_980 {offsets = [0, 0], sizes = [4, 128], strides = [1, 1]} : vector<8x128xf32> to vector<4x128xf32>
    %slice3A_982 = vector.extract_strided_slice %add3A_980 {offsets = [4, 0], sizes = [4, 128], strides = [1, 1]} : vector<8x128xf32> to vector<4x128xf32>
    %add3A_983 = arith.addf %slice3A_981, %slice3A_982 : vector<4x128xf32>
    %slice3A_984 = vector.extract_strided_slice %add3A_983 {offsets = [0, 0], sizes = [2, 128], strides = [1, 1]} : vector<4x128xf32> to vector<2x128xf32>
    %slice3A_985 = vector.extract_strided_slice %add3A_983 {offsets = [2, 0], sizes = [2, 128], strides = [1, 1]} : vector<4x128xf32> to vector<2x128xf32>
    %add3A_986 = arith.addf %slice3A_984, %slice3A_985 : vector<2x128xf32>
    %slice3A_987 = vector.extract_strided_slice %add3A_986 {offsets = [0, 0], sizes = [1, 128], strides = [1, 1]} : vector<2x128xf32> to vector<1x128xf32>
    %slice3A_988 = vector.extract_strided_slice %add3A_986 {offsets = [1, 0], sizes = [1, 128], strides = [1, 1]} : vector<2x128xf32> to vector<1x128xf32>
    %add3A_989 = arith.addf %slice3A_987, %slice3A_988 : vector<1x128xf32>
    %add3A_990 = arith.addf %add3A_905, %add3A_947 : vector<1x128xf32>
    %add3A_991 = arith.addf %add3A_990, %add3A_989 : vector<1x128xf32>
    %get3A_992 = arith.constant 0 : index
    %get3A_993 = arith.constant 768 : index
    %get3A_994 = arith.constant 0 : index
    %get3A_995 = vector.load %arg1[%get3A_992, %get3A_993, %get3A_994] : memref<1x1024x384xf32, #tpu.memory_space<vmem>>, vector<1x128x384xf32>
    %get3A_996 = vector.shape_cast %get3A_995 : vector<1x128x384xf32> to vector<128x384xf32>
    %slice3A_997 = vector.extract_strided_slice %get3A_996 {offsets = [0, 0], sizes = [8, 384], strides = [1, 1]} : vector<128x384xf32> to vector<8x384xf32>
    %add3A_998 = arith.addf %add3A_862, %slice3A_997 : vector<8x384xf32>
    %slice3A_999 = vector.extract_strided_slice %get3A_996 {offsets = [8, 0], sizes = [8, 384], strides = [1, 1]} : vector<128x384xf32> to vector<8x384xf32>
    %add3A_1000 = arith.addf %add3A_998, %slice3A_999 : vector<8x384xf32>
    %slice3A_1001 = vector.extract_strided_slice %get3A_996 {offsets = [16, 0], sizes = [8, 384], strides = [1, 1]} : vector<128x384xf32> to vector<8x384xf32>
    %add3A_1002 = arith.addf %add3A_1000, %slice3A_1001 : vector<8x384xf32>
    %slice3A_1003 = vector.extract_strided_slice %get3A_996 {offsets = [24, 0], sizes = [8, 384], strides = [1, 1]} : vector<128x384xf32> to vector<8x384xf32>
    %add3A_1004 = arith.addf %add3A_1002, %slice3A_1003 : vector<8x384xf32>
    %slice3A_1005 = vector.extract_strided_slice %get3A_996 {offsets = [32, 0], sizes = [8, 384], strides = [1, 1]} : vector<128x384xf32> to vector<8x384xf32>
    %add3A_1006 = arith.addf %add3A_1004, %slice3A_1005 : vector<8x384xf32>
    %slice3A_1007 = vector.extract_strided_slice %get3A_996 {offsets = [40, 0], sizes = [8, 384], strides = [1, 1]} : vector<128x384xf32> to vector<8x384xf32>
    %add3A_1008 = arith.addf %add3A_1006, %slice3A_1007 : vector<8x384xf32>
    %slice3A_1009 = vector.extract_strided_slice %get3A_996 {offsets = [48, 0], sizes = [8, 384], strides = [1, 1]} : vector<128x384xf32> to vector<8x384xf32>
    %add3A_1010 = arith.addf %add3A_1008, %slice3A_1009 : vector<8x384xf32>
    %slice3A_1011 = vector.extract_strided_slice %get3A_996 {offsets = [56, 0], sizes = [8, 384], strides = [1, 1]} : vector<128x384xf32> to vector<8x384xf32>
    %add3A_1012 = arith.addf %add3A_1010, %slice3A_1011 : vector<8x384xf32>
    %slice3A_1013 = vector.extract_strided_slice %get3A_996 {offsets = [64, 0], sizes = [8, 384], strides = [1, 1]} : vector<128x384xf32> to vector<8x384xf32>
    %add3A_1014 = arith.addf %add3A_1012, %slice3A_1013 : vector<8x384xf32>
    %slice3A_1015 = vector.extract_strided_slice %get3A_996 {offsets = [72, 0], sizes = [8, 384], strides = [1, 1]} : vector<128x384xf32> to vector<8x384xf32>
    %add3A_1016 = arith.addf %add3A_1014, %slice3A_1015 : vector<8x384xf32>
    %slice3A_1017 = vector.extract_strided_slice %get3A_996 {offsets = [80, 0], sizes = [8, 384], strides = [1, 1]} : vector<128x384xf32> to vector<8x384xf32>
    %add3A_1018 = arith.addf %add3A_1016, %slice3A_1017 : vector<8x384xf32>
    %slice3A_1019 = vector.extract_strided_slice %get3A_996 {offsets = [88, 0], sizes = [8, 384], strides = [1, 1]} : vector<128x384xf32> to vector<8x384xf32>
    %add3A_1020 = arith.addf %add3A_1018, %slice3A_1019 : vector<8x384xf32>
    %slice3A_1021 = vector.extract_strided_slice %get3A_996 {offsets = [96, 0], sizes = [8, 384], strides = [1, 1]} : vector<128x384xf32> to vector<8x384xf32>
    %add3A_1022 = arith.addf %add3A_1020, %slice3A_1021 : vector<8x384xf32>
    %slice3A_1023 = vector.extract_strided_slice %get3A_996 {offsets = [104, 0], sizes = [8, 384], strides = [1, 1]} : vector<128x384xf32> to vector<8x384xf32>
    %add3A_1024 = arith.addf %add3A_1022, %slice3A_1023 : vector<8x384xf32>
    %slice3A_1025 = vector.extract_strided_slice %get3A_996 {offsets = [112, 0], sizes = [8, 384], strides = [1, 1]} : vector<128x384xf32> to vector<8x384xf32>
    %add3A_1026 = arith.addf %add3A_1024, %slice3A_1025 : vector<8x384xf32>
    %slice3A_1027 = vector.extract_strided_slice %get3A_996 {offsets = [120, 0], sizes = [8, 384], strides = [1, 1]} : vector<128x384xf32> to vector<8x384xf32>
    %add3A_1028 = arith.addf %add3A_1026, %slice3A_1027 : vector<8x384xf32>
    %mul3A_1029 = arith.mulf %get3A_996, %get3A_996 : vector<128x384xf32>
    %slice3A_1030 = vector.extract_strided_slice %mul3A_1029 {offsets = [0, 0], sizes = [128, 128], strides = [1, 1]} : vector<128x384xf32> to vector<128x128xf32>
    %transpose3A_1031 = tpu.transpose %slice3A_1030, [1, 0] : vector<128x128xf32> -> vector<128x128xf32>
    %slice3A_1032 = vector.extract_strided_slice %transpose3A_1031 {offsets = [0, 0], sizes = [8, 128], strides = [1, 1]} : vector<128x128xf32> to vector<8x128xf32>
    %slice3A_1033 = vector.extract_strided_slice %transpose3A_1031 {offsets = [8, 0], sizes = [8, 128], strides = [1, 1]} : vector<128x128xf32> to vector<8x128xf32>
    %add3A_1034 = arith.addf %slice3A_1032, %slice3A_1033 : vector<8x128xf32>
    %slice3A_1035 = vector.extract_strided_slice %transpose3A_1031 {offsets = [16, 0], sizes = [8, 128], strides = [1, 1]} : vector<128x128xf32> to vector<8x128xf32>
    %add3A_1036 = arith.addf %add3A_1034, %slice3A_1035 : vector<8x128xf32>
    %slice3A_1037 = vector.extract_strided_slice %transpose3A_1031 {offsets = [24, 0], sizes = [8, 128], strides = [1, 1]} : vector<128x128xf32> to vector<8x128xf32>
    %add3A_1038 = arith.addf %add3A_1036, %slice3A_1037 : vector<8x128xf32>
    %slice3A_1039 = vector.extract_strided_slice %transpose3A_1031 {offsets = [32, 0], sizes = [8, 128], strides = [1, 1]} : vector<128x128xf32> to vector<8x128xf32>
    %add3A_1040 = arith.addf %add3A_1038, %slice3A_1039 : vector<8x128xf32>
    %slice3A_1041 = vector.extract_strided_slice %transpose3A_1031 {offsets = [40, 0], sizes = [8, 128], strides = [1, 1]} : vector<128x128xf32> to vector<8x128xf32>
    %add3A_1042 = arith.addf %add3A_1040, %slice3A_1041 : vector<8x128xf32>
    %slice3A_1043 = vector.extract_strided_slice %transpose3A_1031 {offsets = [48, 0], sizes = [8, 128], strides = [1, 1]} : vector<128x128xf32> to vector<8x128xf32>
    %add3A_1044 = arith.addf %add3A_1042, %slice3A_1043 : vector<8x128xf32>
    %slice3A_1045 = vector.extract_strided_slice %transpose3A_1031 {offsets = [56, 0], sizes = [8, 128], strides = [1, 1]} : vector<128x128xf32> to vector<8x128xf32>
    %add3A_1046 = arith.addf %add3A_1044, %slice3A_1045 : vector<8x128xf32>
    %slice3A_1047 = vector.extract_strided_slice %transpose3A_1031 {offsets = [64, 0], sizes = [8, 128], strides = [1, 1]} : vector<128x128xf32> to vector<8x128xf32>
    %add3A_1048 = arith.addf %add3A_1046, %slice3A_1047 : vector<8x128xf32>
    %slice3A_1049 = vector.extract_strided_slice %transpose3A_1031 {offsets = [72, 0], sizes = [8, 128], strides = [1, 1]} : vector<128x128xf32> to vector<8x128xf32>
    %add3A_1050 = arith.addf %add3A_1048, %slice3A_1049 : vector<8x128xf32>
    %slice3A_1051 = vector.extract_strided_slice %transpose3A_1031 {offsets = [80, 0], sizes = [8, 128], strides = [1, 1]} : vector<128x128xf32> to vector<8x128xf32>
    %add3A_1052 = arith.addf %add3A_1050, %slice3A_1051 : vector<8x128xf32>
    %slice3A_1053 = vector.extract_strided_slice %transpose3A_1031 {offsets = [88, 0], sizes = [8, 128], strides = [1, 1]} : vector<128x128xf32> to vector<8x128xf32>
    %add3A_1054 = arith.addf %add3A_1052, %slice3A_1053 : vector<8x128xf32>
    %slice3A_1055 = vector.extract_strided_slice %transpose3A_1031 {offsets = [96, 0], sizes = [8, 128], strides = [1, 1]} : vector<128x128xf32> to vector<8x128xf32>
    %add3A_1056 = arith.addf %add3A_1054, %slice3A_1055 : vector<8x128xf32>
    %slice3A_1057 = vector.extract_strided_slice %transpose3A_1031 {offsets = [104, 0], sizes = [8, 128], strides = [1, 1]} : vector<128x128xf32> to vector<8x128xf32>
    %add3A_1058 = arith.addf %add3A_1056, %slice3A_1057 : vector<8x128xf32>
    %slice3A_1059 = vector.extract_strided_slice %transpose3A_1031 {offsets = [112, 0], sizes = [8, 128], strides = [1, 1]} : vector<128x128xf32> to vector<8x128xf32>
    %add3A_1060 = arith.addf %add3A_1058, %slice3A_1059 : vector<8x128xf32>
    %slice3A_1061 = vector.extract_strided_slice %transpose3A_1031 {offsets = [120, 0], sizes = [8, 128], strides = [1, 1]} : vector<128x128xf32> to vector<8x128xf32>
    %add3A_1062 = arith.addf %add3A_1060, %slice3A_1061 : vector<8x128xf32>
    %slice3A_1063 = vector.extract_strided_slice %add3A_1062 {offsets = [0, 0], sizes = [4, 128], strides = [1, 1]} : vector<8x128xf32> to vector<4x128xf32>
    %slice3A_1064 = vector.extract_strided_slice %add3A_1062 {offsets = [4, 0], sizes = [4, 128], strides = [1, 1]} : vector<8x128xf32> to vector<4x128xf32>
    %add3A_1065 = arith.addf %slice3A_1063, %slice3A_1064 : vector<4x128xf32>
    %slice3A_1066 = vector.extract_strided_slice %add3A_1065 {offsets = [0, 0], sizes = [2, 128], strides = [1, 1]} : vector<4x128xf32> to vector<2x128xf32>
    %slice3A_1067 = vector.extract_strided_slice %add3A_1065 {offsets = [2, 0], sizes = [2, 128], strides = [1, 1]} : vector<4x128xf32> to vector<2x128xf32>
    %add3A_1068 = arith.addf %slice3A_1066, %slice3A_1067 : vector<2x128xf32>
    %slice3A_1069 = vector.extract_strided_slice %add3A_1068 {offsets = [0, 0], sizes = [1, 128], strides = [1, 1]} : vector<2x128xf32> to vector<1x128xf32>
    %slice3A_1070 = vector.extract_strided_slice %add3A_1068 {offsets = [1, 0], sizes = [1, 128], strides = [1, 1]} : vector<2x128xf32> to vector<1x128xf32>
    %add3A_1071 = arith.addf %slice3A_1069, %slice3A_1070 : vector<1x128xf32>
    %slice3A_1072 = vector.extract_strided_slice %mul3A_1029 {offsets = [0, 128], sizes = [128, 128], strides = [1, 1]} : vector<128x384xf32> to vector<128x128xf32>
    %transpose3A_1073 = tpu.transpose %slice3A_1072, [1, 0] : vector<128x128xf32> -> vector<128x128xf32>
    %slice3A_1074 = vector.extract_strided_slice %transpose3A_1073 {offsets = [0, 0], sizes = [8, 128], strides = [1, 1]} : vector<128x128xf32> to vector<8x128xf32>
    %slice3A_1075 = vector.extract_strided_slice %transpose3A_1073 {offsets = [8, 0], sizes = [8, 128], strides = [1, 1]} : vector<128x128xf32> to vector<8x128xf32>
    %add3A_1076 = arith.addf %slice3A_1074, %slice3A_1075 : vector<8x128xf32>
    %slice3A_1077 = vector.extract_strided_slice %transpose3A_1073 {offsets = [16, 0], sizes = [8, 128], strides = [1, 1]} : vector<128x128xf32> to vector<8x128xf32>
    %add3A_1078 = arith.addf %add3A_1076, %slice3A_1077 : vector<8x128xf32>
    %slice3A_1079 = vector.extract_strided_slice %transpose3A_1073 {offsets = [24, 0], sizes = [8, 128], strides = [1, 1]} : vector<128x128xf32> to vector<8x128xf32>
    %add3A_1080 = arith.addf %add3A_1078, %slice3A_1079 : vector<8x128xf32>
    %slice3A_1081 = vector.extract_strided_slice %transpose3A_1073 {offsets = [32, 0], sizes = [8, 128], strides = [1, 1]} : vector<128x128xf32> to vector<8x128xf32>
    %add3A_1082 = arith.addf %add3A_1080, %slice3A_1081 : vector<8x128xf32>
    %slice3A_1083 = vector.extract_strided_slice %transpose3A_1073 {offsets = [40, 0], sizes = [8, 128], strides = [1, 1]} : vector<128x128xf32> to vector<8x128xf32>
    %add3A_1084 = arith.addf %add3A_1082, %slice3A_1083 : vector<8x128xf32>
    %slice3A_1085 = vector.extract_strided_slice %transpose3A_1073 {offsets = [48, 0], sizes = [8, 128], strides = [1, 1]} : vector<128x128xf32> to vector<8x128xf32>
    %add3A_1086 = arith.addf %add3A_1084, %slice3A_1085 : vector<8x128xf32>
    %slice3A_1087 = vector.extract_strided_slice %transpose3A_1073 {offsets = [56, 0], sizes = [8, 128], strides = [1, 1]} : vector<128x128xf32> to vector<8x128xf32>
    %add3A_1088 = arith.addf %add3A_1086, %slice3A_1087 : vector<8x128xf32>
    %slice3A_1089 = vector.extract_strided_slice %transpose3A_1073 {offsets = [64, 0], sizes = [8, 128], strides = [1, 1]} : vector<128x128xf32> to vector<8x128xf32>
    %add3A_1090 = arith.addf %add3A_1088, %slice3A_1089 : vector<8x128xf32>
    %slice3A_1091 = vector.extract_strided_slice %transpose3A_1073 {offsets = [72, 0], sizes = [8, 128], strides = [1, 1]} : vector<128x128xf32> to vector<8x128xf32>
    %add3A_1092 = arith.addf %add3A_1090, %slice3A_1091 : vector<8x128xf32>
    %slice3A_1093 = vector.extract_strided_slice %transpose3A_1073 {offsets = [80, 0], sizes = [8, 128], strides = [1, 1]} : vector<128x128xf32> to vector<8x128xf32>
    %add3A_1094 = arith.addf %add3A_1092, %slice3A_1093 : vector<8x128xf32>
    %slice3A_1095 = vector.extract_strided_slice %transpose3A_1073 {offsets = [88, 0], sizes = [8, 128], strides = [1, 1]} : vector<128x128xf32> to vector<8x128xf32>
    %add3A_1096 = arith.addf %add3A_1094, %slice3A_1095 : vector<8x128xf32>
    %slice3A_1097 = vector.extract_strided_slice %transpose3A_1073 {offsets = [96, 0], sizes = [8, 128], strides = [1, 1]} : vector<128x128xf32> to vector<8x128xf32>
    %add3A_1098 = arith.addf %add3A_1096, %slice3A_1097 : vector<8x128xf32>
    %slice3A_1099 = vector.extract_strided_slice %transpose3A_1073 {offsets = [104, 0], sizes = [8, 128], strides = [1, 1]} : vector<128x128xf32> to vector<8x128xf32>
    %add3A_1100 = arith.addf %add3A_1098, %slice3A_1099 : vector<8x128xf32>
    %slice3A_1101 = vector.extract_strided_slice %transpose3A_1073 {offsets = [112, 0], sizes = [8, 128], strides = [1, 1]} : vector<128x128xf32> to vector<8x128xf32>
    %add3A_1102 = arith.addf %add3A_1100, %slice3A_1101 : vector<8x128xf32>
    %slice3A_1103 = vector.extract_strided_slice %transpose3A_1073 {offsets = [120, 0], sizes = [8, 128], strides = [1, 1]} : vector<128x128xf32> to vector<8x128xf32>
    %add3A_1104 = arith.addf %add3A_1102, %slice3A_1103 : vector<8x128xf32>
    %slice3A_1105 = vector.extract_strided_slice %add3A_1104 {offsets = [0, 0], sizes = [4, 128], strides = [1, 1]} : vector<8x128xf32> to vector<4x128xf32>
    %slice3A_1106 = vector.extract_strided_slice %add3A_1104 {offsets = [4, 0], sizes = [4, 128], strides = [1, 1]} : vector<8x128xf32> to vector<4x128xf32>
    %add3A_1107 = arith.addf %slice3A_1105, %slice3A_1106 : vector<4x128xf32>
    %slice3A_1108 = vector.extract_strided_slice %add3A_1107 {offsets = [0, 0], sizes = [2, 128], strides = [1, 1]} : vector<4x128xf32> to vector<2x128xf32>
    %slice3A_1109 = vector.extract_strided_slice %add3A_1107 {offsets = [2, 0], sizes = [2, 128], strides = [1, 1]} : vector<4x128xf32> to vector<2x128xf32>
    %add3A_1110 = arith.addf %slice3A_1108, %slice3A_1109 : vector<2x128xf32>
    %slice3A_1111 = vector.extract_strided_slice %add3A_1110 {offsets = [0, 0], sizes = [1, 128], strides = [1, 1]} : vector<2x128xf32> to vector<1x128xf32>
    %slice3A_1112 = vector.extract_strided_slice %add3A_1110 {offsets = [1, 0], sizes = [1, 128], strides = [1, 1]} : vector<2x128xf32> to vector<1x128xf32>
    %add3A_1113 = arith.addf %slice3A_1111, %slice3A_1112 : vector<1x128xf32>
    %slice3A_1114 = vector.extract_strided_slice %mul3A_1029 {offsets = [0, 256], sizes = [128, 128], strides = [1, 1]} : vector<128x384xf32> to vector<128x128xf32>
    %transpose3A_1115 = tpu.transpose %slice3A_1114, [1, 0] : vector<128x128xf32> -> vector<128x128xf32>
    %slice3A_1116 = vector.extract_strided_slice %transpose3A_1115 {offsets = [0, 0], sizes = [8, 128], strides = [1, 1]} : vector<128x128xf32> to vector<8x128xf32>
    %slice3A_1117 = vector.extract_strided_slice %transpose3A_1115 {offsets = [8, 0], sizes = [8, 128], strides = [1, 1]} : vector<128x128xf32> to vector<8x128xf32>
    %add3A_1118 = arith.addf %slice3A_1116, %slice3A_1117 : vector<8x128xf32>
    %slice3A_1119 = vector.extract_strided_slice %transpose3A_1115 {offsets = [16, 0], sizes = [8, 128], strides = [1, 1]} : vector<128x128xf32> to vector<8x128xf32>
    %add3A_1120 = arith.addf %add3A_1118, %slice3A_1119 : vector<8x128xf32>
    %slice3A_1121 = vector.extract_strided_slice %transpose3A_1115 {offsets = [24, 0], sizes = [8, 128], strides = [1, 1]} : vector<128x128xf32> to vector<8x128xf32>
    %add3A_1122 = arith.addf %add3A_1120, %slice3A_1121 : vector<8x128xf32>
    %slice3A_1123 = vector.extract_strided_slice %transpose3A_1115 {offsets = [32, 0], sizes = [8, 128], strides = [1, 1]} : vector<128x128xf32> to vector<8x128xf32>
    %add3A_1124 = arith.addf %add3A_1122, %slice3A_1123 : vector<8x128xf32>
    %slice3A_1125 = vector.extract_strided_slice %transpose3A_1115 {offsets = [40, 0], sizes = [8, 128], strides = [1, 1]} : vector<128x128xf32> to vector<8x128xf32>
    %add3A_1126 = arith.addf %add3A_1124, %slice3A_1125 : vector<8x128xf32>
    %slice3A_1127 = vector.extract_strided_slice %transpose3A_1115 {offsets = [48, 0], sizes = [8, 128], strides = [1, 1]} : vector<128x128xf32> to vector<8x128xf32>
    %add3A_1128 = arith.addf %add3A_1126, %slice3A_1127 : vector<8x128xf32>
    %slice3A_1129 = vector.extract_strided_slice %transpose3A_1115 {offsets = [56, 0], sizes = [8, 128], strides = [1, 1]} : vector<128x128xf32> to vector<8x128xf32>
    %add3A_1130 = arith.addf %add3A_1128, %slice3A_1129 : vector<8x128xf32>
    %slice3A_1131 = vector.extract_strided_slice %transpose3A_1115 {offsets = [64, 0], sizes = [8, 128], strides = [1, 1]} : vector<128x128xf32> to vector<8x128xf32>
    %add3A_1132 = arith.addf %add3A_1130, %slice3A_1131 : vector<8x128xf32>
    %slice3A_1133 = vector.extract_strided_slice %transpose3A_1115 {offsets = [72, 0], sizes = [8, 128], strides = [1, 1]} : vector<128x128xf32> to vector<8x128xf32>
    %add3A_1134 = arith.addf %add3A_1132, %slice3A_1133 : vector<8x128xf32>
    %slice3A_1135 = vector.extract_strided_slice %transpose3A_1115 {offsets = [80, 0], sizes = [8, 128], strides = [1, 1]} : vector<128x128xf32> to vector<8x128xf32>
    %add3A_1136 = arith.addf %add3A_1134, %slice3A_1135 : vector<8x128xf32>
    %slice3A_1137 = vector.extract_strided_slice %transpose3A_1115 {offsets = [88, 0], sizes = [8, 128], strides = [1, 1]} : vector<128x128xf32> to vector<8x128xf32>
    %add3A_1138 = arith.addf %add3A_1136, %slice3A_1137 : vector<8x128xf32>
    %slice3A_1139 = vector.extract_strided_slice %transpose3A_1115 {offsets = [96, 0], sizes = [8, 128], strides = [1, 1]} : vector<128x128xf32> to vector<8x128xf32>
    %add3A_1140 = arith.addf %add3A_1138, %slice3A_1139 : vector<8x128xf32>
    %slice3A_1141 = vector.extract_strided_slice %transpose3A_1115 {offsets = [104, 0], sizes = [8, 128], strides = [1, 1]} : vector<128x128xf32> to vector<8x128xf32>
    %add3A_1142 = arith.addf %add3A_1140, %slice3A_1141 : vector<8x128xf32>
    %slice3A_1143 = vector.extract_strided_slice %transpose3A_1115 {offsets = [112, 0], sizes = [8, 128], strides = [1, 1]} : vector<128x128xf32> to vector<8x128xf32>
    %add3A_1144 = arith.addf %add3A_1142, %slice3A_1143 : vector<8x128xf32>
    %slice3A_1145 = vector.extract_strided_slice %transpose3A_1115 {offsets = [120, 0], sizes = [8, 128], strides = [1, 1]} : vector<128x128xf32> to vector<8x128xf32>
    %add3A_1146 = arith.addf %add3A_1144, %slice3A_1145 : vector<8x128xf32>
    %slice3A_1147 = vector.extract_strided_slice %add3A_1146 {offsets = [0, 0], sizes = [4, 128], strides = [1, 1]} : vector<8x128xf32> to vector<4x128xf32>
    %slice3A_1148 = vector.extract_strided_slice %add3A_1146 {offsets = [4, 0], sizes = [4, 128], strides = [1, 1]} : vector<8x128xf32> to vector<4x128xf32>
    %add3A_1149 = arith.addf %slice3A_1147, %slice3A_1148 : vector<4x128xf32>
    %slice3A_1150 = vector.extract_strided_slice %add3A_1149 {offsets = [0, 0], sizes = [2, 128], strides = [1, 1]} : vector<4x128xf32> to vector<2x128xf32>
    %slice3A_1151 = vector.extract_strided_slice %add3A_1149 {offsets = [2, 0], sizes = [2, 128], strides = [1, 1]} : vector<4x128xf32> to vector<2x128xf32>
    %add3A_1152 = arith.addf %slice3A_1150, %slice3A_1151 : vector<2x128xf32>
    %slice3A_1153 = vector.extract_strided_slice %add3A_1152 {offsets = [0, 0], sizes = [1, 128], strides = [1, 1]} : vector<2x128xf32> to vector<1x128xf32>
    %slice3A_1154 = vector.extract_strided_slice %add3A_1152 {offsets = [1, 0], sizes = [1, 128], strides = [1, 1]} : vector<2x128xf32> to vector<1x128xf32>
    %add3A_1155 = arith.addf %slice3A_1153, %slice3A_1154 : vector<1x128xf32>
    %add3A_1156 = arith.addf %add3A_1071, %add3A_1113 : vector<1x128xf32>
    %add3A_1157 = arith.addf %add3A_1156, %add3A_1155 : vector<1x128xf32>
    %get3A_1158 = arith.constant 0 : index
    %get3A_1159 = arith.constant 896 : index
    %get3A_1160 = arith.constant 0 : index
    %get3A_1161 = vector.load %arg1[%get3A_1158, %get3A_1159, %get3A_1160] : memref<1x1024x384xf32, #tpu.memory_space<vmem>>, vector<1x128x384xf32>
    %get3A_1162 = vector.shape_cast %get3A_1161 : vector<1x128x384xf32> to vector<128x384xf32>
    %slice3A_1163 = vector.extract_strided_slice %get3A_1162 {offsets = [0, 0], sizes = [8, 384], strides = [1, 1]} : vector<128x384xf32> to vector<8x384xf32>
    %add3A_1164 = arith.addf %add3A_1028, %slice3A_1163 : vector<8x384xf32>
    %slice3A_1165 = vector.extract_strided_slice %get3A_1162 {offsets = [8, 0], sizes = [8, 384], strides = [1, 1]} : vector<128x384xf32> to vector<8x384xf32>
    %add3A_1166 = arith.addf %add3A_1164, %slice3A_1165 : vector<8x384xf32>
    %slice3A_1167 = vector.extract_strided_slice %get3A_1162 {offsets = [16, 0], sizes = [8, 384], strides = [1, 1]} : vector<128x384xf32> to vector<8x384xf32>
    %add3A_1168 = arith.addf %add3A_1166, %slice3A_1167 : vector<8x384xf32>
    %slice3A_1169 = vector.extract_strided_slice %get3A_1162 {offsets = [24, 0], sizes = [8, 384], strides = [1, 1]} : vector<128x384xf32> to vector<8x384xf32>
    %add3A_1170 = arith.addf %add3A_1168, %slice3A_1169 : vector<8x384xf32>
    %slice3A_1171 = vector.extract_strided_slice %get3A_1162 {offsets = [32, 0], sizes = [8, 384], strides = [1, 1]} : vector<128x384xf32> to vector<8x384xf32>
    %add3A_1172 = arith.addf %add3A_1170, %slice3A_1171 : vector<8x384xf32>
    %slice3A_1173 = vector.extract_strided_slice %get3A_1162 {offsets = [40, 0], sizes = [8, 384], strides = [1, 1]} : vector<128x384xf32> to vector<8x384xf32>
    %add3A_1174 = arith.addf %add3A_1172, %slice3A_1173 : vector<8x384xf32>
    %slice3A_1175 = vector.extract_strided_slice %get3A_1162 {offsets = [48, 0], sizes = [8, 384], strides = [1, 1]} : vector<128x384xf32> to vector<8x384xf32>
    %add3A_1176 = arith.addf %add3A_1174, %slice3A_1175 : vector<8x384xf32>
    %slice3A_1177 = vector.extract_strided_slice %get3A_1162 {offsets = [56, 0], sizes = [8, 384], strides = [1, 1]} : vector<128x384xf32> to vector<8x384xf32>
    %add3A_1178 = arith.addf %add3A_1176, %slice3A_1177 : vector<8x384xf32>
    %slice3A_1179 = vector.extract_strided_slice %get3A_1162 {offsets = [64, 0], sizes = [8, 384], strides = [1, 1]} : vector<128x384xf32> to vector<8x384xf32>
    %add3A_1180 = arith.addf %add3A_1178, %slice3A_1179 : vector<8x384xf32>
    %slice3A_1181 = vector.extract_strided_slice %get3A_1162 {offsets = [72, 0], sizes = [8, 384], strides = [1, 1]} : vector<128x384xf32> to vector<8x384xf32>
    %add3A_1182 = arith.addf %add3A_1180, %slice3A_1181 : vector<8x384xf32>
    %slice3A_1183 = vector.extract_strided_slice %get3A_1162 {offsets = [80, 0], sizes = [8, 384], strides = [1, 1]} : vector<128x384xf32> to vector<8x384xf32>
    %add3A_1184 = arith.addf %add3A_1182, %slice3A_1183 : vector<8x384xf32>
    %slice3A_1185 = vector.extract_strided_slice %get3A_1162 {offsets = [88, 0], sizes = [8, 384], strides = [1, 1]} : vector<128x384xf32> to vector<8x384xf32>
    %add3A_1186 = arith.addf %add3A_1184, %slice3A_1185 : vector<8x384xf32>
    %slice3A_1187 = vector.extract_strided_slice %get3A_1162 {offsets = [96, 0], sizes = [8, 384], strides = [1, 1]} : vector<128x384xf32> to vector<8x384xf32>
    %add3A_1188 = arith.addf %add3A_1186, %slice3A_1187 : vector<8x384xf32>
    %slice3A_1189 = vector.extract_strided_slice %get3A_1162 {offsets = [104, 0], sizes = [8, 384], strides = [1, 1]} : vector<128x384xf32> to vector<8x384xf32>
    %add3A_1190 = arith.addf %add3A_1188, %slice3A_1189 : vector<8x384xf32>
    %slice3A_1191 = vector.extract_strided_slice %get3A_1162 {offsets = [112, 0], sizes = [8, 384], strides = [1, 1]} : vector<128x384xf32> to vector<8x384xf32>
    %add3A_1192 = arith.addf %add3A_1190, %slice3A_1191 : vector<8x384xf32>
    %slice3A_1193 = vector.extract_strided_slice %get3A_1162 {offsets = [120, 0], sizes = [8, 384], strides = [1, 1]} : vector<128x384xf32> to vector<8x384xf32>
    %add3A_1194 = arith.addf %add3A_1192, %slice3A_1193 : vector<8x384xf32>
    %mul3A_1195 = arith.mulf %get3A_1162, %get3A_1162 : vector<128x384xf32>
    %slice3A_1196 = vector.extract_strided_slice %mul3A_1195 {offsets = [0, 0], sizes = [128, 128], strides = [1, 1]} : vector<128x384xf32> to vector<128x128xf32>
    %transpose3A_1197 = tpu.transpose %slice3A_1196, [1, 0] : vector<128x128xf32> -> vector<128x128xf32>
    %slice3A_1198 = vector.extract_strided_slice %transpose3A_1197 {offsets = [0, 0], sizes = [8, 128], strides = [1, 1]} : vector<128x128xf32> to vector<8x128xf32>
    %slice3A_1199 = vector.extract_strided_slice %transpose3A_1197 {offsets = [8, 0], sizes = [8, 128], strides = [1, 1]} : vector<128x128xf32> to vector<8x128xf32>
    %add3A_1200 = arith.addf %slice3A_1198, %slice3A_1199 : vector<8x128xf32>
    %slice3A_1201 = vector.extract_strided_slice %transpose3A_1197 {offsets = [16, 0], sizes = [8, 128], strides = [1, 1]} : vector<128x128xf32> to vector<8x128xf32>
    %add3A_1202 = arith.addf %add3A_1200, %slice3A_1201 : vector<8x128xf32>
    %slice3A_1203 = vector.extract_strided_slice %transpose3A_1197 {offsets = [24, 0], sizes = [8, 128], strides = [1, 1]} : vector<128x128xf32> to vector<8x128xf32>
    %add3A_1204 = arith.addf %add3A_1202, %slice3A_1203 : vector<8x128xf32>
    %slice3A_1205 = vector.extract_strided_slice %transpose3A_1197 {offsets = [32, 0], sizes = [8, 128], strides = [1, 1]} : vector<128x128xf32> to vector<8x128xf32>
    %add3A_1206 = arith.addf %add3A_1204, %slice3A_1205 : vector<8x128xf32>
    %slice3A_1207 = vector.extract_strided_slice %transpose3A_1197 {offsets = [40, 0], sizes = [8, 128], strides = [1, 1]} : vector<128x128xf32> to vector<8x128xf32>
    %add3A_1208 = arith.addf %add3A_1206, %slice3A_1207 : vector<8x128xf32>
    %slice3A_1209 = vector.extract_strided_slice %transpose3A_1197 {offsets = [48, 0], sizes = [8, 128], strides = [1, 1]} : vector<128x128xf32> to vector<8x128xf32>
    %add3A_1210 = arith.addf %add3A_1208, %slice3A_1209 : vector<8x128xf32>
    %slice3A_1211 = vector.extract_strided_slice %transpose3A_1197 {offsets = [56, 0], sizes = [8, 128], strides = [1, 1]} : vector<128x128xf32> to vector<8x128xf32>
    %add3A_1212 = arith.addf %add3A_1210, %slice3A_1211 : vector<8x128xf32>
    %slice3A_1213 = vector.extract_strided_slice %transpose3A_1197 {offsets = [64, 0], sizes = [8, 128], strides = [1, 1]} : vector<128x128xf32> to vector<8x128xf32>
    %add3A_1214 = arith.addf %add3A_1212, %slice3A_1213 : vector<8x128xf32>
    %slice3A_1215 = vector.extract_strided_slice %transpose3A_1197 {offsets = [72, 0], sizes = [8, 128], strides = [1, 1]} : vector<128x128xf32> to vector<8x128xf32>
    %add3A_1216 = arith.addf %add3A_1214, %slice3A_1215 : vector<8x128xf32>
    %slice3A_1217 = vector.extract_strided_slice %transpose3A_1197 {offsets = [80, 0], sizes = [8, 128], strides = [1, 1]} : vector<128x128xf32> to vector<8x128xf32>
    %add3A_1218 = arith.addf %add3A_1216, %slice3A_1217 : vector<8x128xf32>
    %slice3A_1219 = vector.extract_strided_slice %transpose3A_1197 {offsets = [88, 0], sizes = [8, 128], strides = [1, 1]} : vector<128x128xf32> to vector<8x128xf32>
    %add3A_1220 = arith.addf %add3A_1218, %slice3A_1219 : vector<8x128xf32>
    %slice3A_1221 = vector.extract_strided_slice %transpose3A_1197 {offsets = [96, 0], sizes = [8, 128], strides = [1, 1]} : vector<128x128xf32> to vector<8x128xf32>
    %add3A_1222 = arith.addf %add3A_1220, %slice3A_1221 : vector<8x128xf32>
    %slice3A_1223 = vector.extract_strided_slice %transpose3A_1197 {offsets = [104, 0], sizes = [8, 128], strides = [1, 1]} : vector<128x128xf32> to vector<8x128xf32>
    %add3A_1224 = arith.addf %add3A_1222, %slice3A_1223 : vector<8x128xf32>
    %slice3A_1225 = vector.extract_strided_slice %transpose3A_1197 {offsets = [112, 0], sizes = [8, 128], strides = [1, 1]} : vector<128x128xf32> to vector<8x128xf32>
    %add3A_1226 = arith.addf %add3A_1224, %slice3A_1225 : vector<8x128xf32>
    %slice3A_1227 = vector.extract_strided_slice %transpose3A_1197 {offsets = [120, 0], sizes = [8, 128], strides = [1, 1]} : vector<128x128xf32> to vector<8x128xf32>
    %add3A_1228 = arith.addf %add3A_1226, %slice3A_1227 : vector<8x128xf32>
    %slice3A_1229 = vector.extract_strided_slice %add3A_1228 {offsets = [0, 0], sizes = [4, 128], strides = [1, 1]} : vector<8x128xf32> to vector<4x128xf32>
    %slice3A_1230 = vector.extract_strided_slice %add3A_1228 {offsets = [4, 0], sizes = [4, 128], strides = [1, 1]} : vector<8x128xf32> to vector<4x128xf32>
    %add3A_1231 = arith.addf %slice3A_1229, %slice3A_1230 : vector<4x128xf32>
    %slice3A_1232 = vector.extract_strided_slice %add3A_1231 {offsets = [0, 0], sizes = [2, 128], strides = [1, 1]} : vector<4x128xf32> to vector<2x128xf32>
    %slice3A_1233 = vector.extract_strided_slice %add3A_1231 {offsets = [2, 0], sizes = [2, 128], strides = [1, 1]} : vector<4x128xf32> to vector<2x128xf32>
    %add3A_1234 = arith.addf %slice3A_1232, %slice3A_1233 : vector<2x128xf32>
    %slice3A_1235 = vector.extract_strided_slice %add3A_1234 {offsets = [0, 0], sizes = [1, 128], strides = [1, 1]} : vector<2x128xf32> to vector<1x128xf32>
    %slice3A_1236 = vector.extract_strided_slice %add3A_1234 {offsets = [1, 0], sizes = [1, 128], strides = [1, 1]} : vector<2x128xf32> to vector<1x128xf32>
    %add3A_1237 = arith.addf %slice3A_1235, %slice3A_1236 : vector<1x128xf32>
    %slice3A_1238 = vector.extract_strided_slice %mul3A_1195 {offsets = [0, 128], sizes = [128, 128], strides = [1, 1]} : vector<128x384xf32> to vector<128x128xf32>
    %transpose3A_1239 = tpu.transpose %slice3A_1238, [1, 0] : vector<128x128xf32> -> vector<128x128xf32>
    %slice3A_1240 = vector.extract_strided_slice %transpose3A_1239 {offsets = [0, 0], sizes = [8, 128], strides = [1, 1]} : vector<128x128xf32> to vector<8x128xf32>
    %slice3A_1241 = vector.extract_strided_slice %transpose3A_1239 {offsets = [8, 0], sizes = [8, 128], strides = [1, 1]} : vector<128x128xf32> to vector<8x128xf32>
    %add3A_1242 = arith.addf %slice3A_1240, %slice3A_1241 : vector<8x128xf32>
    %slice3A_1243 = vector.extract_strided_slice %transpose3A_1239 {offsets = [16, 0], sizes = [8, 128], strides = [1, 1]} : vector<128x128xf32> to vector<8x128xf32>
    %add3A_1244 = arith.addf %add3A_1242, %slice3A_1243 : vector<8x128xf32>
    %slice3A_1245 = vector.extract_strided_slice %transpose3A_1239 {offsets = [24, 0], sizes = [8, 128], strides = [1, 1]} : vector<128x128xf32> to vector<8x128xf32>
    %add3A_1246 = arith.addf %add3A_1244, %slice3A_1245 : vector<8x128xf32>
    %slice3A_1247 = vector.extract_strided_slice %transpose3A_1239 {offsets = [32, 0], sizes = [8, 128], strides = [1, 1]} : vector<128x128xf32> to vector<8x128xf32>
    %add3A_1248 = arith.addf %add3A_1246, %slice3A_1247 : vector<8x128xf32>
    %slice3A_1249 = vector.extract_strided_slice %transpose3A_1239 {offsets = [40, 0], sizes = [8, 128], strides = [1, 1]} : vector<128x128xf32> to vector<8x128xf32>
    %add3A_1250 = arith.addf %add3A_1248, %slice3A_1249 : vector<8x128xf32>
    %slice3A_1251 = vector.extract_strided_slice %transpose3A_1239 {offsets = [48, 0], sizes = [8, 128], strides = [1, 1]} : vector<128x128xf32> to vector<8x128xf32>
    %add3A_1252 = arith.addf %add3A_1250, %slice3A_1251 : vector<8x128xf32>
    %slice3A_1253 = vector.extract_strided_slice %transpose3A_1239 {offsets = [56, 0], sizes = [8, 128], strides = [1, 1]} : vector<128x128xf32> to vector<8x128xf32>
    %add3A_1254 = arith.addf %add3A_1252, %slice3A_1253 : vector<8x128xf32>
    %slice3A_1255 = vector.extract_strided_slice %transpose3A_1239 {offsets = [64, 0], sizes = [8, 128], strides = [1, 1]} : vector<128x128xf32> to vector<8x128xf32>
    %add3A_1256 = arith.addf %add3A_1254, %slice3A_1255 : vector<8x128xf32>
    %slice3A_1257 = vector.extract_strided_slice %transpose3A_1239 {offsets = [72, 0], sizes = [8, 128], strides = [1, 1]} : vector<128x128xf32> to vector<8x128xf32>
    %add3A_1258 = arith.addf %add3A_1256, %slice3A_1257 : vector<8x128xf32>
    %slice3A_1259 = vector.extract_strided_slice %transpose3A_1239 {offsets = [80, 0], sizes = [8, 128], strides = [1, 1]} : vector<128x128xf32> to vector<8x128xf32>
    %add3A_1260 = arith.addf %add3A_1258, %slice3A_1259 : vector<8x128xf32>
    %slice3A_1261 = vector.extract_strided_slice %transpose3A_1239 {offsets = [88, 0], sizes = [8, 128], strides = [1, 1]} : vector<128x128xf32> to vector<8x128xf32>
    %add3A_1262 = arith.addf %add3A_1260, %slice3A_1261 : vector<8x128xf32>
    %slice3A_1263 = vector.extract_strided_slice %transpose3A_1239 {offsets = [96, 0], sizes = [8, 128], strides = [1, 1]} : vector<128x128xf32> to vector<8x128xf32>
    %add3A_1264 = arith.addf %add3A_1262, %slice3A_1263 : vector<8x128xf32>
    %slice3A_1265 = vector.extract_strided_slice %transpose3A_1239 {offsets = [104, 0], sizes = [8, 128], strides = [1, 1]} : vector<128x128xf32> to vector<8x128xf32>
    %add3A_1266 = arith.addf %add3A_1264, %slice3A_1265 : vector<8x128xf32>
    %slice3A_1267 = vector.extract_strided_slice %transpose3A_1239 {offsets = [112, 0], sizes = [8, 128], strides = [1, 1]} : vector<128x128xf32> to vector<8x128xf32>
    %add3A_1268 = arith.addf %add3A_1266, %slice3A_1267 : vector<8x128xf32>
    %slice3A_1269 = vector.extract_strided_slice %transpose3A_1239 {offsets = [120, 0], sizes = [8, 128], strides = [1, 1]} : vector<128x128xf32> to vector<8x128xf32>
    %add3A_1270 = arith.addf %add3A_1268, %slice3A_1269 : vector<8x128xf32>
    %slice3A_1271 = vector.extract_strided_slice %add3A_1270 {offsets = [0, 0], sizes = [4, 128], strides = [1, 1]} : vector<8x128xf32> to vector<4x128xf32>
    %slice3A_1272 = vector.extract_strided_slice %add3A_1270 {offsets = [4, 0], sizes = [4, 128], strides = [1, 1]} : vector<8x128xf32> to vector<4x128xf32>
    %add3A_1273 = arith.addf %slice3A_1271, %slice3A_1272 : vector<4x128xf32>
    %slice3A_1274 = vector.extract_strided_slice %add3A_1273 {offsets = [0, 0], sizes = [2, 128], strides = [1, 1]} : vector<4x128xf32> to vector<2x128xf32>
    %slice3A_1275 = vector.extract_strided_slice %add3A_1273 {offsets = [2, 0], sizes = [2, 128], strides = [1, 1]} : vector<4x128xf32> to vector<2x128xf32>
    %add3A_1276 = arith.addf %slice3A_1274, %slice3A_1275 : vector<2x128xf32>
    %slice3A_1277 = vector.extract_strided_slice %add3A_1276 {offsets = [0, 0], sizes = [1, 128], strides = [1, 1]} : vector<2x128xf32> to vector<1x128xf32>
    %slice3A_1278 = vector.extract_strided_slice %add3A_1276 {offsets = [1, 0], sizes = [1, 128], strides = [1, 1]} : vector<2x128xf32> to vector<1x128xf32>
    %add3A_1279 = arith.addf %slice3A_1277, %slice3A_1278 : vector<1x128xf32>
    %slice3A_1280 = vector.extract_strided_slice %mul3A_1195 {offsets = [0, 256], sizes = [128, 128], strides = [1, 1]} : vector<128x384xf32> to vector<128x128xf32>
    %transpose3A_1281 = tpu.transpose %slice3A_1280, [1, 0] : vector<128x128xf32> -> vector<128x128xf32>
    %slice3A_1282 = vector.extract_strided_slice %transpose3A_1281 {offsets = [0, 0], sizes = [8, 128], strides = [1, 1]} : vector<128x128xf32> to vector<8x128xf32>
    %slice3A_1283 = vector.extract_strided_slice %transpose3A_1281 {offsets = [8, 0], sizes = [8, 128], strides = [1, 1]} : vector<128x128xf32> to vector<8x128xf32>
    %add3A_1284 = arith.addf %slice3A_1282, %slice3A_1283 : vector<8x128xf32>
    %slice3A_1285 = vector.extract_strided_slice %transpose3A_1281 {offsets = [16, 0], sizes = [8, 128], strides = [1, 1]} : vector<128x128xf32> to vector<8x128xf32>
    %add3A_1286 = arith.addf %add3A_1284, %slice3A_1285 : vector<8x128xf32>
    %slice3A_1287 = vector.extract_strided_slice %transpose3A_1281 {offsets = [24, 0], sizes = [8, 128], strides = [1, 1]} : vector<128x128xf32> to vector<8x128xf32>
    %add3A_1288 = arith.addf %add3A_1286, %slice3A_1287 : vector<8x128xf32>
    %slice3A_1289 = vector.extract_strided_slice %transpose3A_1281 {offsets = [32, 0], sizes = [8, 128], strides = [1, 1]} : vector<128x128xf32> to vector<8x128xf32>
    %add3A_1290 = arith.addf %add3A_1288, %slice3A_1289 : vector<8x128xf32>
    %slice3A_1291 = vector.extract_strided_slice %transpose3A_1281 {offsets = [40, 0], sizes = [8, 128], strides = [1, 1]} : vector<128x128xf32> to vector<8x128xf32>
    %add3A_1292 = arith.addf %add3A_1290, %slice3A_1291 : vector<8x128xf32>
    %slice3A_1293 = vector.extract_strided_slice %transpose3A_1281 {offsets = [48, 0], sizes = [8, 128], strides = [1, 1]} : vector<128x128xf32> to vector<8x128xf32>
    %add3A_1294 = arith.addf %add3A_1292, %slice3A_1293 : vector<8x128xf32>
    %slice3A_1295 = vector.extract_strided_slice %transpose3A_1281 {offsets = [56, 0], sizes = [8, 128], strides = [1, 1]} : vector<128x128xf32> to vector<8x128xf32>
    %add3A_1296 = arith.addf %add3A_1294, %slice3A_1295 : vector<8x128xf32>
    %slice3A_1297 = vector.extract_strided_slice %transpose3A_1281 {offsets = [64, 0], sizes = [8, 128], strides = [1, 1]} : vector<128x128xf32> to vector<8x128xf32>
    %add3A_1298 = arith.addf %add3A_1296, %slice3A_1297 : vector<8x128xf32>
    %slice3A_1299 = vector.extract_strided_slice %transpose3A_1281 {offsets = [72, 0], sizes = [8, 128], strides = [1, 1]} : vector<128x128xf32> to vector<8x128xf32>
    %add3A_1300 = arith.addf %add3A_1298, %slice3A_1299 : vector<8x128xf32>
    %slice3A_1301 = vector.extract_strided_slice %transpose3A_1281 {offsets = [80, 0], sizes = [8, 128], strides = [1, 1]} : vector<128x128xf32> to vector<8x128xf32>
    %add3A_1302 = arith.addf %add3A_1300, %slice3A_1301 : vector<8x128xf32>
    %slice3A_1303 = vector.extract_strided_slice %transpose3A_1281 {offsets = [88, 0], sizes = [8, 128], strides = [1, 1]} : vector<128x128xf32> to vector<8x128xf32>
    %add3A_1304 = arith.addf %add3A_1302, %slice3A_1303 : vector<8x128xf32>
    %slice3A_1305 = vector.extract_strided_slice %transpose3A_1281 {offsets = [96, 0], sizes = [8, 128], strides = [1, 1]} : vector<128x128xf32> to vector<8x128xf32>
    %add3A_1306 = arith.addf %add3A_1304, %slice3A_1305 : vector<8x128xf32>
    %slice3A_1307 = vector.extract_strided_slice %transpose3A_1281 {offsets = [104, 0], sizes = [8, 128], strides = [1, 1]} : vector<128x128xf32> to vector<8x128xf32>
    %add3A_1308 = arith.addf %add3A_1306, %slice3A_1307 : vector<8x128xf32>
    %slice3A_1309 = vector.extract_strided_slice %transpose3A_1281 {offsets = [112, 0], sizes = [8, 128], strides = [1, 1]} : vector<128x128xf32> to vector<8x128xf32>
    %add3A_1310 = arith.addf %add3A_1308, %slice3A_1309 : vector<8x128xf32>
    %slice3A_1311 = vector.extract_strided_slice %transpose3A_1281 {offsets = [120, 0], sizes = [8, 128], strides = [1, 1]} : vector<128x128xf32> to vector<8x128xf32>
    %add3A_1312 = arith.addf %add3A_1310, %slice3A_1311 : vector<8x128xf32>
    %slice3A_1313 = vector.extract_strided_slice %add3A_1312 {offsets = [0, 0], sizes = [4, 128], strides = [1, 1]} : vector<8x128xf32> to vector<4x128xf32>
    %slice3A_1314 = vector.extract_strided_slice %add3A_1312 {offsets = [4, 0], sizes = [4, 128], strides = [1, 1]} : vector<8x128xf32> to vector<4x128xf32>
    %add3A_1315 = arith.addf %slice3A_1313, %slice3A_1314 : vector<4x128xf32>
    %slice3A_1316 = vector.extract_strided_slice %add3A_1315 {offsets = [0, 0], sizes = [2, 128], strides = [1, 1]} : vector<4x128xf32> to vector<2x128xf32>
    %slice3A_1317 = vector.extract_strided_slice %add3A_1315 {offsets = [2, 0], sizes = [2, 128], strides = [1, 1]} : vector<4x128xf32> to vector<2x128xf32>
    %add3A_1318 = arith.addf %slice3A_1316, %slice3A_1317 : vector<2x128xf32>
    %slice3A_1319 = vector.extract_strided_slice %add3A_1318 {offsets = [0, 0], sizes = [1, 128], strides = [1, 1]} : vector<2x128xf32> to vector<1x128xf32>
    %slice3A_1320 = vector.extract_strided_slice %add3A_1318 {offsets = [1, 0], sizes = [1, 128], strides = [1, 1]} : vector<2x128xf32> to vector<1x128xf32>
    %add3A_1321 = arith.addf %slice3A_1319, %slice3A_1320 : vector<1x128xf32>
    %add3A_1322 = arith.addf %add3A_1237, %add3A_1279 : vector<1x128xf32>
    %add3A_1323 = arith.addf %add3A_1322, %add3A_1321 : vector<1x128xf32>
    %slice3A_1324 = vector.extract_strided_slice %add3A_1194 {offsets = [0, 0], sizes = [4, 384], strides = [1, 1]} : vector<8x384xf32> to vector<4x384xf32>
    %slice3A_1325 = vector.extract_strided_slice %add3A_1194 {offsets = [4, 0], sizes = [4, 384], strides = [1, 1]} : vector<8x384xf32> to vector<4x384xf32>
    %add3A_1326 = arith.addf %slice3A_1324, %slice3A_1325 : vector<4x384xf32>
    %slice3A_1327 = vector.extract_strided_slice %add3A_1326 {offsets = [0, 0], sizes = [2, 384], strides = [1, 1]} : vector<4x384xf32> to vector<2x384xf32>
    %slice3A_1328 = vector.extract_strided_slice %add3A_1326 {offsets = [2, 0], sizes = [2, 384], strides = [1, 1]} : vector<4x384xf32> to vector<2x384xf32>
    %add3A_1329 = arith.addf %slice3A_1327, %slice3A_1328 : vector<2x384xf32>
    %slice3A_1330 = vector.extract_strided_slice %add3A_1329 {offsets = [0, 0], sizes = [1, 384], strides = [1, 1]} : vector<2x384xf32> to vector<1x384xf32>
    %slice3A_1331 = vector.extract_strided_slice %add3A_1329 {offsets = [1, 0], sizes = [1, 384], strides = [1, 1]} : vector<2x384xf32> to vector<1x384xf32>
    %add3A_1332 = arith.addf %slice3A_1330, %slice3A_1331 : vector<1x384xf32>
    %swap3A = arith.constant 0 : index
    %swap3A_1333 = arith.constant 0 : index
    %swap3A_1334 = arith.constant 0 : index
    %swap3A_1335 = vector.load %arg2[%swap3A, %swap3A_1333, %swap3A_1334] : memref<1x1x384xf32, #tpu.memory_space<vmem>>, vector<1x1x384xf32>
    %swap3A_1336 = vector.shape_cast %swap3A_1335 : vector<1x1x384xf32> to vector<1x384xf32>
    %swap3A_1337 = vector.shape_cast %add3A_1332 : vector<1x384xf32> to vector<1x1x384xf32>
    tpu.vector_store %arg2[%swap3A, %swap3A_1333, %swap3A_1334], %swap3A_1337 {strides = array<i32>} : memref<1x1x384xf32, #tpu.memory_space<vmem>>, vector<1x1x384xf32>,
    %concatenate3A = tpu.concatenate %add3A_161, %add3A_327, %add3A_493, %add3A_659, %add3A_825, %add3A_991, %add3A_1157, %add3A_1323 in 1 : vector<1x128xf32>, vector<1x128xf32>, vector<1x128xf32>, vector<1x128xf32>, vector<1x128xf32>, vector<1x128xf32>, vector<1x128xf32>, vector<1x128xf32> -> vector<1x1024xf32>
    %swap3A_1338 = arith.constant 0 : index
    %swap3A_1339 = arith.constant 0 : index
    %swap3A_1340 = arith.constant 0 : index
    %swap3A_1341 = vector.load %arg3[%swap3A_1338, %swap3A_1339, %swap3A_1340] : memref<1x1x1024xf32, #tpu.memory_space<vmem>>, vector<1x1x1024xf32>
    %swap3A_1342 = vector.shape_cast %swap3A_1341 : vector<1x1x1024xf32> to vector<1x1024xf32>
    %swap3A_1343 = vector.shape_cast %concatenate3A : vector<1x1024xf32> to vector<1x1x1024xf32>
    tpu.vector_store %arg3[%swap3A_1338, %swap3A_1339, %swap3A_1340], %swap3A_1343 {strides = array<i32>} : memref<1x1x1024xf32, #tpu.memory_space<vmem>>, vector<1x1x1024xf32>,
    return
  }
  func.func @transform_0(%arg0: i32) -> (i32, i32, i32) {
    %c0_i32 = arith.constant 0 : i32
    %c0_i32_0 = arith.constant 0 : i32
    %c0_i32_1 = arith.constant 0 : i32
    return %arg0, %c0_i32, %c0_i32_0 : i32, i32, i32
  }
  func.func @transform_1(%arg0: i32) -> (i32, i32, i32) {
    %c0_i32 = arith.constant 0 : i32
    %c0_i32_0 = arith.constant 0 : i32
    %c0_i32_1 = arith.constant 0 : i32
    return %arg0, %c0_i32, %c0_i32_0 : i32, i32, i32
  }
  func.func @transform_2(%arg0: i32) -> (i32, i32, i32) {
    %c0_i32 = arith.constant 0 : i32
    %c0_i32_0 = arith.constant 0 : i32
    %c0_i32_1 = arith.constant 0 : i32
    return %arg0, %c0_i32, %c0_i32_0 : i32, i32, i32
  }
}

</mosaic_0001>

<sc_bundles>
// kernel: kernel.4.cloned.1.call-start
scs
__scs_entry_jumppad:
0x0: {  	(pc) =	sbr.rel $0x88, $3  }
0x1: {  	(tag) =	ssettag $0x0;
	lr =	simm.s32 $0x1  }
0x2: {  	[smem:$0x3F9F] =	sst lr;
	_ =	strace $0xD0000000  }
0x3: {  	_ = 	snop  }
0x4: {  	_ = 	snop  }
0x5: {  	_ = 	snop  }
0x6: {  	_ = 	snop  }
0x7: {  	_ = 	snop  }
__scs_overlays_trampoline_lowered:
0x8: {  	[smem:$0x3FAE] =	sst s0  }
0x9: {  	[smem:$0x3FAF] =	sst s1  }
0xa: {  	[smem:$0x3FB0] =	sst s2  }
0xb: {  	[smem:$0x3FB1] =	sst s3  }
0xc: {  	[smem:$0x3FB2] =	sst s4  }
0xd: {  	[smem:$0x3FB3] =	sst s5  }
0xe: {  	[smem:$0x3FB4] =	sst s6  }
0xf: {  	[smem:$0x3FB5] =	sst s7  }
0x10: {  	[smem:$0x3FB6] =	sst s8  }
0x11: {  	[smem:$0x3FB7] =	sst s9;
	s0 =	simm.s32 @!p0 $0x0  }
0x12: {  	s1 =	sld [smem:$0x3F9D];
	s0 =	simm.s32 @p0 $0x1  }
0x13: {  	[smem:$0x3FB8] =	sst s0;
	s0 =	simm.s32 @!p1 $0x0  }
0x14: {  	s2 =	sld [smem:$0x3F9C];
	s0 =	simm.s32 @p1 $0x1  }
0x15: {  	[smem:$0x3FB9] =	sst s0;
	s0 =	simm.s32 @!p2 $0x0  }
0x16: {  	s3 =	sld [smem:$0x3FDB];
	s0 =	simm.s32 @p2 $0x1  }
0x17: {  	s4 =	simm.s32 $0x1BF5;
	[smem:$0x3FBB] =	sst s0  }
0x18: {  	s0 =	sld [smem:$0x3F9E];
	_ =	swait.ge [sflag:s4], $0x0  }
0x19: {  	s7 =	sld [smem:$0x3F9F]  }
0x1a: {  	s8 =	sadd.s32 $0xFFFFE003, lr  }
0x1b: {  	s9 =	sadd.s32 $0xFFFFFEF7, lr;
	s5 =	simm.s32 $0xFFFFFFFF;
	p2 =	slt.u32 s8, $0xFFFFF086  }
0x1c: {  	p1 =	slt.u32 s9, $0xF7A;
	s5 =	simm.s32 @!p2 $0x0  }
0x1d: {  	s5 =	simm.s32 @p1 $0x1;
	p0 =	seq.s32 s7, s2  }
0x1e: {  	s7 =	smul.u32 @!p0 $0xF7A, s2;
	p2 =	seq.s32 @!p0 s5, $0x0  }
0x1f: {  	s9 =	smul.u32 $0xF7A, s1;
	s8 =	simm.s32 @!p0 $0x1BF5;
	p2 =	por !p2, p0  }
0x20: {  	[sflag:s8] =	ssyncset.s32 @!p0 $0xFFFFF086;
	s6 =	sadd.s32 @!p0 s3, s7;
	s7 =	simm.s32 @!p0 $0x108  }
0x21: {  	s3 =	sadd.s32 s3, s9;
	s6 =	sadd.s32 @!p0 $0x88, s6;
	s7 =	simm.s32 @p2 $0x1082  }
0x22: {  	[simem:s7], [sflag:s8] =	dma.local @!p0 [hbm:s6], $0xF7A  }
0x23: {  	s9 =	sor.u32 $0xD0000000, s2;
	s6 =	simm.s32 $0x108;
	_ =	swait.ge @!p0 [sflag:s8], $0x0  }
0x24: {  	s3 =	sadd.s32 $0x88, s3;
	s6 =	simm.s32 @!p1 $0x1082;
	[sflag:s4] =	ssyncset.s32 $0xFFFFF086  }
0x25: {  	[simem:s6], [sflag:s4] =	dma.local [hbm:s3], $0xF7A  }
0x26: {  	[smem:$0x3F9F] =	sst s1;
	(tag) =	ssettag s2;
	_ =	strace s9  }
0x27: {  	s1 =	sld [smem:$0x3FAF]  }
0x28: {  	s2 =	sld [smem:$0x3FB0]  }
0x29: {  	s4 =	sld [smem:$0x3FB2]  }
0x2a: {  	p0 =	seq.s32 s5, $0x0;
	s5 =	sld [smem:$0x3FB3]  }
0x2b: {  	s6 =	sld [smem:$0x3FB4]  }
0x2c: {  	s7 =	sld [smem:$0x3FB5]  }
0x2d: {  	s3 =	simm.s32 $0x108;
	s8 =	sld [smem:$0x3FB6]  }
0x2e: {  	s3 =	simm.s32 @!p0 $0x1082;
	s9 =	sld [smem:$0x3FB7]  }
0x2f: {  	lr =	sadd.s32 s0, s3;
	s0 =	sld [smem:$0x3FAE]  }
0x30: {  	s3 =	sld [smem:$0x3FB1]  }
0x31: {  	[smem:$0x3FBA] =	sst s10  }
0x32: {  	s10 =	sld [smem:$0x3FB8];
	_ =	sdelay $0x3  }
0x33: {  	p0 =	seq.s32 s10, $0x1;
	s10 =	sld [smem:$0x3FBA];
	_ =	sdelay $0x3  }
0x34: {  	[smem:$0x3FBA] =	sst s10  }
0x35: {  	s10 =	sld [smem:$0x3FB9];
	_ =	sdelay $0x3  }
0x36: {  	p1 =	seq.s32 s10, $0x1;
	s10 =	sld [smem:$0x3FBA];
	_ =	sdelay $0x3  }
0x37: {  	[smem:$0x3FBA] =	sst s10  }
0x38: {  	s10 =	sld [smem:$0x3FBB]  }
0x39: {  	_ = 	snop;
	(pc) =	sbr.ind lr, $3  }
0x3a: {  	_ = 	snop  }
0x3b: {  	_ = 	snop  }
0x3c: {  	p2 =	seq.s32 s10, $0x1;
	s10 =	sld [smem:$0x3FBA]  }
0x3d: {  	_ =	shalt  }
0x3e: {  	_ =	shalt  }
0x3f: {  	_ =	shalt  }
0x40: {  	_ =	shalt  }
0x41: {  	_ =	shalt  }
0x42: {  	_ =	shalt  }
0x43: {  	_ =	shalt  }
0x44: {  	_ =	shalt  }
0x45: {  	_ =	shalt  }
0x46: {  	_ =	shalt  }
0x47: {  	_ =	shalt  }
0x48: {  	_ =	shalt  }
0x49: {  	_ =	shalt  }
0x4a: {  	_ =	shalt  }
0x4b: {  	_ =	shalt  }
0x4c: {  	_ =	shalt  }
0x4d: {  	_ =	shalt  }
0x4e: {  	_ =	shalt  }
0x4f: {  	_ =	shalt  }
0x50: {  	_ =	shalt  }
0x51: {  	_ =	shalt  }
0x52: {  	_ =	shalt  }
0x53: {  	_ =	shalt  }
0x54: {  	_ =	shalt  }
0x55: {  	_ =	shalt  }
0x56: {  	_ =	shalt  }
0x57: {  	_ =	shalt  }
0x58: {  	_ =	shalt  }
0x59: {  	_ =	shalt  }
0x5a: {  	_ =	shalt  }
0x5b: {  	_ =	shalt  }
0x5c: {  	_ =	shalt  }
0x5d: {  	_ =	shalt  }
0x5e: {  	_ =	shalt  }
0x5f: {  	_ =	shalt  }
0x60: {  	_ =	shalt  }
0x61: {  	_ =	shalt  }
0x62: {  	_ =	shalt  }
0x63: {  	_ =	shalt  }
0x64: {  	_ =	shalt  }
0x65: {  	_ =	shalt  }
0x66: {  	_ =	shalt  }
0x67: {  	_ =	shalt  }
0x68: {  	_ =	shalt  }
0x69: {  	_ =	shalt  }
0x6a: {  	_ =	shalt  }
0x6b: {  	_ =	shalt  }
0x6c: {  	_ =	shalt  }
0x6d: {  	_ =	shalt  }
0x6e: {  	_ =	shalt  }
0x6f: {  	_ =	shalt  }
0x70: {  	_ =	shalt  }
0x71: {  	_ =	shalt  }
0x72: {  	_ =	shalt  }
0x73: {  	_ =	shalt  }
0x74: {  	_ =	shalt  }
0x75: {  	_ =	shalt  }
0x76: {  	_ =	shalt  }
0x77: {  	_ =	shalt  }
0x78: {  	_ =	shalt  }
0x79: {  	_ =	shalt  }
0x7a: {  	_ =	shalt  }
0x7b: {  	_ =	shalt  }
0x7c: {  	_ =	shalt  }
0x7d: {  	_ =	shalt  }
0x7e: {  	_ =	shalt  }
0x7f: {  	_ =	shalt  }
0x80: {  	_ =	shalt  }
0x81: {  	_ =	shalt  }
0x82: {  	_ =	shalt  }
0x83: {  	_ =	shalt  }
0x84: {  	_ =	shalt  }
0x85: {  	_ =	shalt  }
0x86: {  	_ =	shalt  }
0x87: {  	_ =	shalt  }
.Lfunc_end0:
.L_simem_size_0:
called_computation_lowered:
.L_overlay_start_0:
0x88: {  	s2 =	sld [smem:$0x3FD9]  }
0x89: {  	s3 =	sld [smem:$0x3FFE];
	_ =	sdelay $0x1  }
0x8a: {  	s1 =	srdreg.scid  }
0x8b: {  	s0 =	sand.u32 $0x1, s1  }
0x8c: {  	s17 =	sshll.u32 s0, $0xA;
	s2 =	sadd.s32 s3, s2  }
0x8d: {  	s2 =	sadd.s32 s2, s17  }
0x8e: {  	[smem:$0x3FC6] =	sst s2  }
0x8f: {  	_ = 	snop  }
0x90: {  	s2 =	sld [smem:$0x3FC9]  }
0x91: {  	s18 =	sld [smem:$0x3FD0];
	(tm) =	ssettm $0x1  }
0x92: {  	s4 =	sld [smem:$0x3FFB];
	_ =	sdelay $0x3  }
0x93: {  	_ =	strace s4  }
0x94: {  	s4 =	sld [smem:$0x3FFC];
	_ =	sdelay $0x3  }
0x95: {  	_ =	strace s4  }
0x96: {  	s4 =	sld [smem:$0x3FFD];
	_ =	sdelay $0x3  }
0x97: {  	_ =	strace s4  }
0x98: {  	_ =	strace $0x8FFFFFFF  }
0x99: {  	s19 =	sld [smem:$0x3FDB];
	_ =	sdelay $0x1  }
0x9a: {  	s5 =	simm.s32 $_scs_section_size  }
0x9b: {  	s6 =	simm.s32 $_size__tile_overlayer_lowered;
	s7 =	simm.s32 $_tile_overlayer_lowered  }
0x9c: {  	s22 =	simm.s32 $0x1BFF;
	s21 =	sshll.u32 s7, $0x1;
	s4 =	sadd.s32 s5, s19  }
0x9d: {  	s8 =	simm.s32 $0x0;
	s20 =	sshll.u32 s6, $0x1;
	s6 =	sadd.s32 s21, s4  }
0x9e: {  	[timem:s8], [sflag:s22] =	dma.local [hbm:s6], s20  }
0x9f: {  	_ =	swait.ge [sflag:s22], s20  }
0xa0: {  	s5 =	ssub.s32 $0x0, s20;
	[sflag:s22] =	ssyncset.done $0x0  }
0xa1: {  	[sflag:s22] =	ssyncadd.s32 s5;
	_ =	sdelay $0x1  }
0xa2: {  	s23 =	simm.s32 $0x1B8B  }
0xa3: {  	_ =	swait.ge [sflag:s23], $0x1  }
0xa4: {  	[sflag:s23] =	ssyncset.done $0x0  }
0xa5: {  	s25 =	simm.s32 $0x1B8E;
	s24 =	sld [smem:$0x3FFE];
	[sflag:s23] =	ssyncadd.s32 $0xFFFFFFFF  }
0xa6: {  	s26 =	simm.s32 $execute0_lowered;
	[smem:$0x3FD2] =	sst s25  }
0xa7: {  	s6 =	sshll.u32 s26, $0x1;
	_ =	strace $0x80000046;
	[dreg:$0x1] =	wrdreg $0xFFFFFFFF  }
0xa8: {  	s28 =	simm.s32 $_size_execute0_lowered;
	s4 =	sadd.s32 s4, s6;
	[dreg:$0x0] =	wrdreg $0x0  }
0xa9: {  	s6 =	sshll.u32 s28, $0x1;
	[dreg:$0x2] =	wrdreg s4  }
0xaa: {  	[dreg:$0x3] =	wrdreg s6  }
0xab: {  	[dreg:$0x4] =	wrdreg $0xC0  }
0xac: {  	_ =	task [dreg:s8], $0x5FFFF  }
0xad: {  	[dreg:$0x1] =	wrdreg $0xFFFFFFFF  }
0xae: {  	[dreg:$0x0] =	wrdreg $0x60  }
0xaf: {  	[dreg:$0x2] =	wrdreg s2  }
0xb0: {  	[dreg:$0x3] =	wrdreg s24  }
0xb1: {  	[dreg:$0x4] =	wrdreg s18  }
0xb2: {  	[dreg:$0x5] =	wrdreg $0x9  }
0xb3: {  	_ =	task.clear_ibuf [dreg:s8], $0x6FFFF;
	_ =	strace $0x90000046  }
0xb4: {  	s29 =	simm.s32 $0x9;
	_ =	strace $0x80000048  }
0xb5: {  	_ =	swait.ge [sflag:s29], $0x1  }
0xb6: {  	[sflag:s29] =	ssyncadd.s32 $0xFFFFFFFF  }
0xb7: {  	_ =	strace $0x90000048  }
0xb8: {  	_ =	sfence  }
0xb9: {  	s30 =	sld [smem:$0x0];
	_ =	sdelay $0x2  }
0xba: {  	s31 =	sshll.u32 s1, $0xD;
	s1 =	sshrl.u32 s1, $0x2  }
0xbb: {  	s3 =	sand.u32 $0x4000, s31;
	s1 =	sadd.s32 s1, s30  }
0xbc: {  	s0 =	sor.u32 s3, s0;
	s1 =	sshll.u32 s1, $0x11  }
0xbd: {  	s0 =	sor.u32 s1, s0  }
0xbe: {  	s0 =	sadd.s32 $0x8F2B, s0  }
0xbf: {  	[sflag:s0] =	ssyncadd.remote.s32 $0x1  }
0xc0: {  	_ =	sfence.sel $0xFFFF  }
0xc1: {  	[dreg:$0x0] =	wrdreg $0xFFFFFFFF;
	(pc) =	sbr.abs _section_cstart, $3  }
0xc2: {  	[dreg:$0x1] =	wrdreg $0xFFFFFFFF  }
0xc3: {  	_ =	task.clear_ibuf [dreg:s8], $0x2FFFF;
	_ =	strace $0x9FFFFFFF  }
0xc4: {  	(tm) =	ssettm $0x7FFFFFFF  }
0xc5: {  	_ =	shalt  }
tec
execute0_lowered:
.L_overlay_start_1:
0x0: {  	(tag) =	ssettag $0x1  }
0x1: {  	s0 =	srdreg.scid  }
0x2: {  	s1 =	rddreg [dreg:$0x0];
	s3 =	stileid.u32;
	s0 =	sand.u32 $0x1, s0  }
0x3: {  	s2 =	rddreg [dreg:$0x1];
	s3 =	sshll.u32 s3, $0x8;
	s4 =	sshll.u32 s0, $0x7  }
0x4: {  	s5 =	rddreg [dreg:$0x2];
	s21 =	simm.s32 $0x1;
	s4 =	sor.u32 s4, s3  }
0x5: {  	s0 =	ssub.s32 $0x2, s0;
	s3 =	simm.s32 $0x0;
	s6 =	smul.u32 $0x180, s4  }
0x6: {  	[smem:$0x7FF] =	sst s3;
	s7 =	smul.u32 $0xC00, s4;
	s2 =	sadd.s32 s2, s4  }
0x7: {  	_ =	strace $0x80000047;
	[dreg:$0x4] =	wrdreg s2;
	s6 =	sadd.s32 s5, s6  }
0x8: {  	s23 =	sshrl.u32 s7, $0x3;
	s22 =	sadd.s32 $0x1800, s6;
	[dreg:$0xc] =	wrdreg s6  }
0x9: {  	s24 =	sadd.s32 $0x3000, s6;
	s4 =	sadd.s32 s5, s23;
	[dreg:$0x5] =	wrdreg s22  }
0xa: {  	s29 =	sshrl.u32 s0, $0x1;
	[dreg:$0x6] =	wrdreg s24;
	s25 =	sadd.s32 $0x4800, s4  }
0xb: {  	s0 =	ssub.s32 s0, s29;
	s26 =	sadd.s32 $0x6000, s4;
	[dreg:$0x7] =	wrdreg s25  }
0xc: {  	s5 =	sadd.s32 $0x100, s1;
	s28 =	sadd.s32 $0x7800, s4;
	[dreg:$0x8] =	wrdreg s26  }
0xd: {  	v2 =	vlaneseq.u32;
	s6 =	smax.u32 s0, $0x1;
	s30 =	sadd.s32 $0x9000, s4;
	[dreg:$0x9] =	wrdreg s28  }
0xe: {  	vm0 =	vmmov $0xffff;
	vm1 =	vmmov $0xff;
	v1 =	vshrl.u32 v2, $0x3;
	s23 =	simm.s32 $0x2;
	s31 =	sadd.s32 $0xA800, s4;
	[dreg:$0xa] =	wrdreg s30  }
0xf: {  	v0 =	vand.u32 $0x7, v2;
	v2 =	vor.u32 $0x8, v2;
	v1 =	vmul.u32 $0x8, v1;
	s22 =	simm.s32 $0x3;
	s24 =	simm.s32 $0x4;
	[dreg:$0xb] =	wrdreg s31  }
.LBB2_1:
0x10: {  	s25 =	rddreg [dreg:$0x4];
	s14 =	simm.s32 $0x5  }
0x11: {  	[tilespmem:s3], [sflag:$0x5] =	stream.linear.gather [hbm4b:s25+s3], $0x400, $0x38;
	[tilespmem:$0x18400] =	vst v63  }
0x12: {  	_ =	swait.ge [sflag:s14], $0x400  }
0x13: {  	[sflag:s14] =	ssyncset.done $0x0  }
0x14: {  	[sflag:s14] =	ssyncadd.s32 $0xFFFFFC00  }
0x15: {  	v3 =	vld [tilespmem:$0x0];
	_ =	sdelay $0x4  }
0x16: {  	v4 =	vshrl.u32 v3, $0x3  }
0x17: {  	v4 =	vmul.u32 $0x18, v4  }
0x18: {  	v3 =	vand.u32 $0x7, v3  }
0x19: {  	v3 =	vor.u32 v3, v4  }
0x1a: {  	v4 =	vperm.xlane v3, v0;
	_ =	sdelay $0x1  }
0x1b: {  	v4 =	vadd.s32 v1, v4;
	_ =	sdelay $0x1  }
0x1c: {  	v3 =	vperm.xlane v3, v2;
	_ =	sdelay $0x1  }
0x1d: {  	s0 =	simm.s32 $0x400;
	v3 =	vadd.s32 v1, v3  }
0x1e: {  	[tilespmem:s0], [sflag:$0x1] =	stream.indirect_vreg.gather [hbm4b:s1+s3], $0x80, v4, vm0, $0xb8;
	[tilespmem:$0x18400] =	vst v63  }
0x1f: {  	s2 =	simm.s32 $0xC00  }
0x20: {  	[tilespmem:s2], [sflag:$0x1] =	stream.indirect_vreg.gather [hbm4b:s5+s3], $0x80, v4, vm1, $0xb8;
	[tilespmem:$0x18400] =	vst v63  }
0x21: {  	s15 =	simm.s32 $0x1000  }
0x22: {  	[tilespmem:s15], [sflag:$0x1] =	stream.indirect_vreg.gather [hbm4b:s1+s3], $0x80, v3, vm0, $0xb8;
	[tilespmem:$0x18400] =	vst v63  }
0x23: {  	s16 =	simm.s32 $0x1800  }
0x24: {  	[tilespmem:s16], [sflag:$0x1] =	stream.indirect_vreg.gather [hbm4b:s5+s3], $0x80, v3, vm1, $0xb8;
	[tilespmem:$0x18400] =	vst v63  }
0x25: {  	v3 =	vld [tilespmem:$0x10];
	_ =	sdelay $0x4  }
0x26: {  	v57 =	vshrl.u32 v3, $0x3  }
0x27: {  	v4 =	vmul.u32 $0x18, v57  }
0x28: {  	v3 =	vand.u32 $0x7, v3  }
0x29: {  	v3 =	vor.u32 v3, v4  }
0x2a: {  	v4 =	vperm.xlane v3, v0;
	_ =	sdelay $0x1  }
0x2b: {  	v4 =	vadd.s32 v1, v4;
	_ =	sdelay $0x1  }
0x2c: {  	v3 =	vperm.xlane v3, v2;
	_ =	sdelay $0x1  }
0x2d: {  	s17 =	simm.s32 $0x1C00;
	v3 =	vadd.s32 v1, v3  }
0x2e: {  	[tilespmem:s17], [sflag:$0x1] =	stream.indirect_vreg.gather [hbm4b:s1+s3], $0x80, v4, vm0, $0xb8;
	[tilespmem:$0x18400] =	vst v63  }
0x2f: {  	s18 =	simm.s32 $0x2400  }
0x30: {  	[tilespmem:s18], [sflag:$0x1] =	stream.indirect_vreg.gather [hbm4b:s5+s3], $0x80, v4, vm1, $0xb8;
	[tilespmem:$0x18400] =	vst v63  }
0x31: {  	s19 =	simm.s32 $0x2800  }
0x32: {  	[tilespmem:s19], [sflag:$0x1] =	stream.indirect_vreg.gather [hbm4b:s1+s3], $0x80, v3, vm0, $0xb8;
	[tilespmem:$0x18400] =	vst v63  }
0x33: {  	s20 =	simm.s32 $0x3000  }
0x34: {  	[tilespmem:s20], [sflag:$0x1] =	stream.indirect_vreg.gather [hbm4b:s5+s3], $0x80, v3, vm1, $0xb8;
	[tilespmem:$0x18400] =	vst v63  }
0x35: {  	v3 =	vld [tilespmem:$0x20];
	_ =	sdelay $0x4  }
0x36: {  	v58 =	vshrl.u32 v3, $0x3  }
0x37: {  	v4 =	vmul.u32 $0x18, v58  }
0x38: {  	v3 =	vand.u32 $0x7, v3  }
0x39: {  	v3 =	vor.u32 v3, v4  }
0x3a: {  	v4 =	vperm.xlane v3, v0;
	_ =	sdelay $0x1  }
0x3b: {  	v4 =	vadd.s32 v1, v4;
	_ =	sdelay $0x1  }
0x3c: {  	v3 =	vperm.xlane v3, v2;
	_ =	sdelay $0x1  }
0x3d: {  	s25 =	simm.s32 $0x3400;
	v3 =	vadd.s32 v1, v3  }
0x3e: {  	[tilespmem:s25], [sflag:$0x1] =	stream.indirect_vreg.gather [hbm4b:s1+s3], $0x80, v4, vm0, $0xb8;
	[tilespmem:$0x18400] =	vst v63  }
0x3f: {  	s26 =	simm.s32 $0x3C00  }
0x40: {  	[tilespmem:s26], [sflag:$0x1] =	stream.indirect_vreg.gather [hbm4b:s5+s3], $0x80, v4, vm1, $0xb8;
	[tilespmem:$0x18400] =	vst v63  }
0x41: {  	s28 =	simm.s32 $0x4000  }
0x42: {  	[tilespmem:s28], [sflag:$0x1] =	stream.indirect_vreg.gather [hbm4b:s1+s3], $0x80, v3, vm0, $0xb8;
	[tilespmem:$0x18400] =	vst v63  }
0x43: {  	s29 =	simm.s32 $0x4800  }
0x44: {  	[tilespmem:s29], [sflag:$0x1] =	stream.indirect_vreg.gather [hbm4b:s5+s3], $0x80, v3, vm1, $0xb8;
	[tilespmem:$0x18400] =	vst v63  }
0x45: {  	v3 =	vld [tilespmem:$0x30];
	_ =	sdelay $0x4  }
0x46: {  	v59 =	vshrl.u32 v3, $0x3  }
0x47: {  	v4 =	vmul.u32 $0x18, v59  }
0x48: {  	v3 =	vand.u32 $0x7, v3  }
0x49: {  	v3 =	vor.u32 v3, v4  }
0x4a: {  	v4 =	vperm.xlane v3, v0;
	_ =	sdelay $0x1  }
0x4b: {  	v4 =	vadd.s32 v1, v4;
	_ =	sdelay $0x1  }
0x4c: {  	v3 =	vperm.xlane v3, v2;
	_ =	sdelay $0x1  }
0x4d: {  	s30 =	simm.s32 $0x4C00;
	v3 =	vadd.s32 v1, v3  }
0x4e: {  	[tilespmem:s30], [sflag:$0x1] =	stream.indirect_vreg.gather [hbm4b:s1+s3], $0x80, v4, vm0, $0xb8;
	[tilespmem:$0x18400] =	vst v63  }
0x4f: {  	s31 =	simm.s32 $0x5400  }
0x50: {  	[tilespmem:s31], [sflag:$0x1] =	stream.indirect_vreg.gather [hbm4b:s5+s3], $0x80, v4, vm1, $0xb8;
	[tilespmem:$0x18400] =	vst v63  }
0x51: {  	s0 =	simm.s32 $0x5800  }
0x52: {  	[tilespmem:s0], [sflag:$0x1] =	stream.indirect_vreg.gather [hbm4b:s1+s3], $0x80, v3, vm0, $0xb8;
	[tilespmem:$0x18400] =	vst v63  }
0x53: {  	s9 =	simm.s32 $0x6000  }
0x54: {  	[tilespmem:s9], [sflag:$0x1] =	stream.indirect_vreg.gather [hbm4b:s5+s3], $0x80, v3, vm1, $0xb8;
	[tilespmem:$0x18400] =	vst v63  }
0x55: {  	v3 =	vld [tilespmem:$0x40];
	_ =	sdelay $0x4  }
0x56: {  	v60 =	vshrl.u32 v3, $0x3  }
0x57: {  	v4 =	vmul.u32 $0x18, v60  }
0x58: {  	v3 =	vand.u32 $0x7, v3  }
0x59: {  	v3 =	vor.u32 v3, v4  }
0x5a: {  	v4 =	vperm.xlane v3, v0;
	_ =	sdelay $0x1  }
0x5b: {  	v4 =	vadd.s32 v1, v4;
	_ =	sdelay $0x1  }
0x5c: {  	v3 =	vperm.xlane v3, v2;
	_ =	sdelay $0x1  }
0x5d: {  	s10 =	simm.s32 $0x6400;
	v3 =	vadd.s32 v1, v3  }
0x5e: {  	[tilespmem:s10], [sflag:$0x1] =	stream.indirect_vreg.gather [hbm4b:s1+s3], $0x80, v4, vm0, $0xb8;
	[tilespmem:$0x18400] =	vst v63  }
0x5f: {  	s11 =	simm.s32 $0x6C00  }
0x60: {  	[tilespmem:s11], [sflag:$0x1] =	stream.indirect_vreg.gather [hbm4b:s5+s3], $0x80, v4, vm1, $0xb8;
	[tilespmem:$0x18400] =	vst v63  }
0x61: {  	s12 =	simm.s32 $0x7000  }
0x62: {  	[tilespmem:s12], [sflag:$0x1] =	stream.indirect_vreg.gather [hbm4b:s1+s3], $0x80, v3, vm0, $0xb8;
	[tilespmem:$0x18400] =	vst v63  }
0x63: {  	s13 =	simm.s32 $0x7800  }
0x64: {  	[tilespmem:s13], [sflag:$0x1] =	stream.indirect_vreg.gather [hbm4b:s5+s3], $0x80, v3, vm1, $0xb8;
	[tilespmem:$0x18400] =	vst v63  }
0x65: {  	v3 =	vld [tilespmem:$0x50];
	_ =	sdelay $0x4  }
0x66: {  	v61 =	vshrl.u32 v3, $0x3  }
0x67: {  	v4 =	vmul.u32 $0x18, v61  }
0x68: {  	v3 =	vand.u32 $0x7, v3  }
0x69: {  	v3 =	vor.u32 v3, v4  }
0x6a: {  	v4 =	vperm.xlane v3, v0;
	_ =	sdelay $0x1  }
0x6b: {  	v4 =	vadd.s32 v1, v4;
	_ =	sdelay $0x1  }
0x6c: {  	v3 =	vperm.xlane v3, v2;
	_ =	sdelay $0x1  }
0x6d: {  	s14 =	simm.s32 $0x7C00;
	v3 =	vadd.s32 v1, v3  }
0x6e: {  	[tilespmem:s14], [sflag:$0x1] =	stream.indirect_vreg.gather [hbm4b:s1+s3], $0x80, v4, vm0, $0xb8;
	[tilespmem:$0x18400] =	vst v63  }
0x6f: {  	s15 =	simm.s32 $0x8400  }
0x70: {  	[tilespmem:s15], [sflag:$0x1] =	stream.indirect_vreg.gather [hbm4b:s5+s3], $0x80, v4, vm1, $0xb8;
	[tilespmem:$0x18400] =	vst v63  }
0x71: {  	s16 =	simm.s32 $0x8800  }
0x72: {  	[tilespmem:s16], [sflag:$0x1] =	stream.indirect_vreg.gather [hbm4b:s1+s3], $0x80, v3, vm0, $0xb8;
	[tilespmem:$0x18400] =	vst v63  }
0x73: {  	s17 =	simm.s32 $0x9000  }
0x74: {  	[tilespmem:s17], [sflag:$0x1] =	stream.indirect_vreg.gather [hbm4b:s5+s3], $0x80, v3, vm1, $0xb8;
	[tilespmem:$0x18400] =	vst v63  }
0x75: {  	v3 =	vld [tilespmem:$0x60];
	_ =	sdelay $0x4  }
0x76: {  	v62 =	vshrl.u32 v3, $0x3  }
0x77: {  	v4 =	vmul.u32 $0x18, v62  }
0x78: {  	v3 =	vand.u32 $0x7, v3  }
0x79: {  	v3 =	vor.u32 v3, v4  }
0x7a: {  	v4 =	vperm.xlane v3, v0;
	_ =	sdelay $0x1  }
0x7b: {  	v4 =	vadd.s32 v1, v4;
	_ =	sdelay $0x1  }
0x7c: {  	v3 =	vperm.xlane v3, v2;
	_ =	sdelay $0x1  }
0x7d: {  	s18 =	simm.s32 $0x9400;
	v3 =	vadd.s32 v1, v3  }
0x7e: {  	[tilespmem:s18], [sflag:$0x1] =	stream.indirect_vreg.gather [hbm4b:s1+s3], $0x80, v4, vm0, $0xb8;
	[tilespmem:$0x18400] =	vst v63  }
0x7f: {  	s19 =	simm.s32 $0x9C00  }
0x80: {  	[tilespmem:s19], [sflag:$0x1] =	stream.indirect_vreg.gather [hbm4b:s5+s3], $0x80, v4, vm1, $0xb8;
	[tilespmem:$0x18400] =	vst v63  }
0x81: {  	s20 =	simm.s32 $0xA000  }
0x82: {  	[tilespmem:s20], [sflag:$0x1] =	stream.indirect_vreg.gather [hbm4b:s1+s3], $0x80, v3, vm0, $0xb8;
	[tilespmem:$0x18400] =	vst v63  }
0x83: {  	s25 =	simm.s32 $0xA800  }
0x84: {  	[tilespmem:s25], [sflag:$0x1] =	stream.indirect_vreg.gather [hbm4b:s5+s3], $0x80, v3, vm1, $0xb8;
	[tilespmem:$0x18400] =	vst v63  }
0x85: {  	v3 =	vld [tilespmem:$0x70];
	_ =	sdelay $0x4  }
0x86: {  	v63 =	vshrl.u32 v3, $0x3  }
0x87: {  	v4 =	vmul.u32 $0x18, v63  }
0x88: {  	v3 =	vand.u32 $0x7, v3  }
0x89: {  	v3 =	vor.u32 v3, v4  }
0x8a: {  	v4 =	vperm.xlane v3, v0;
	_ =	sdelay $0x1  }
0x8b: {  	v4 =	vadd.s32 v1, v4;
	_ =	sdelay $0x1  }
0x8c: {  	v3 =	vperm.xlane v3, v2;
	_ =	sdelay $0x1  }
0x8d: {  	s26 =	simm.s32 $0xAC00;
	v3 =	vadd.s32 v1, v3  }
0x8e: {  	[tilespmem:s26], [sflag:$0x1] =	stream.indirect_vreg.gather [hbm4b:s1+s3], $0x80, v4, vm0, $0xb8;
	[tilespmem:$0x18400] =	vst v63  }
0x8f: {  	s28 =	simm.s32 $0xB400  }
0x90: {  	[tilespmem:s28], [sflag:$0x1] =	stream.indirect_vreg.gather [hbm4b:s5+s3], $0x80, v4, vm1, $0xb8;
	[tilespmem:$0x18400] =	vst v63  }
0x91: {  	s29 =	simm.s32 $0xB800  }
0x92: {  	[tilespmem:s29], [sflag:$0x1] =	stream.indirect_vreg.gather [hbm4b:s1+s3], $0x80, v3, vm0, $0xb8;
	[tilespmem:$0x18400] =	vst v63  }
0x93: {  	s30 =	simm.s32 $0xC000  }
0x94: {  	[tilespmem:s30], [sflag:$0x1] =	stream.indirect_vreg.gather [hbm4b:s5+s3], $0x80, v3, vm1, $0xb8;
	[tilespmem:$0x18400] =	vst v63  }
0x95: {  	v3 =	vld [tilespmem:$0x80];
	_ =	sdelay $0x4  }
0x96: {  	v8 =	vshrl.u32 v3, $0x3  }
0x97: {  	v4 =	vmul.u32 $0x18, v8  }
0x98: {  	v3 =	vand.u32 $0x7, v3  }
0x99: {  	v3 =	vor.u32 v3, v4  }
0x9a: {  	v4 =	vperm.xlane v3, v0;
	_ =	sdelay $0x1  }
0x9b: {  	v4 =	vadd.s32 v1, v4;
	_ =	sdelay $0x1  }
0x9c: {  	v3 =	vperm.xlane v3, v2;
	_ =	sdelay $0x1  }
0x9d: {  	s31 =	simm.s32 $0xC400;
	v3 =	vadd.s32 v1, v3  }
0x9e: {  	[tilespmem:s31], [sflag:$0x2] =	stream.indirect_vreg.gather [hbm4b:s1+s3], $0x80, v4, vm0, $0xb8;
	[tilespmem:$0x18400] =	vst v63  }
0x9f: {  	s0 =	simm.s32 $0xCC00  }
0xa0: {  	[tilespmem:s0], [sflag:$0x2] =	stream.indirect_vreg.gather [hbm4b:s5+s3], $0x80, v4, vm1, $0xb8;
	[tilespmem:$0x18400] =	vst v63  }
0xa1: {  	s2 =	simm.s32 $0xD000  }
0xa2: {  	[tilespmem:s2], [sflag:$0x2] =	stream.indirect_vreg.gather [hbm4b:s1+s3], $0x80, v3, vm0, $0xb8;
	[tilespmem:$0x18400] =	vst v63  }
0xa3: {  	s12 =	simm.s32 $0xD800  }
0xa4: {  	[tilespmem:s12], [sflag:$0x2] =	stream.indirect_vreg.gather [hbm4b:s5+s3], $0x80, v3, vm1, $0xb8;
	[tilespmem:$0x18400] =	vst v63  }
0xa5: {  	v3 =	vld [tilespmem:$0x90];
	_ =	sdelay $0x4  }
0xa6: {  	v9 =	vshrl.u32 v3, $0x3  }
0xa7: {  	v4 =	vmul.u32 $0x18, v9  }
0xa8: {  	v3 =	vand.u32 $0x7, v3  }
0xa9: {  	v3 =	vor.u32 v3, v4  }
0xaa: {  	v4 =	vperm.xlane v3, v0;
	_ =	sdelay $0x1  }
0xab: {  	v4 =	vadd.s32 v1, v4;
	_ =	sdelay $0x1  }
0xac: {  	v3 =	vperm.xlane v3, v2;
	_ =	sdelay $0x1  }
0xad: {  	s13 =	simm.s32 $0xDC00;
	v3 =	vadd.s32 v1, v3  }
0xae: {  	[tilespmem:s13], [sflag:$0x2] =	stream.indirect_vreg.gather [hbm4b:s1+s3], $0x80, v4, vm0, $0xb8;
	[tilespmem:$0x18400] =	vst v63  }
0xaf: {  	s14 =	simm.s32 $0xE400  }
0xb0: {  	[tilespmem:s14], [sflag:$0x2] =	stream.indirect_vreg.gather [hbm4b:s5+s3], $0x80, v4, vm1, $0xb8;
	[tilespmem:$0x18400] =	vst v63  }
0xb1: {  	s15 =	simm.s32 $0xE800  }
0xb2: {  	[tilespmem:s15], [sflag:$0x2] =	stream.indirect_vreg.gather [hbm4b:s1+s3], $0x80, v3, vm0, $0xb8;
	[tilespmem:$0x18400] =	vst v63  }
0xb3: {  	s16 =	simm.s32 $0xF000  }
0xb4: {  	[tilespmem:s16], [sflag:$0x2] =	stream.indirect_vreg.gather [hbm4b:s5+s3], $0x80, v3, vm1, $0xb8;
	[tilespmem:$0x18400] =	vst v63  }
0xb5: {  	v3 =	vld [tilespmem:$0xA0];
	_ =	sdelay $0x4  }
0xb6: {  	v10 =	vshrl.u32 v3, $0x3  }
0xb7: {  	v4 =	vmul.u32 $0x18, v10  }
0xb8: {  	v3 =	vand.u32 $0x7, v3  }
0xb9: {  	v3 =	vor.u32 v3, v4  }
0xba: {  	v4 =	vperm.xlane v3, v0;
	_ =	sdelay $0x1  }
0xbb: {  	v4 =	vadd.s32 v1, v4;
	_ =	sdelay $0x1  }
0xbc: {  	v3 =	vperm.xlane v3, v2;
	_ =	sdelay $0x1  }
0xbd: {  	s17 =	simm.s32 $0xF400;
	v3 =	vadd.s32 v1, v3  }
0xbe: {  	[tilespmem:s17], [sflag:$0x2] =	stream.indirect_vreg.gather [hbm4b:s1+s3], $0x80, v4, vm0, $0xb8;
	[tilespmem:$0x18400] =	vst v63  }
0xbf: {  	s18 =	simm.s32 $0xFC00  }
0xc0: {  	[tilespmem:s18], [sflag:$0x2] =	stream.indirect_vreg.gather [hbm4b:s5+s3], $0x80, v4, vm1, $0xb8;
	[tilespmem:$0x18400] =	vst v63  }
0xc1: {  	s19 =	simm.s32 $0x10000  }
0xc2: {  	[tilespmem:s19], [sflag:$0x2] =	stream.indirect_vreg.gather [hbm4b:s1+s3], $0x80, v3, vm0, $0xb8;
	[tilespmem:$0x18400] =	vst v63  }
0xc3: {  	s20 =	simm.s32 $0x10800  }
0xc4: {  	[tilespmem:s20], [sflag:$0x2] =	stream.indirect_vreg.gather [hbm4b:s5+s3], $0x80, v3, vm1, $0xb8;
	[tilespmem:$0x18400] =	vst v63  }
0xc5: {  	v3 =	vld [tilespmem:$0xB0];
	_ =	sdelay $0x4  }
0xc6: {  	v11 =	vshrl.u32 v3, $0x3  }
0xc7: {  	v4 =	vmul.u32 $0x18, v11  }
0xc8: {  	v3 =	vand.u32 $0x7, v3  }
0xc9: {  	v3 =	vor.u32 v3, v4  }
0xca: {  	v4 =	vperm.xlane v3, v0;
	_ =	sdelay $0x1  }
0xcb: {  	v4 =	vadd.s32 v1, v4;
	_ =	sdelay $0x1  }
0xcc: {  	v3 =	vperm.xlane v3, v2;
	_ =	sdelay $0x1  }
0xcd: {  	s26 =	simm.s32 $0x10C00;
	v3 =	vadd.s32 v1, v3  }
0xce: {  	[tilespmem:s26], [sflag:$0x2] =	stream.indirect_vreg.gather [hbm4b:s1+s3], $0x80, v4, vm0, $0xb8;
	[tilespmem:$0x18400] =	vst v63  }
0xcf: {  	s28 =	simm.s32 $0x11400  }
0xd0: {  	[tilespmem:s28], [sflag:$0x2] =	stream.indirect_vreg.gather [hbm4b:s5+s3], $0x80, v4, vm1, $0xb8;
	[tilespmem:$0x18400] =	vst v63  }
0xd1: {  	s29 =	simm.s32 $0x11800  }
0xd2: {  	[tilespmem:s29], [sflag:$0x2] =	stream.indirect_vreg.gather [hbm4b:s1+s3], $0x80, v3, vm0, $0xb8;
	[tilespmem:$0x18400] =	vst v63  }
0xd3: {  	s30 =	simm.s32 $0x12000  }
0xd4: {  	[tilespmem:s30], [sflag:$0x2] =	stream.indirect_vreg.gather [hbm4b:s5+s3], $0x80, v3, vm1, $0xb8;
	[tilespmem:$0x18400] =	vst v63  }
0xd5: {  	v3 =	vld [tilespmem:$0xC0];
	_ =	sdelay $0x4  }
0xd6: {  	v12 =	vshrl.u32 v3, $0x3  }
0xd7: {  	v4 =	vmul.u32 $0x18, v12  }
0xd8: {  	v3 =	vand.u32 $0x7, v3  }
0xd9: {  	v3 =	vor.u32 v3, v4  }
0xda: {  	v4 =	vperm.xlane v3, v0;
	_ =	sdelay $0x1  }
0xdb: {  	v4 =	vadd.s32 v1, v4;
	_ =	sdelay $0x1  }
0xdc: {  	v3 =	vperm.xlane v3, v2;
	_ =	sdelay $0x1  }
0xdd: {  	s31 =	simm.s32 $0x12400;
	v3 =	vadd.s32 v1, v3  }
0xde: {  	[tilespmem:s31], [sflag:$0x2] =	stream.indirect_vreg.gather [hbm4b:s1+s3], $0x80, v4, vm0, $0xb8;
	[tilespmem:$0x18400] =	vst v63  }
0xdf: {  	s0 =	simm.s32 $0x12C00  }
0xe0: {  	[tilespmem:s0], [sflag:$0x2] =	stream.indirect_vreg.gather [hbm4b:s5+s3], $0x80, v4, vm1, $0xb8;
	[tilespmem:$0x18400] =	vst v63  }
0xe1: {  	s2 =	simm.s32 $0x13000  }
0xe2: {  	[tilespmem:s2], [sflag:$0x2] =	stream.indirect_vreg.gather [hbm4b:s1+s3], $0x80, v3, vm0, $0xb8;
	[tilespmem:$0x18400] =	vst v63  }
0xe3: {  	s12 =	simm.s32 $0x13800  }
0xe4: {  	[tilespmem:s12], [sflag:$0x2] =	stream.indirect_vreg.gather [hbm4b:s5+s3], $0x80, v3, vm1, $0xb8;
	[tilespmem:$0x18400] =	vst v63  }
0xe5: {  	v3 =	vld [tilespmem:$0xD0];
	_ =	sdelay $0x4  }
0xe6: {  	v13 =	vshrl.u32 v3, $0x3  }
0xe7: {  	v4 =	vmul.u32 $0x18, v13  }
0xe8: {  	v3 =	vand.u32 $0x7, v3  }
0xe9: {  	v3 =	vor.u32 v3, v4  }
0xea: {  	v4 =	vperm.xlane v3, v0;
	_ =	sdelay $0x1  }
0xeb: {  	v4 =	vadd.s32 v1, v4;
	_ =	sdelay $0x1  }
0xec: {  	v3 =	vperm.xlane v3, v2;
	_ =	sdelay $0x1  }
0xed: {  	s13 =	simm.s32 $0x13C00;
	v3 =	vadd.s32 v1, v3  }
0xee: {  	[tilespmem:s13], [sflag:$0x2] =	stream.indirect_vreg.gather [hbm4b:s1+s3], $0x80, v4, vm0, $0xb8;
	[tilespmem:$0x18400] =	vst v63  }
0xef: {  	s14 =	simm.s32 $0x14400  }
0xf0: {  	[tilespmem:s14], [sflag:$0x2] =	stream.indirect_vreg.gather [hbm4b:s5+s3], $0x80, v4, vm1, $0xb8;
	[tilespmem:$0x18400] =	vst v63  }
0xf1: {  	s15 =	simm.s32 $0x14800  }
0xf2: {  	[tilespmem:s15], [sflag:$0x2] =	stream.indirect_vreg.gather [hbm4b:s1+s3], $0x80, v3, vm0, $0xb8;
	[tilespmem:$0x18400] =	vst v63  }
0xf3: {  	s16 =	simm.s32 $0x15000  }
0xf4: {  	[tilespmem:s16], [sflag:$0x2] =	stream.indirect_vreg.gather [hbm4b:s5+s3], $0x80, v3, vm1, $0xb8;
	[tilespmem:$0x18400] =	vst v63  }
0xf5: {  	v3 =	vld [tilespmem:$0xE0];
	_ =	sdelay $0x4  }
0xf6: {  	v14 =	vshrl.u32 v3, $0x3  }
0xf7: {  	v4 =	vmul.u32 $0x18, v14  }
0xf8: {  	v3 =	vand.u32 $0x7, v3  }
0xf9: {  	v3 =	vor.u32 v3, v4  }
0xfa: {  	v4 =	vperm.xlane v3, v0;
	_ =	sdelay $0x1  }
0xfb: {  	v4 =	vadd.s32 v1, v4;
	_ =	sdelay $0x1  }
0xfc: {  	v3 =	vperm.xlane v3, v2;
	_ =	sdelay $0x1  }
0xfd: {  	s17 =	simm.s32 $0x15400;
	v3 =	vadd.s32 v1, v3  }
0xfe: {  	[tilespmem:s17], [sflag:$0x2] =	stream.indirect_vreg.gather [hbm4b:s1+s3], $0x80, v4, vm0, $0xb8;
	[tilespmem:$0x18400] =	vst v63  }
0xff: {  	s18 =	simm.s32 $0x15C00  }
0x100: {  	[tilespmem:s18], [sflag:$0x2] =	stream.indirect_vreg.gather [hbm4b:s5+s3], $0x80, v4, vm1, $0xb8;
	[tilespmem:$0x18400] =	vst v63  }
0x101: {  	s19 =	simm.s32 $0x16000  }
0x102: {  	[tilespmem:s19], [sflag:$0x2] =	stream.indirect_vreg.gather [hbm4b:s1+s3], $0x80, v3, vm0, $0xb8;
	[tilespmem:$0x18400] =	vst v63  }
0x103: {  	s20 =	simm.s32 $0x16800  }
0x104: {  	[tilespmem:s20], [sflag:$0x2] =	stream.indirect_vreg.gather [hbm4b:s5+s3], $0x80, v3, vm1, $0xb8;
	[tilespmem:$0x18400] =	vst v63  }
0x105: {  	v3 =	vld [tilespmem:$0xF0];
	_ =	sdelay $0x4  }
0x106: {  	v15 =	vshrl.u32 v3, $0x3  }
0x107: {  	v4 =	vmul.u32 $0x18, v15  }
0x108: {  	v3 =	vand.u32 $0x7, v3  }
0x109: {  	v3 =	vor.u32 v3, v4  }
0x10a: {  	v4 =	vperm.xlane v3, v0;
	_ =	sdelay $0x1  }
0x10b: {  	v4 =	vadd.s32 v1, v4;
	_ =	sdelay $0x1  }
0x10c: {  	v3 =	vperm.xlane v3, v2;
	_ =	sdelay $0x1  }
0x10d: {  	s26 =	simm.s32 $0x16C00;
	v3 =	vadd.s32 v1, v3  }
0x10e: {  	[tilespmem:s26], [sflag:$0x2] =	stream.indirect_vreg.gather [hbm4b:s1+s3], $0x80, v4, vm0, $0xb8;
	[tilespmem:$0x18400] =	vst v63  }
0x10f: {  	s28 =	simm.s32 $0x17400  }
0x110: {  	[tilespmem:s28], [sflag:$0x2] =	stream.indirect_vreg.gather [hbm4b:s5+s3], $0x80, v4, vm1, $0xb8;
	[tilespmem:$0x18400] =	vst v63  }
0x111: {  	s29 =	simm.s32 $0x17800  }
0x112: {  	[tilespmem:s29], [sflag:$0x2] =	stream.indirect_vreg.gather [hbm4b:s1+s3], $0x80, v3, vm0, $0xb8;
	[tilespmem:$0x18400] =	vst v63  }
0x113: {  	s30 =	simm.s32 $0x18000  }
0x114: {  	[tilespmem:s30], [sflag:$0x2] =	stream.indirect_vreg.gather [hbm4b:s5+s3], $0x80, v3, vm1, $0xb8;
	[tilespmem:$0x18400] =	vst v63  }
0x115: {  	_ =	swait.ge [sflag:s21], $0xC000  }
0x116: {  	[sflag:s21] =	ssyncset.done $0x0  }
0x117: {  	s0 =	simm.s32 $0x400;
	s31 =	rddreg [dreg:$0xc];
	[sflag:s21] =	ssyncadd.s32 $0xFFFF4000  }
0x118: {  	[hbm4b:s31+s3] =	stream.linear.scatter [tilespmem:s0], [sflag:$0x3], $0xC000, $0x38;
	[tilespmem:$0x18400] =	vst v63  }
0x119: {  	_ =	swait.ge [sflag:s22], $0xC000  }
0x11a: {  	[sflag:s22] =	ssyncset.done $0x0  }
0x11b: {  	[sflag:s22] =	ssyncadd.s32 $0xFFFF4000  }
0x11c: {  	v3 =	vld [tilespmem:$0x100];
	_ =	sdelay $0x4  }
0x11d: {  	v16 =	vshrl.u32 v3, $0x3  }
0x11e: {  	v4 =	vmul.u32 $0x18, v16  }
0x11f: {  	v3 =	vand.u32 $0x7, v3  }
0x120: {  	v3 =	vor.u32 v3, v4  }
0x121: {  	v4 =	vperm.xlane v3, v0;
	_ =	sdelay $0x1  }
0x122: {  	v4 =	vadd.s32 v1, v4;
	_ =	sdelay $0x1  }
0x123: {  	v3 =	vperm.xlane v3, v2;
	_ =	sdelay $0x1  }
0x124: {  	v3 =	vadd.s32 v1, v3  }
0x125: {  	[tilespmem:s0], [sflag:$0x1] =	stream.indirect_vreg.gather [hbm4b:s1+s3], $0x80, v4, vm0, $0xb8;
	[tilespmem:$0x18400] =	vst v63  }
0x126: {  	s14 =	simm.s32 $0xC00  }
0x127: {  	[tilespmem:s14], [sflag:$0x1] =	stream.indirect_vreg.gather [hbm4b:s5+s3], $0x80, v4, vm1, $0xb8;
	[tilespmem:$0x18400] =	vst v63  }
0x128: {  	s13 =	simm.s32 $0x1000  }
0x129: {  	[tilespmem:s13], [sflag:$0x1] =	stream.indirect_vreg.gather [hbm4b:s1+s3], $0x80, v3, vm0, $0xb8;
	[tilespmem:$0x18400] =	vst v63  }
0x12a: {  	s4 =	simm.s32 $0x1800  }
0x12b: {  	[tilespmem:s4], [sflag:$0x1] =	stream.indirect_vreg.gather [hbm4b:s5+s3], $0x80, v3, vm1, $0xb8;
	[tilespmem:$0x18400] =	vst v63  }
0x12c: {  	v3 =	vld [tilespmem:$0x110];
	_ =	sdelay $0x4  }
0x12d: {  	v17 =	vshrl.u32 v3, $0x3  }
0x12e: {  	v4 =	vmul.u32 $0x18, v17  }
0x12f: {  	v3 =	vand.u32 $0x7, v3  }
0x130: {  	v3 =	vor.u32 v3, v4  }
0x131: {  	v4 =	vperm.xlane v3, v0;
	_ =	sdelay $0x1  }
0x132: {  	v4 =	vadd.s32 v1, v4;
	_ =	sdelay $0x1  }
0x133: {  	v3 =	vperm.xlane v3, v2;
	_ =	sdelay $0x1  }
0x134: {  	s15 =	simm.s32 $0x1C00;
	v3 =	vadd.s32 v1, v3  }
0x135: {  	[tilespmem:s15], [sflag:$0x1] =	stream.indirect_vreg.gather [hbm4b:s1+s3], $0x80, v4, vm0, $0xb8;
	[tilespmem:$0x18400] =	vst v63  }
0x136: {  	s16 =	simm.s32 $0x2400  }
0x137: {  	[tilespmem:s16], [sflag:$0x1] =	stream.indirect_vreg.gather [hbm4b:s5+s3], $0x80, v4, vm1, $0xb8;
	[tilespmem:$0x18400] =	vst v63  }
0x138: {  	s17 =	simm.s32 $0x2800  }
0x139: {  	[tilespmem:s17], [sflag:$0x1] =	stream.indirect_vreg.gather [hbm4b:s1+s3], $0x80, v3, vm0, $0xb8;
	[tilespmem:$0x18400] =	vst v63  }
0x13a: {  	s7 =	simm.s32 $0x3000  }
0x13b: {  	[tilespmem:s7], [sflag:$0x1] =	stream.indirect_vreg.gather [hbm4b:s5+s3], $0x80, v3, vm1, $0xb8;
	[tilespmem:$0x18400] =	vst v63  }
0x13c: {  	v3 =	vld [tilespmem:$0x120];
	_ =	sdelay $0x4  }
0x13d: {  	v18 =	vshrl.u32 v3, $0x3  }
0x13e: {  	v4 =	vmul.u32 $0x18, v18  }
0x13f: {  	v3 =	vand.u32 $0x7, v3  }
0x140: {  	v3 =	vor.u32 v3, v4  }
0x141: {  	v4 =	vperm.xlane v3, v0;
	_ =	sdelay $0x1  }
0x142: {  	v4 =	vadd.s32 v1, v4;
	_ =	sdelay $0x1  }
0x143: {  	v3 =	vperm.xlane v3, v2;
	_ =	sdelay $0x1  }
0x144: {  	s18 =	simm.s32 $0x3400;
	v3 =	vadd.s32 v1, v3  }
0x145: {  	[tilespmem:s18], [sflag:$0x1] =	stream.indirect_vreg.gather [hbm4b:s1+s3], $0x80, v4, vm0, $0xb8;
	[tilespmem:$0x18400] =	vst v63  }
0x146: {  	s19 =	simm.s32 $0x3C00  }
0x147: {  	[tilespmem:s19], [sflag:$0x1] =	stream.indirect_vreg.gather [hbm4b:s5+s3], $0x80, v4, vm1, $0xb8;
	[tilespmem:$0x18400] =	vst v63  }
0x148: {  	s20 =	simm.s32 $0x4000  }
0x149: {  	[tilespmem:s20], [sflag:$0x1] =	stream.indirect_vreg.gather [hbm4b:s1+s3], $0x80, v3, vm0, $0xb8;
	[tilespmem:$0x18400] =	vst v63  }
0x14a: {  	s8 =	simm.s32 $0x4800  }
0x14b: {  	[tilespmem:s8], [sflag:$0x1] =	stream.indirect_vreg.gather [hbm4b:s5+s3], $0x80, v3, vm1, $0xb8;
	[tilespmem:$0x18400] =	vst v63  }
0x14c: {  	v3 =	vld [tilespmem:$0x130];
	_ =	sdelay $0x4  }
0x14d: {  	v19 =	vshrl.u32 v3, $0x3  }
0x14e: {  	v4 =	vmul.u32 $0x18, v19  }
0x14f: {  	v3 =	vand.u32 $0x7, v3  }
0x150: {  	v3 =	vor.u32 v3, v4  }
0x151: {  	v4 =	vperm.xlane v3, v0;
	_ =	sdelay $0x1  }
0x152: {  	v4 =	vadd.s32 v1, v4;
	_ =	sdelay $0x1  }
0x153: {  	v3 =	vperm.xlane v3, v2;
	_ =	sdelay $0x1  }
0x154: {  	s26 =	simm.s32 $0x4C00;
	v3 =	vadd.s32 v1, v3  }
0x155: {  	[tilespmem:s26], [sflag:$0x1] =	stream.indirect_vreg.gather [hbm4b:s1+s3], $0x80, v4, vm0, $0xb8;
	[tilespmem:$0x18400] =	vst v63  }
0x156: {  	s28 =	simm.s32 $0x5400  }
0x157: {  	[tilespmem:s28], [sflag:$0x1] =	stream.indirect_vreg.gather [hbm4b:s5+s3], $0x80, v4, vm1, $0xb8;
	[tilespmem:$0x18400] =	vst v63  }
0x158: {  	s29 =	simm.s32 $0x5800  }
0x159: {  	[tilespmem:s29], [sflag:$0x1] =	stream.indirect_vreg.gather [hbm4b:s1+s3], $0x80, v3, vm0, $0xb8;
	[tilespmem:$0x18400] =	vst v63  }
0x15a: {  	s9 =	simm.s32 $0x6000  }
0x15b: {  	[tilespmem:s9], [sflag:$0x1] =	stream.indirect_vreg.gather [hbm4b:s5+s3], $0x80, v3, vm1, $0xb8;
	[tilespmem:$0x18400] =	vst v63  }
0x15c: {  	v3 =	vld [tilespmem:$0x140];
	_ =	sdelay $0x4  }
0x15d: {  	v20 =	vshrl.u32 v3, $0x3  }
0x15e: {  	v4 =	vmul.u32 $0x18, v20  }
0x15f: {  	v3 =	vand.u32 $0x7, v3  }
0x160: {  	v3 =	vor.u32 v3, v4  }
0x161: {  	v4 =	vperm.xlane v3, v0;
	_ =	sdelay $0x1  }
0x162: {  	v4 =	vadd.s32 v1, v4;
	_ =	sdelay $0x1  }
0x163: {  	v3 =	vperm.xlane v3, v2;
	_ =	sdelay $0x1  }
0x164: {  	s30 =	simm.s32 $0x6400;
	v3 =	vadd.s32 v1, v3  }
0x165: {  	[tilespmem:s30], [sflag:$0x1] =	stream.indirect_vreg.gather [hbm4b:s1+s3], $0x80, v4, vm0, $0xb8;
	[tilespmem:$0x18400] =	vst v63  }
0x166: {  	s31 =	simm.s32 $0x6C00  }
0x167: {  	[tilespmem:s31], [sflag:$0x1] =	stream.indirect_vreg.gather [hbm4b:s5+s3], $0x80, v4, vm1, $0xb8;
	[tilespmem:$0x18400] =	vst v63  }
0x168: {  	s4 =	simm.s32 $0x7000  }
0x169: {  	[tilespmem:s4], [sflag:$0x1] =	stream.indirect_vreg.gather [hbm4b:s1+s3], $0x80, v3, vm0, $0xb8;
	[tilespmem:$0x18400] =	vst v63  }
0x16a: {  	s10 =	simm.s32 $0x7800  }
0x16b: {  	[tilespmem:s10], [sflag:$0x1] =	stream.indirect_vreg.gather [hbm4b:s5+s3], $0x80, v3, vm1, $0xb8;
	[tilespmem:$0x18400] =	vst v63  }
0x16c: {  	v3 =	vld [tilespmem:$0x150];
	_ =	sdelay $0x4  }
0x16d: {  	v21 =	vshrl.u32 v3, $0x3  }
0x16e: {  	v4 =	vmul.u32 $0x18, v21  }
0x16f: {  	v3 =	vand.u32 $0x7, v3  }
0x170: {  	v3 =	vor.u32 v3, v4  }
0x171: {  	v4 =	vperm.xlane v3, v0;
	_ =	sdelay $0x1  }
0x172: {  	v4 =	vadd.s32 v1, v4;
	_ =	sdelay $0x1  }
0x173: {  	v3 =	vperm.xlane v3, v2;
	_ =	sdelay $0x1  }
0x174: {  	s7 =	simm.s32 $0x7C00;
	v3 =	vadd.s32 v1, v3  }
0x175: {  	[tilespmem:s7], [sflag:$0x1] =	stream.indirect_vreg.gather [hbm4b:s1+s3], $0x80, v4, vm0, $0xb8;
	[tilespmem:$0x18400] =	vst v63  }
0x176: {  	s8 =	simm.s32 $0x8400  }
0x177: {  	[tilespmem:s8], [sflag:$0x1] =	stream.indirect_vreg.gather [hbm4b:s5+s3], $0x80, v4, vm1, $0xb8;
	[tilespmem:$0x18400] =	vst v63  }
0x178: {  	s9 =	simm.s32 $0x8800  }
0x179: {  	[tilespmem:s9], [sflag:$0x1] =	stream.indirect_vreg.gather [hbm4b:s1+s3], $0x80, v3, vm0, $0xb8;
	[tilespmem:$0x18400] =	vst v63  }
0x17a: {  	s11 =	simm.s32 $0x9000  }
0x17b: {  	[tilespmem:s11], [sflag:$0x1] =	stream.indirect_vreg.gather [hbm4b:s5+s3], $0x80, v3, vm1, $0xb8;
	[tilespmem:$0x18400] =	vst v63  }
0x17c: {  	v3 =	vld [tilespmem:$0x160];
	_ =	sdelay $0x4  }
0x17d: {  	v22 =	vshrl.u32 v3, $0x3  }
0x17e: {  	v4 =	vmul.u32 $0x18, v22  }
0x17f: {  	v3 =	vand.u32 $0x7, v3  }
0x180: {  	v3 =	vor.u32 v3, v4  }
0x181: {  	v4 =	vperm.xlane v3, v0;
	_ =	sdelay $0x1  }
0x182: {  	v4 =	vadd.s32 v1, v4;
	_ =	sdelay $0x1  }
0x183: {  	v3 =	vperm.xlane v3, v2;
	_ =	sdelay $0x1  }
0x184: {  	s10 =	simm.s32 $0x9400;
	v3 =	vadd.s32 v1, v3  }
0x185: {  	[tilespmem:s10], [sflag:$0x1] =	stream.indirect_vreg.gather [hbm4b:s1+s3], $0x80, v4, vm0, $0xb8;
	[tilespmem:$0x18400] =	vst v63  }
0x186: {  	s11 =	simm.s32 $0x9C00  }
0x187: {  	[tilespmem:s11], [sflag:$0x1] =	stream.indirect_vreg.gather [hbm4b:s5+s3], $0x80, v4, vm1, $0xb8;
	[tilespmem:$0x18400] =	vst v63  }
0x188: {  	s12 =	simm.s32 $0xA000  }
0x189: {  	[tilespmem:s12], [sflag:$0x1] =	stream.indirect_vreg.gather [hbm4b:s1+s3], $0x80, v3, vm0, $0xb8;
	[tilespmem:$0x18400] =	vst v63  }
0x18a: {  	s2 =	simm.s32 $0xA800  }
0x18b: {  	[tilespmem:s2], [sflag:$0x1] =	stream.indirect_vreg.gather [hbm4b:s5+s3], $0x80, v3, vm1, $0xb8;
	[tilespmem:$0x18400] =	vst v63  }
0x18c: {  	v3 =	vld [tilespmem:$0x170];
	_ =	sdelay $0x4  }
0x18d: {  	v23 =	vshrl.u32 v3, $0x3  }
0x18e: {  	v4 =	vmul.u32 $0x18, v23  }
0x18f: {  	v3 =	vand.u32 $0x7, v3  }
0x190: {  	v3 =	vor.u32 v3, v4  }
0x191: {  	v4 =	vperm.xlane v3, v0;
	_ =	sdelay $0x1  }
0x192: {  	v4 =	vadd.s32 v1, v4;
	_ =	sdelay $0x1  }
0x193: {  	v3 =	vperm.xlane v3, v2;
	_ =	sdelay $0x1  }
0x194: {  	s25 =	simm.s32 $0xAC00;
	v3 =	vadd.s32 v1, v3  }
0x195: {  	[tilespmem:s25], [sflag:$0x1] =	stream.indirect_vreg.gather [hbm4b:s1+s3], $0x80, v4, vm0, $0xb8;
	[tilespmem:$0x18400] =	vst v63  }
0x196: {  	s0 =	simm.s32 $0xB400  }
0x197: {  	[tilespmem:s0], [sflag:$0x1] =	stream.indirect_vreg.gather [hbm4b:s5+s3], $0x80, v4, vm1, $0xb8;
	[tilespmem:$0x18400] =	vst v63  }
0x198: {  	s25 =	simm.s32 $0xB800  }
0x199: {  	[tilespmem:s25], [sflag:$0x1] =	stream.indirect_vreg.gather [hbm4b:s1+s3], $0x80, v3, vm0, $0xb8;
	[tilespmem:$0x18400] =	vst v63  }
0x19a: {  	s0 =	simm.s32 $0xC000  }
0x19b: {  	[tilespmem:s0], [sflag:$0x1] =	stream.indirect_vreg.gather [hbm4b:s5+s3], $0x80, v3, vm1, $0xb8;
	[tilespmem:$0x18400] =	vst v63  }
0x19c: {  	_ =	swait.ge [sflag:s23], $0xC000  }
0x19d: {  	[sflag:s23] =	ssyncset.done $0x0  }
0x19e: {  	s0 =	simm.s32 $0xC400;
	s2 =	rddreg [dreg:$0x5];
	[sflag:s23] =	ssyncadd.s32 $0xFFFF4000  }
0x19f: {  	[hbm4b:s2+s3] =	stream.linear.scatter [tilespmem:s0], [sflag:$0x4], $0xC000, $0x38;
	[tilespmem:$0x18400] =	vst v63  }
0x1a0: {  	_ =	swait.ge [sflag:s24], $0xC000  }
0x1a1: {  	[sflag:s24] =	ssyncset.done $0x0  }
0x1a2: {  	[sflag:s24] =	ssyncadd.s32 $0xFFFF4000  }
0x1a3: {  	v3 =	vld [tilespmem:$0x180];
	_ =	sdelay $0x4  }
0x1a4: {  	v24 =	vshrl.u32 v3, $0x3  }
0x1a5: {  	v4 =	vmul.u32 $0x18, v24  }
0x1a6: {  	v3 =	vand.u32 $0x7, v3  }
0x1a7: {  	v3 =	vor.u32 v3, v4  }
0x1a8: {  	v4 =	vperm.xlane v3, v0;
	_ =	sdelay $0x1  }
0x1a9: {  	v4 =	vadd.s32 v1, v4;
	_ =	sdelay $0x1  }
0x1aa: {  	v3 =	vperm.xlane v3, v2;
	_ =	sdelay $0x1  }
0x1ab: {  	v3 =	vadd.s32 v1, v3  }
0x1ac: {  	[tilespmem:s0], [sflag:$0x2] =	stream.indirect_vreg.gather [hbm4b:s1+s3], $0x80, v4, vm0, $0xb8;
	[tilespmem:$0x18400] =	vst v63  }
0x1ad: {  	s25 =	simm.s32 $0xCC00  }
0x1ae: {  	[tilespmem:s25], [sflag:$0x2] =	stream.indirect_vreg.gather [hbm4b:s5+s3], $0x80, v4, vm1, $0xb8;
	[tilespmem:$0x18400] =	vst v63  }
0x1af: {  	s2 =	simm.s32 $0xD000  }
0x1b0: {  	[tilespmem:s2], [sflag:$0x2] =	stream.indirect_vreg.gather [hbm4b:s1+s3], $0x80, v3, vm0, $0xb8;
	[tilespmem:$0x18400] =	vst v63  }
0x1b1: {  	s25 =	simm.s32 $0xD800  }
0x1b2: {  	[tilespmem:s25], [sflag:$0x2] =	stream.indirect_vreg.gather [hbm4b:s5+s3], $0x80, v3, vm1, $0xb8;
	[tilespmem:$0x18400] =	vst v63  }
0x1b3: {  	v3 =	vld [tilespmem:$0x190];
	_ =	sdelay $0x4  }
0x1b4: {  	v25 =	vshrl.u32 v3, $0x3  }
0x1b5: {  	v4 =	vmul.u32 $0x18, v25  }
0x1b6: {  	v3 =	vand.u32 $0x7, v3  }
0x1b7: {  	v3 =	vor.u32 v3, v4  }
0x1b8: {  	v4 =	vperm.xlane v3, v0;
	_ =	sdelay $0x1  }
0x1b9: {  	v4 =	vadd.s32 v1, v4;
	_ =	sdelay $0x1  }
0x1ba: {  	v3 =	vperm.xlane v3, v2;
	_ =	sdelay $0x1  }
0x1bb: {  	s2 =	simm.s32 $0xDC00;
	v3 =	vadd.s32 v1, v3  }
0x1bc: {  	[tilespmem:s2], [sflag:$0x2] =	stream.indirect_vreg.gather [hbm4b:s1+s3], $0x80, v4, vm0, $0xb8;
	[tilespmem:$0x18400] =	vst v63  }
0x1bd: {  	s25 =	simm.s32 $0xE400  }
0x1be: {  	[tilespmem:s25], [sflag:$0x2] =	stream.indirect_vreg.gather [hbm4b:s5+s3], $0x80, v4, vm1, $0xb8;
	[tilespmem:$0x18400] =	vst v63  }
0x1bf: {  	s2 =	simm.s32 $0xE800  }
0x1c0: {  	[tilespmem:s2], [sflag:$0x2] =	stream.indirect_vreg.gather [hbm4b:s1+s3], $0x80, v3, vm0, $0xb8;
	[tilespmem:$0x18400] =	vst v63  }
0x1c1: {  	s25 =	simm.s32 $0xF000  }
0x1c2: {  	[tilespmem:s25], [sflag:$0x2] =	stream.indirect_vreg.gather [hbm4b:s5+s3], $0x80, v3, vm1, $0xb8;
	[tilespmem:$0x18400] =	vst v63  }
0x1c3: {  	v3 =	vld [tilespmem:$0x1A0];
	_ =	sdelay $0x4  }
0x1c4: {  	v26 =	vshrl.u32 v3, $0x3  }
0x1c5: {  	v4 =	vmul.u32 $0x18, v26  }
0x1c6: {  	v3 =	vand.u32 $0x7, v3  }
0x1c7: {  	v3 =	vor.u32 v3, v4  }
0x1c8: {  	v4 =	vperm.xlane v3, v0;
	_ =	sdelay $0x1  }
0x1c9: {  	v4 =	vadd.s32 v1, v4;
	_ =	sdelay $0x1  }
0x1ca: {  	v3 =	vperm.xlane v3, v2;
	_ =	sdelay $0x1  }
0x1cb: {  	s2 =	simm.s32 $0xF400;
	v3 =	vadd.s32 v1, v3  }
0x1cc: {  	[tilespmem:s2], [sflag:$0x2] =	stream.indirect_vreg.gather [hbm4b:s1+s3], $0x80, v4, vm0, $0xb8;
	[tilespmem:$0x18400] =	vst v63  }
0x1cd: {  	s25 =	simm.s32 $0xFC00  }
0x1ce: {  	[tilespmem:s25], [sflag:$0x2] =	stream.indirect_vreg.gather [hbm4b:s5+s3], $0x80, v4, vm1, $0xb8;
	[tilespmem:$0x18400] =	vst v63  }
0x1cf: {  	s2 =	simm.s32 $0x10000  }
0x1d0: {  	[tilespmem:s2], [sflag:$0x2] =	stream.indirect_vreg.gather [hbm4b:s1+s3], $0x80, v3, vm0, $0xb8;
	[tilespmem:$0x18400] =	vst v63  }
0x1d1: {  	s25 =	simm.s32 $0x10800  }
0x1d2: {  	[tilespmem:s25], [sflag:$0x2] =	stream.indirect_vreg.gather [hbm4b:s5+s3], $0x80, v3, vm1, $0xb8;
	[tilespmem:$0x18400] =	vst v63  }
0x1d3: {  	v3 =	vld [tilespmem:$0x1B0];
	_ =	sdelay $0x4  }
0x1d4: {  	v27 =	vshrl.u32 v3, $0x3  }
0x1d5: {  	v4 =	vmul.u32 $0x18, v27  }
0x1d6: {  	v3 =	vand.u32 $0x7, v3  }
0x1d7: {  	v3 =	vor.u32 v3, v4  }
0x1d8: {  	v4 =	vperm.xlane v3, v0;
	_ =	sdelay $0x1  }
0x1d9: {  	v4 =	vadd.s32 v1, v4;
	_ =	sdelay $0x1  }
0x1da: {  	v3 =	vperm.xlane v3, v2;
	_ =	sdelay $0x1  }
0x1db: {  	s2 =	simm.s32 $0x10C00;
	v3 =	vadd.s32 v1, v3  }
0x1dc: {  	[tilespmem:s2], [sflag:$0x2] =	stream.indirect_vreg.gather [hbm4b:s1+s3], $0x80, v4, vm0, $0xb8;
	[tilespmem:$0x18400] =	vst v63  }
0x1dd: {  	s25 =	simm.s32 $0x11400  }
0x1de: {  	[tilespmem:s25], [sflag:$0x2] =	stream.indirect_vreg.gather [hbm4b:s5+s3], $0x80, v4, vm1, $0xb8;
	[tilespmem:$0x18400] =	vst v63  }
0x1df: {  	s2 =	simm.s32 $0x11800  }
0x1e0: {  	[tilespmem:s2], [sflag:$0x2] =	stream.indirect_vreg.gather [hbm4b:s1+s3], $0x80, v3, vm0, $0xb8;
	[tilespmem:$0x18400] =	vst v63  }
0x1e1: {  	s25 =	simm.s32 $0x12000  }
0x1e2: {  	[tilespmem:s25], [sflag:$0x2] =	stream.indirect_vreg.gather [hbm4b:s5+s3], $0x80, v3, vm1, $0xb8;
	[tilespmem:$0x18400] =	vst v63  }
0x1e3: {  	v3 =	vld [tilespmem:$0x1C0];
	_ =	sdelay $0x4  }
0x1e4: {  	v28 =	vshrl.u32 v3, $0x3  }
0x1e5: {  	v4 =	vmul.u32 $0x18, v28  }
0x1e6: {  	v3 =	vand.u32 $0x7, v3  }
0x1e7: {  	v3 =	vor.u32 v3, v4  }
0x1e8: {  	v4 =	vperm.xlane v3, v0;
	_ =	sdelay $0x1  }
0x1e9: {  	v4 =	vadd.s32 v1, v4;
	_ =	sdelay $0x1  }
0x1ea: {  	v3 =	vperm.xlane v3, v2;
	_ =	sdelay $0x1  }
0x1eb: {  	s2 =	simm.s32 $0x12400;
	v3 =	vadd.s32 v1, v3  }
0x1ec: {  	[tilespmem:s2], [sflag:$0x2] =	stream.indirect_vreg.gather [hbm4b:s1+s3], $0x80, v4, vm0, $0xb8;
	[tilespmem:$0x18400] =	vst v63  }
0x1ed: {  	s25 =	simm.s32 $0x12C00  }
0x1ee: {  	[tilespmem:s25], [sflag:$0x2] =	stream.indirect_vreg.gather [hbm4b:s5+s3], $0x80, v4, vm1, $0xb8;
	[tilespmem:$0x18400] =	vst v63  }
0x1ef: {  	s2 =	simm.s32 $0x13000  }
0x1f0: {  	[tilespmem:s2], [sflag:$0x2] =	stream.indirect_vreg.gather [hbm4b:s1+s3], $0x80, v3, vm0, $0xb8;
	[tilespmem:$0x18400] =	vst v63  }
0x1f1: {  	s25 =	simm.s32 $0x13800  }
0x1f2: {  	[tilespmem:s25], [sflag:$0x2] =	stream.indirect_vreg.gather [hbm4b:s5+s3], $0x80, v3, vm1, $0xb8;
	[tilespmem:$0x18400] =	vst v63  }
0x1f3: {  	v3 =	vld [tilespmem:$0x1D0];
	_ =	sdelay $0x4  }
0x1f4: {  	v29 =	vshrl.u32 v3, $0x3  }
0x1f5: {  	v4 =	vmul.u32 $0x18, v29  }
0x1f6: {  	v3 =	vand.u32 $0x7, v3  }
0x1f7: {  	v3 =	vor.u32 v3, v4  }
0x1f8: {  	v4 =	vperm.xlane v3, v0;
	_ =	sdelay $0x1  }
0x1f9: {  	v4 =	vadd.s32 v1, v4;
	_ =	sdelay $0x1  }
0x1fa: {  	v3 =	vperm.xlane v3, v2;
	_ =	sdelay $0x1  }
0x1fb: {  	s2 =	simm.s32 $0x13C00;
	v3 =	vadd.s32 v1, v3  }
0x1fc: {  	[tilespmem:s2], [sflag:$0x2] =	stream.indirect_vreg.gather [hbm4b:s1+s3], $0x80, v4, vm0, $0xb8;
	[tilespmem:$0x18400] =	vst v63  }
0x1fd: {  	s25 =	simm.s32 $0x14400  }
0x1fe: {  	[tilespmem:s25], [sflag:$0x2] =	stream.indirect_vreg.gather [hbm4b:s5+s3], $0x80, v4, vm1, $0xb8;
	[tilespmem:$0x18400] =	vst v63  }
0x1ff: {  	s2 =	simm.s32 $0x14800  }
0x200: {  	[tilespmem:s2], [sflag:$0x2] =	stream.indirect_vreg.gather [hbm4b:s1+s3], $0x80, v3, vm0, $0xb8;
	[tilespmem:$0x18400] =	vst v63  }
0x201: {  	s25 =	simm.s32 $0x15000  }
0x202: {  	[tilespmem:s25], [sflag:$0x2] =	stream.indirect_vreg.gather [hbm4b:s5+s3], $0x80, v3, vm1, $0xb8;
	[tilespmem:$0x18400] =	vst v63  }
0x203: {  	v3 =	vld [tilespmem:$0x1E0];
	_ =	sdelay $0x4  }
0x204: {  	v30 =	vshrl.u32 v3, $0x3  }
0x205: {  	v4 =	vmul.u32 $0x18, v30  }
0x206: {  	v3 =	vand.u32 $0x7, v3  }
0x207: {  	v3 =	vor.u32 v3, v4  }
0x208: {  	v4 =	vperm.xlane v3, v0;
	_ =	sdelay $0x1  }
0x209: {  	v4 =	vadd.s32 v1, v4;
	_ =	sdelay $0x1  }
0x20a: {  	v3 =	vperm.xlane v3, v2;
	_ =	sdelay $0x1  }
0x20b: {  	s2 =	simm.s32 $0x15400;
	v3 =	vadd.s32 v1, v3  }
0x20c: {  	[tilespmem:s2], [sflag:$0x2] =	stream.indirect_vreg.gather [hbm4b:s1+s3], $0x80, v4, vm0, $0xb8;
	[tilespmem:$0x18400] =	vst v63  }
0x20d: {  	s25 =	simm.s32 $0x15C00  }
0x20e: {  	[tilespmem:s25], [sflag:$0x2] =	stream.indirect_vreg.gather [hbm4b:s5+s3], $0x80, v4, vm1, $0xb8;
	[tilespmem:$0x18400] =	vst v63  }
0x20f: {  	s2 =	simm.s32 $0x16000  }
0x210: {  	[tilespmem:s2], [sflag:$0x2] =	stream.indirect_vreg.gather [hbm4b:s1+s3], $0x80, v3, vm0, $0xb8;
	[tilespmem:$0x18400] =	vst v63  }
0x211: {  	s25 =	simm.s32 $0x16800  }
0x212: {  	[tilespmem:s25], [sflag:$0x2] =	stream.indirect_vreg.gather [hbm4b:s5+s3], $0x80, v3, vm1, $0xb8;
	[tilespmem:$0x18400] =	vst v63  }
0x213: {  	v3 =	vld [tilespmem:$0x1F0];
	_ =	sdelay $0x4  }
0x214: {  	v31 =	vshrl.u32 v3, $0x3  }
0x215: {  	v4 =	vmul.u32 $0x18, v31  }
0x216: {  	v3 =	vand.u32 $0x7, v3  }
0x217: {  	v3 =	vor.u32 v3, v4  }
0x218: {  	v4 =	vperm.xlane v3, v0;
	_ =	sdelay $0x1  }
0x219: {  	v4 =	vadd.s32 v1, v4;
	_ =	sdelay $0x1  }
0x21a: {  	v3 =	vperm.xlane v3, v2;
	_ =	sdelay $0x1  }
0x21b: {  	s2 =	simm.s32 $0x16C00;
	v3 =	vadd.s32 v1, v3  }
0x21c: {  	[tilespmem:s2], [sflag:$0x2] =	stream.indirect_vreg.gather [hbm4b:s1+s3], $0x80, v4, vm0, $0xb8;
	[tilespmem:$0x18400] =	vst v63  }
0x21d: {  	s25 =	simm.s32 $0x17400  }
0x21e: {  	[tilespmem:s25], [sflag:$0x2] =	stream.indirect_vreg.gather [hbm4b:s5+s3], $0x80, v4, vm1, $0xb8;
	[tilespmem:$0x18400] =	vst v63  }
0x21f: {  	s2 =	simm.s32 $0x17800  }
0x220: {  	[tilespmem:s2], [sflag:$0x2] =	stream.indirect_vreg.gather [hbm4b:s1+s3], $0x80, v3, vm0, $0xb8;
	[tilespmem:$0x18400] =	vst v63  }
0x221: {  	s25 =	simm.s32 $0x18000  }
0x222: {  	[tilespmem:s25], [sflag:$0x2] =	stream.indirect_vreg.gather [hbm4b:s5+s3], $0x80, v3, vm1, $0xb8;
	[tilespmem:$0x18400] =	vst v63  }
0x223: {  	_ =	swait.ge [sflag:s21], $0xC000  }
0x224: {  	[sflag:s21] =	ssyncset.done $0x0  }
0x225: {  	s2 =	simm.s32 $0x400;
	s0 =	rddreg [dreg:$0x6];
	[sflag:s21] =	ssyncadd.s32 $0xFFFF4000  }
0x226: {  	[hbm4b:s0+s3] =	stream.linear.scatter [tilespmem:s2], [sflag:$0x3], $0xC000, $0x38;
	[tilespmem:$0x18400] =	vst v63  }
0x227: {  	_ =	swait.ge [sflag:s22], $0xC000  }
0x228: {  	[sflag:s22] =	ssyncset.done $0x0  }
0x229: {  	[sflag:s22] =	ssyncadd.s32 $0xFFFF4000  }
0x22a: {  	v3 =	vld [tilespmem:$0x200];
	_ =	sdelay $0x4  }
0x22b: {  	v32 =	vshrl.u32 v3, $0x3  }
0x22c: {  	v4 =	vmul.u32 $0x18, v32  }
0x22d: {  	v3 =	vand.u32 $0x7, v3  }
0x22e: {  	v3 =	vor.u32 v3, v4  }
0x22f: {  	v4 =	vperm.xlane v3, v0;
	_ =	sdelay $0x1  }
0x230: {  	v4 =	vadd.s32 v1, v4;
	_ =	sdelay $0x1  }
0x231: {  	v3 =	vperm.xlane v3, v2;
	_ =	sdelay $0x1  }
0x232: {  	v3 =	vadd.s32 v1, v3  }
0x233: {  	[tilespmem:s2], [sflag:$0x1] =	stream.indirect_vreg.gather [hbm4b:s1+s3], $0x80, v4, vm0, $0xb8;
	[tilespmem:$0x18400] =	vst v63  }
0x234: {  	_ = 	snop  }
0x235: {  	[tilespmem:s14], [sflag:$0x1] =	stream.indirect_vreg.gather [hbm4b:s5+s3], $0x80, v4, vm1, $0xb8;
	[tilespmem:$0x18400] =	vst v63  }
0x236: {  	_ = 	snop  }
0x237: {  	[tilespmem:s13], [sflag:$0x1] =	stream.indirect_vreg.gather [hbm4b:s1+s3], $0x80, v3, vm0, $0xb8;
	[tilespmem:$0x18400] =	vst v63  }
0x238: {  	s2 =	simm.s32 $0x1800  }
0x239: {  	[tilespmem:s2], [sflag:$0x1] =	stream.indirect_vreg.gather [hbm4b:s5+s3], $0x80, v3, vm1, $0xb8;
	[tilespmem:$0x18400] =	vst v63  }
0x23a: {  	v3 =	vld [tilespmem:$0x210];
	_ =	sdelay $0x4  }
0x23b: {  	v33 =	vshrl.u32 v3, $0x3  }
0x23c: {  	v4 =	vmul.u32 $0x18, v33  }
0x23d: {  	v3 =	vand.u32 $0x7, v3  }
0x23e: {  	v3 =	vor.u32 v3, v4  }
0x23f: {  	v4 =	vperm.xlane v3, v0;
	_ =	sdelay $0x1  }
0x240: {  	v4 =	vadd.s32 v1, v4;
	_ =	sdelay $0x1  }
0x241: {  	v3 =	vperm.xlane v3, v2;
	_ =	sdelay $0x1  }
0x242: {  	v3 =	vadd.s32 v1, v3  }
0x243: {  	[tilespmem:s15], [sflag:$0x1] =	stream.indirect_vreg.gather [hbm4b:s1+s3], $0x80, v4, vm0, $0xb8;
	[tilespmem:$0x18400] =	vst v63  }
0x244: {  	_ = 	snop  }
0x245: {  	[tilespmem:s16], [sflag:$0x1] =	stream.indirect_vreg.gather [hbm4b:s5+s3], $0x80, v4, vm1, $0xb8;
	[tilespmem:$0x18400] =	vst v63  }
0x246: {  	_ = 	snop  }
0x247: {  	[tilespmem:s17], [sflag:$0x1] =	stream.indirect_vreg.gather [hbm4b:s1+s3], $0x80, v3, vm0, $0xb8;
	[tilespmem:$0x18400] =	vst v63  }
0x248: {  	s17 =	simm.s32 $0x3000  }
0x249: {  	[tilespmem:s17], [sflag:$0x1] =	stream.indirect_vreg.gather [hbm4b:s5+s3], $0x80, v3, vm1, $0xb8;
	[tilespmem:$0x18400] =	vst v63  }
0x24a: {  	v3 =	vld [tilespmem:$0x220];
	_ =	sdelay $0x4  }
0x24b: {  	v34 =	vshrl.u32 v3, $0x3  }
0x24c: {  	v4 =	vmul.u32 $0x18, v34  }
0x24d: {  	v3 =	vand.u32 $0x7, v3  }
0x24e: {  	v3 =	vor.u32 v3, v4  }
0x24f: {  	v4 =	vperm.xlane v3, v0;
	_ =	sdelay $0x1  }
0x250: {  	v4 =	vadd.s32 v1, v4;
	_ =	sdelay $0x1  }
0x251: {  	v3 =	vperm.xlane v3, v2;
	_ =	sdelay $0x1  }
0x252: {  	v3 =	vadd.s32 v1, v3  }
0x253: {  	[tilespmem:s18], [sflag:$0x1] =	stream.indirect_vreg.gather [hbm4b:s1+s3], $0x80, v4, vm0, $0xb8;
	[tilespmem:$0x18400] =	vst v63  }
0x254: {  	_ = 	snop  }
0x255: {  	[tilespmem:s19], [sflag:$0x1] =	stream.indirect_vreg.gather [hbm4b:s5+s3], $0x80, v4, vm1, $0xb8;
	[tilespmem:$0x18400] =	vst v63  }
0x256: {  	_ = 	snop  }
0x257: {  	[tilespmem:s20], [sflag:$0x1] =	stream.indirect_vreg.gather [hbm4b:s1+s3], $0x80, v3, vm0, $0xb8;
	[tilespmem:$0x18400] =	vst v63  }
0x258: {  	s25 =	simm.s32 $0x4800  }
0x259: {  	[tilespmem:s25], [sflag:$0x1] =	stream.indirect_vreg.gather [hbm4b:s5+s3], $0x80, v3, vm1, $0xb8;
	[tilespmem:$0x18400] =	vst v63  }
0x25a: {  	v3 =	vld [tilespmem:$0x230];
	_ =	sdelay $0x4  }
0x25b: {  	v35 =	vshrl.u32 v3, $0x3  }
0x25c: {  	v4 =	vmul.u32 $0x18, v35  }
0x25d: {  	v3 =	vand.u32 $0x7, v3  }
0x25e: {  	v3 =	vor.u32 v3, v4  }
0x25f: {  	v4 =	vperm.xlane v3, v0;
	_ =	sdelay $0x1  }
0x260: {  	v4 =	vadd.s32 v1, v4;
	_ =	sdelay $0x1  }
0x261: {  	v3 =	vperm.xlane v3, v2;
	_ =	sdelay $0x1  }
0x262: {  	v3 =	vadd.s32 v1, v3  }
0x263: {  	[tilespmem:s26], [sflag:$0x1] =	stream.indirect_vreg.gather [hbm4b:s1+s3], $0x80, v4, vm0, $0xb8;
	[tilespmem:$0x18400] =	vst v63  }
0x264: {  	_ = 	snop  }
0x265: {  	[tilespmem:s28], [sflag:$0x1] =	stream.indirect_vreg.gather [hbm4b:s5+s3], $0x80, v4, vm1, $0xb8;
	[tilespmem:$0x18400] =	vst v63  }
0x266: {  	_ = 	snop  }
0x267: {  	[tilespmem:s29], [sflag:$0x1] =	stream.indirect_vreg.gather [hbm4b:s1+s3], $0x80, v3, vm0, $0xb8;
	[tilespmem:$0x18400] =	vst v63  }
0x268: {  	s29 =	simm.s32 $0x6000  }
0x269: {  	[tilespmem:s29], [sflag:$0x1] =	stream.indirect_vreg.gather [hbm4b:s5+s3], $0x80, v3, vm1, $0xb8;
	[tilespmem:$0x18400] =	vst v63  }
0x26a: {  	v3 =	vld [tilespmem:$0x240];
	_ =	sdelay $0x4  }
0x26b: {  	v36 =	vshrl.u32 v3, $0x3  }
0x26c: {  	v4 =	vmul.u32 $0x18, v36  }
0x26d: {  	v3 =	vand.u32 $0x7, v3  }
0x26e: {  	v3 =	vor.u32 v3, v4  }
0x26f: {  	v4 =	vperm.xlane v3, v0;
	_ =	sdelay $0x1  }
0x270: {  	v4 =	vadd.s32 v1, v4;
	_ =	sdelay $0x1  }
0x271: {  	v3 =	vperm.xlane v3, v2;
	_ =	sdelay $0x1  }
0x272: {  	v3 =	vadd.s32 v1, v3  }
0x273: {  	[tilespmem:s30], [sflag:$0x1] =	stream.indirect_vreg.gather [hbm4b:s1+s3], $0x80, v4, vm0, $0xb8;
	[tilespmem:$0x18400] =	vst v63  }
0x274: {  	_ = 	snop  }
0x275: {  	[tilespmem:s31], [sflag:$0x1] =	stream.indirect_vreg.gather [hbm4b:s5+s3], $0x80, v4, vm1, $0xb8;
	[tilespmem:$0x18400] =	vst v63  }
0x276: {  	_ = 	snop  }
0x277: {  	[tilespmem:s4], [sflag:$0x1] =	stream.indirect_vreg.gather [hbm4b:s1+s3], $0x80, v3, vm0, $0xb8;
	[tilespmem:$0x18400] =	vst v63  }
0x278: {  	s31 =	simm.s32 $0x7800  }
0x279: {  	[tilespmem:s31], [sflag:$0x1] =	stream.indirect_vreg.gather [hbm4b:s5+s3], $0x80, v3, vm1, $0xb8;
	[tilespmem:$0x18400] =	vst v63  }
0x27a: {  	v3 =	vld [tilespmem:$0x250];
	_ =	sdelay $0x4  }
0x27b: {  	v37 =	vshrl.u32 v3, $0x3  }
0x27c: {  	v4 =	vmul.u32 $0x18, v37  }
0x27d: {  	v3 =	vand.u32 $0x7, v3  }
0x27e: {  	v3 =	vor.u32 v3, v4  }
0x27f: {  	v4 =	vperm.xlane v3, v0;
	_ =	sdelay $0x1  }
0x280: {  	v4 =	vadd.s32 v1, v4;
	_ =	sdelay $0x1  }
0x281: {  	v3 =	vperm.xlane v3, v2;
	_ =	sdelay $0x1  }
0x282: {  	v3 =	vadd.s32 v1, v3  }
0x283: {  	[tilespmem:s7], [sflag:$0x1] =	stream.indirect_vreg.gather [hbm4b:s1+s3], $0x80, v4, vm0, $0xb8;
	[tilespmem:$0x18400] =	vst v63  }
0x284: {  	_ = 	snop  }
0x285: {  	[tilespmem:s8], [sflag:$0x1] =	stream.indirect_vreg.gather [hbm4b:s5+s3], $0x80, v4, vm1, $0xb8;
	[tilespmem:$0x18400] =	vst v63  }
0x286: {  	_ = 	snop  }
0x287: {  	[tilespmem:s9], [sflag:$0x1] =	stream.indirect_vreg.gather [hbm4b:s1+s3], $0x80, v3, vm0, $0xb8;
	[tilespmem:$0x18400] =	vst v63  }
0x288: {  	s4 =	simm.s32 $0x9000  }
0x289: {  	[tilespmem:s4], [sflag:$0x1] =	stream.indirect_vreg.gather [hbm4b:s5+s3], $0x80, v3, vm1, $0xb8;
	[tilespmem:$0x18400] =	vst v63  }
0x28a: {  	v3 =	vld [tilespmem:$0x260];
	_ =	sdelay $0x4  }
0x28b: {  	v38 =	vshrl.u32 v3, $0x3  }
0x28c: {  	v4 =	vmul.u32 $0x18, v38  }
0x28d: {  	v3 =	vand.u32 $0x7, v3  }
0x28e: {  	v3 =	vor.u32 v3, v4  }
0x28f: {  	v4 =	vperm.xlane v3, v0;
	_ =	sdelay $0x1  }
0x290: {  	v4 =	vadd.s32 v1, v4;
	_ =	sdelay $0x1  }
0x291: {  	v3 =	vperm.xlane v3, v2;
	_ =	sdelay $0x1  }
0x292: {  	v3 =	vadd.s32 v1, v3  }
0x293: {  	[tilespmem:s10], [sflag:$0x1] =	stream.indirect_vreg.gather [hbm4b:s1+s3], $0x80, v4, vm0, $0xb8;
	[tilespmem:$0x18400] =	vst v63  }
0x294: {  	_ = 	snop  }
0x295: {  	[tilespmem:s11], [sflag:$0x1] =	stream.indirect_vreg.gather [hbm4b:s5+s3], $0x80, v4, vm1, $0xb8;
	[tilespmem:$0x18400] =	vst v63  }
0x296: {  	_ = 	snop  }
0x297: {  	[tilespmem:s12], [sflag:$0x1] =	stream.indirect_vreg.gather [hbm4b:s1+s3], $0x80, v3, vm0, $0xb8;
	[tilespmem:$0x18400] =	vst v63  }
0x298: {  	s7 =	simm.s32 $0xA800  }
0x299: {  	[tilespmem:s7], [sflag:$0x1] =	stream.indirect_vreg.gather [hbm4b:s5+s3], $0x80, v3, vm1, $0xb8;
	[tilespmem:$0x18400] =	vst v63  }
0x29a: {  	v3 =	vld [tilespmem:$0x270];
	_ =	sdelay $0x4  }
0x29b: {  	v39 =	vshrl.u32 v3, $0x3  }
0x29c: {  	v4 =	vmul.u32 $0x18, v39  }
0x29d: {  	v3 =	vand.u32 $0x7, v3  }
0x29e: {  	v3 =	vor.u32 v3, v4  }
0x29f: {  	v4 =	vperm.xlane v3, v0;
	_ =	sdelay $0x1  }
0x2a0: {  	v4 =	vadd.s32 v1, v4;
	_ =	sdelay $0x1  }
0x2a1: {  	v3 =	vperm.xlane v3, v2;
	_ =	sdelay $0x1  }
0x2a2: {  	s31 =	simm.s32 $0xAC00;
	v3 =	vadd.s32 v1, v3  }
0x2a3: {  	[tilespmem:s31], [sflag:$0x1] =	stream.indirect_vreg.gather [hbm4b:s1+s3], $0x80, v4, vm0, $0xb8;
	[tilespmem:$0x18400] =	vst v63  }
0x2a4: {  	s0 =	simm.s32 $0xB400  }
0x2a5: {  	[tilespmem:s0], [sflag:$0x1] =	stream.indirect_vreg.gather [hbm4b:s5+s3], $0x80, v4, vm1, $0xb8;
	[tilespmem:$0x18400] =	vst v63  }
0x2a6: {  	s4 =	simm.s32 $0xB800  }
0x2a7: {  	[tilespmem:s4], [sflag:$0x1] =	stream.indirect_vreg.gather [hbm4b:s1+s3], $0x80, v3, vm0, $0xb8;
	[tilespmem:$0x18400] =	vst v63  }
0x2a8: {  	s7 =	simm.s32 $0xC000  }
0x2a9: {  	[tilespmem:s7], [sflag:$0x1] =	stream.indirect_vreg.gather [hbm4b:s5+s3], $0x80, v3, vm1, $0xb8;
	[tilespmem:$0x18400] =	vst v63  }
0x2aa: {  	_ =	swait.ge [sflag:s23], $0xC000  }
0x2ab: {  	[sflag:s23] =	ssyncset.done $0x0  }
0x2ac: {  	s4 =	simm.s32 $0xC400;
	s0 =	rddreg [dreg:$0x7];
	[sflag:s23] =	ssyncadd.s32 $0xFFFF4000  }
0x2ad: {  	[hbm4b:s0+s3] =	stream.linear.scatter [tilespmem:s4], [sflag:$0x4], $0xC000, $0x38;
	[tilespmem:$0x18400] =	vst v63  }
0x2ae: {  	_ =	swait.ge [sflag:s24], $0xC000  }
0x2af: {  	[sflag:s24] =	ssyncset.done $0x0  }
0x2b0: {  	[sflag:s24] =	ssyncadd.s32 $0xFFFF4000  }
0x2b1: {  	v3 =	vld [tilespmem:$0x280];
	_ =	sdelay $0x4  }
0x2b2: {  	v40 =	vshrl.u32 v3, $0x3  }
0x2b3: {  	v4 =	vmul.u32 $0x18, v40  }
0x2b4: {  	v3 =	vand.u32 $0x7, v3  }
0x2b5: {  	v3 =	vor.u32 v3, v4  }
0x2b6: {  	v4 =	vperm.xlane v3, v0;
	_ =	sdelay $0x1  }
0x2b7: {  	v4 =	vadd.s32 v1, v4;
	_ =	sdelay $0x1  }
0x2b8: {  	v3 =	vperm.xlane v3, v2;
	_ =	sdelay $0x1  }
0x2b9: {  	v3 =	vadd.s32 v1, v3  }
0x2ba: {  	[tilespmem:s4], [sflag:$0x2] =	stream.indirect_vreg.gather [hbm4b:s1+s3], $0x80, v4, vm0, $0xb8;
	[tilespmem:$0x18400] =	vst v63  }
0x2bb: {  	s0 =	simm.s32 $0xCC00  }
0x2bc: {  	[tilespmem:s0], [sflag:$0x2] =	stream.indirect_vreg.gather [hbm4b:s5+s3], $0x80, v4, vm1, $0xb8;
	[tilespmem:$0x18400] =	vst v63  }
0x2bd: {  	s7 =	simm.s32 $0xD000  }
0x2be: {  	[tilespmem:s7], [sflag:$0x2] =	stream.indirect_vreg.gather [hbm4b:s1+s3], $0x80, v3, vm0, $0xb8;
	[tilespmem:$0x18400] =	vst v63  }
0x2bf: {  	s7 =	simm.s32 $0xD800  }
0x2c0: {  	[tilespmem:s7], [sflag:$0x2] =	stream.indirect_vreg.gather [hbm4b:s5+s3], $0x80, v3, vm1, $0xb8;
	[tilespmem:$0x18400] =	vst v63  }
0x2c1: {  	v3 =	vld [tilespmem:$0x290];
	_ =	sdelay $0x4  }
0x2c2: {  	v41 =	vshrl.u32 v3, $0x3  }
0x2c3: {  	v4 =	vmul.u32 $0x18, v41  }
0x2c4: {  	v3 =	vand.u32 $0x7, v3  }
0x2c5: {  	v3 =	vor.u32 v3, v4  }
0x2c6: {  	v4 =	vperm.xlane v3, v0;
	_ =	sdelay $0x1  }
0x2c7: {  	v4 =	vadd.s32 v1, v4;
	_ =	sdelay $0x1  }
0x2c8: {  	v3 =	vperm.xlane v3, v2;
	_ =	sdelay $0x1  }
0x2c9: {  	s7 =	simm.s32 $0xDC00;
	v3 =	vadd.s32 v1, v3  }
0x2ca: {  	[tilespmem:s7], [sflag:$0x2] =	stream.indirect_vreg.gather [hbm4b:s1+s3], $0x80, v4, vm0, $0xb8;
	[tilespmem:$0x18400] =	vst v63  }
0x2cb: {  	s7 =	simm.s32 $0xE400  }
0x2cc: {  	[tilespmem:s7], [sflag:$0x2] =	stream.indirect_vreg.gather [hbm4b:s5+s3], $0x80, v4, vm1, $0xb8;
	[tilespmem:$0x18400] =	vst v63  }
0x2cd: {  	s7 =	simm.s32 $0xE800  }
0x2ce: {  	[tilespmem:s7], [sflag:$0x2] =	stream.indirect_vreg.gather [hbm4b:s1+s3], $0x80, v3, vm0, $0xb8;
	[tilespmem:$0x18400] =	vst v63  }
0x2cf: {  	s7 =	simm.s32 $0xF000  }
0x2d0: {  	[tilespmem:s7], [sflag:$0x2] =	stream.indirect_vreg.gather [hbm4b:s5+s3], $0x80, v3, vm1, $0xb8;
	[tilespmem:$0x18400] =	vst v63  }
0x2d1: {  	v3 =	vld [tilespmem:$0x2A0];
	_ =	sdelay $0x4  }
0x2d2: {  	v42 =	vshrl.u32 v3, $0x3  }
0x2d3: {  	v4 =	vmul.u32 $0x18, v42  }
0x2d4: {  	v3 =	vand.u32 $0x7, v3  }
0x2d5: {  	v3 =	vor.u32 v3, v4  }
0x2d6: {  	v4 =	vperm.xlane v3, v0;
	_ =	sdelay $0x1  }
0x2d7: {  	v4 =	vadd.s32 v1, v4;
	_ =	sdelay $0x1  }
0x2d8: {  	v3 =	vperm.xlane v3, v2;
	_ =	sdelay $0x1  }
0x2d9: {  	s7 =	simm.s32 $0xF400;
	v3 =	vadd.s32 v1, v3  }
0x2da: {  	[tilespmem:s7], [sflag:$0x2] =	stream.indirect_vreg.gather [hbm4b:s1+s3], $0x80, v4, vm0, $0xb8;
	[tilespmem:$0x18400] =	vst v63  }
0x2db: {  	s7 =	simm.s32 $0xFC00  }
0x2dc: {  	[tilespmem:s7], [sflag:$0x2] =	stream.indirect_vreg.gather [hbm4b:s5+s3], $0x80, v4, vm1, $0xb8;
	[tilespmem:$0x18400] =	vst v63  }
0x2dd: {  	s7 =	simm.s32 $0x10000  }
0x2de: {  	[tilespmem:s7], [sflag:$0x2] =	stream.indirect_vreg.gather [hbm4b:s1+s3], $0x80, v3, vm0, $0xb8;
	[tilespmem:$0x18400] =	vst v63  }
0x2df: {  	s7 =	simm.s32 $0x10800  }
0x2e0: {  	[tilespmem:s7], [sflag:$0x2] =	stream.indirect_vreg.gather [hbm4b:s5+s3], $0x80, v3, vm1, $0xb8;
	[tilespmem:$0x18400] =	vst v63  }
0x2e1: {  	v3 =	vld [tilespmem:$0x2B0];
	_ =	sdelay $0x4  }
0x2e2: {  	v43 =	vshrl.u32 v3, $0x3  }
0x2e3: {  	v4 =	vmul.u32 $0x18, v43  }
0x2e4: {  	v3 =	vand.u32 $0x7, v3  }
0x2e5: {  	v3 =	vor.u32 v3, v4  }
0x2e6: {  	v4 =	vperm.xlane v3, v0;
	_ =	sdelay $0x1  }
0x2e7: {  	v4 =	vadd.s32 v1, v4;
	_ =	sdelay $0x1  }
0x2e8: {  	v3 =	vperm.xlane v3, v2;
	_ =	sdelay $0x1  }
0x2e9: {  	s7 =	simm.s32 $0x10C00;
	v3 =	vadd.s32 v1, v3  }
0x2ea: {  	[tilespmem:s7], [sflag:$0x2] =	stream.indirect_vreg.gather [hbm4b:s1+s3], $0x80, v4, vm0, $0xb8;
	[tilespmem:$0x18400] =	vst v63  }
0x2eb: {  	s7 =	simm.s32 $0x11400  }
0x2ec: {  	[tilespmem:s7], [sflag:$0x2] =	stream.indirect_vreg.gather [hbm4b:s5+s3], $0x80, v4, vm1, $0xb8;
	[tilespmem:$0x18400] =	vst v63  }
0x2ed: {  	s7 =	simm.s32 $0x11800  }
0x2ee: {  	[tilespmem:s7], [sflag:$0x2] =	stream.indirect_vreg.gather [hbm4b:s1+s3], $0x80, v3, vm0, $0xb8;
	[tilespmem:$0x18400] =	vst v63  }
0x2ef: {  	s7 =	simm.s32 $0x12000  }
0x2f0: {  	[tilespmem:s7], [sflag:$0x2] =	stream.indirect_vreg.gather [hbm4b:s5+s3], $0x80, v3, vm1, $0xb8;
	[tilespmem:$0x18400] =	vst v63  }
0x2f1: {  	v3 =	vld [tilespmem:$0x2C0];
	_ =	sdelay $0x4  }
0x2f2: {  	v44 =	vshrl.u32 v3, $0x3  }
0x2f3: {  	v4 =	vmul.u32 $0x18, v44  }
0x2f4: {  	v3 =	vand.u32 $0x7, v3  }
0x2f5: {  	v3 =	vor.u32 v3, v4  }
0x2f6: {  	v4 =	vperm.xlane v3, v0;
	_ =	sdelay $0x1  }
0x2f7: {  	v4 =	vadd.s32 v1, v4;
	_ =	sdelay $0x1  }
0x2f8: {  	v3 =	vperm.xlane v3, v2;
	_ =	sdelay $0x1  }
0x2f9: {  	s7 =	simm.s32 $0x12400;
	v3 =	vadd.s32 v1, v3  }
0x2fa: {  	[tilespmem:s7], [sflag:$0x2] =	stream.indirect_vreg.gather [hbm4b:s1+s3], $0x80, v4, vm0, $0xb8;
	[tilespmem:$0x18400] =	vst v63  }
0x2fb: {  	s7 =	simm.s32 $0x12C00  }
0x2fc: {  	[tilespmem:s7], [sflag:$0x2] =	stream.indirect_vreg.gather [hbm4b:s5+s3], $0x80, v4, vm1, $0xb8;
	[tilespmem:$0x18400] =	vst v63  }
0x2fd: {  	s7 =	simm.s32 $0x13000  }
0x2fe: {  	[tilespmem:s7], [sflag:$0x2] =	stream.indirect_vreg.gather [hbm4b:s1+s3], $0x80, v3, vm0, $0xb8;
	[tilespmem:$0x18400] =	vst v63  }
0x2ff: {  	s7 =	simm.s32 $0x13800  }
0x300: {  	[tilespmem:s7], [sflag:$0x2] =	stream.indirect_vreg.gather [hbm4b:s5+s3], $0x80, v3, vm1, $0xb8;
	[tilespmem:$0x18400] =	vst v63  }
0x301: {  	v3 =	vld [tilespmem:$0x2D0];
	_ =	sdelay $0x4  }
0x302: {  	v45 =	vshrl.u32 v3, $0x3  }
0x303: {  	v4 =	vmul.u32 $0x18, v45  }
0x304: {  	v3 =	vand.u32 $0x7, v3  }
0x305: {  	v3 =	vor.u32 v3, v4  }
0x306: {  	v4 =	vperm.xlane v3, v0;
	_ =	sdelay $0x1  }
0x307: {  	v4 =	vadd.s32 v1, v4;
	_ =	sdelay $0x1  }
0x308: {  	v3 =	vperm.xlane v3, v2;
	_ =	sdelay $0x1  }
0x309: {  	s7 =	simm.s32 $0x13C00;
	v3 =	vadd.s32 v1, v3  }
0x30a: {  	[tilespmem:s7], [sflag:$0x2] =	stream.indirect_vreg.gather [hbm4b:s1+s3], $0x80, v4, vm0, $0xb8;
	[tilespmem:$0x18400] =	vst v63  }
0x30b: {  	s7 =	simm.s32 $0x14400  }
0x30c: {  	[tilespmem:s7], [sflag:$0x2] =	stream.indirect_vreg.gather [hbm4b:s5+s3], $0x80, v4, vm1, $0xb8;
	[tilespmem:$0x18400] =	vst v63  }
0x30d: {  	s7 =	simm.s32 $0x14800  }
0x30e: {  	[tilespmem:s7], [sflag:$0x2] =	stream.indirect_vreg.gather [hbm4b:s1+s3], $0x80, v3, vm0, $0xb8;
	[tilespmem:$0x18400] =	vst v63  }
0x30f: {  	s7 =	simm.s32 $0x15000  }
0x310: {  	[tilespmem:s7], [sflag:$0x2] =	stream.indirect_vreg.gather [hbm4b:s5+s3], $0x80, v3, vm1, $0xb8;
	[tilespmem:$0x18400] =	vst v63  }
0x311: {  	v3 =	vld [tilespmem:$0x2E0];
	_ =	sdelay $0x4  }
0x312: {  	v46 =	vshrl.u32 v3, $0x3  }
0x313: {  	v4 =	vmul.u32 $0x18, v46  }
0x314: {  	v3 =	vand.u32 $0x7, v3  }
0x315: {  	v3 =	vor.u32 v3, v4  }
0x316: {  	v4 =	vperm.xlane v3, v0;
	_ =	sdelay $0x1  }
0x317: {  	v4 =	vadd.s32 v1, v4;
	_ =	sdelay $0x1  }
0x318: {  	v3 =	vperm.xlane v3, v2;
	_ =	sdelay $0x1  }
0x319: {  	s7 =	simm.s32 $0x15400;
	v3 =	vadd.s32 v1, v3  }
0x31a: {  	[tilespmem:s7], [sflag:$0x2] =	stream.indirect_vreg.gather [hbm4b:s1+s3], $0x80, v4, vm0, $0xb8;
	[tilespmem:$0x18400] =	vst v63  }
0x31b: {  	s7 =	simm.s32 $0x15C00  }
0x31c: {  	[tilespmem:s7], [sflag:$0x2] =	stream.indirect_vreg.gather [hbm4b:s5+s3], $0x80, v4, vm1, $0xb8;
	[tilespmem:$0x18400] =	vst v63  }
0x31d: {  	s7 =	simm.s32 $0x16000  }
0x31e: {  	[tilespmem:s7], [sflag:$0x2] =	stream.indirect_vreg.gather [hbm4b:s1+s3], $0x80, v3, vm0, $0xb8;
	[tilespmem:$0x18400] =	vst v63  }
0x31f: {  	s7 =	simm.s32 $0x16800  }
0x320: {  	[tilespmem:s7], [sflag:$0x2] =	stream.indirect_vreg.gather [hbm4b:s5+s3], $0x80, v3, vm1, $0xb8;
	[tilespmem:$0x18400] =	vst v63  }
0x321: {  	v3 =	vld [tilespmem:$0x2F0];
	_ =	sdelay $0x4  }
0x322: {  	v47 =	vshrl.u32 v3, $0x3  }
0x323: {  	v4 =	vmul.u32 $0x18, v47  }
0x324: {  	v3 =	vand.u32 $0x7, v3  }
0x325: {  	v3 =	vor.u32 v3, v4  }
0x326: {  	v4 =	vperm.xlane v3, v0;
	_ =	sdelay $0x1  }
0x327: {  	v4 =	vadd.s32 v1, v4;
	_ =	sdelay $0x1  }
0x328: {  	v3 =	vperm.xlane v3, v2;
	_ =	sdelay $0x1  }
0x329: {  	s7 =	simm.s32 $0x16C00;
	v3 =	vadd.s32 v1, v3  }
0x32a: {  	[tilespmem:s7], [sflag:$0x2] =	stream.indirect_vreg.gather [hbm4b:s1+s3], $0x80, v4, vm0, $0xb8;
	[tilespmem:$0x18400] =	vst v63  }
0x32b: {  	s7 =	simm.s32 $0x17400  }
0x32c: {  	[tilespmem:s7], [sflag:$0x2] =	stream.indirect_vreg.gather [hbm4b:s5+s3], $0x80, v4, vm1, $0xb8;
	[tilespmem:$0x18400] =	vst v63  }
0x32d: {  	s7 =	simm.s32 $0x17800  }
0x32e: {  	[tilespmem:s7], [sflag:$0x2] =	stream.indirect_vreg.gather [hbm4b:s1+s3], $0x80, v3, vm0, $0xb8;
	[tilespmem:$0x18400] =	vst v63  }
0x32f: {  	s7 =	simm.s32 $0x18000  }
0x330: {  	[tilespmem:s7], [sflag:$0x2] =	stream.indirect_vreg.gather [hbm4b:s5+s3], $0x80, v3, vm1, $0xb8;
	[tilespmem:$0x18400] =	vst v63  }
0x331: {  	_ =	swait.ge [sflag:s21], $0xC000  }
0x332: {  	[sflag:s21] =	ssyncset.done $0x0  }
0x333: {  	s7 =	simm.s32 $0x400;
	s25 =	rddreg [dreg:$0x8];
	[sflag:s21] =	ssyncadd.s32 $0xFFFF4000  }
0x334: {  	[hbm4b:s25+s3] =	stream.linear.scatter [tilespmem:s7], [sflag:$0x3], $0xC000, $0x38;
	[tilespmem:$0x18400] =	vst v63  }
0x335: {  	_ =	swait.ge [sflag:s22], $0xC000  }
0x336: {  	[sflag:s22] =	ssyncset.done $0x0  }
0x337: {  	[sflag:s22] =	ssyncadd.s32 $0xFFFF4000  }
0x338: {  	v3 =	vld [tilespmem:$0x300];
	_ =	sdelay $0x4  }
0x339: {  	v48 =	vshrl.u32 v3, $0x3  }
0x33a: {  	v4 =	vmul.u32 $0x18, v48  }
0x33b: {  	v3 =	vand.u32 $0x7, v3  }
0x33c: {  	v3 =	vor.u32 v3, v4  }
0x33d: {  	v4 =	vperm.xlane v3, v0;
	_ =	sdelay $0x1  }
0x33e: {  	v4 =	vadd.s32 v1, v4;
	_ =	sdelay $0x1  }
0x33f: {  	v3 =	vperm.xlane v3, v2;
	_ =	sdelay $0x1  }
0x340: {  	v3 =	vadd.s32 v1, v3  }
0x341: {  	[tilespmem:s7], [sflag:$0x1] =	stream.indirect_vreg.gather [hbm4b:s1+s3], $0x80, v4, vm0, $0xb8;
	[tilespmem:$0x18400] =	vst v63  }
0x342: {  	s25 =	simm.s32 $0xC00  }
0x343: {  	[tilespmem:s25], [sflag:$0x1] =	stream.indirect_vreg.gather [hbm4b:s5+s3], $0x80, v4, vm1, $0xb8;
	[tilespmem:$0x18400] =	vst v63  }
0x344: {  	s13 =	simm.s32 $0x1000  }
0x345: {  	[tilespmem:s13], [sflag:$0x1] =	stream.indirect_vreg.gather [hbm4b:s1+s3], $0x80, v3, vm0, $0xb8;
	[tilespmem:$0x18400] =	vst v63  }
0x346: {  	_ = 	snop  }
0x347: {  	[tilespmem:s2], [sflag:$0x1] =	stream.indirect_vreg.gather [hbm4b:s5+s3], $0x80, v3, vm1, $0xb8;
	[tilespmem:$0x18400] =	vst v63  }
0x348: {  	v3 =	vld [tilespmem:$0x310];
	_ =	sdelay $0x4  }
0x349: {  	v49 =	vshrl.u32 v3, $0x3  }
0x34a: {  	v4 =	vmul.u32 $0x18, v49  }
0x34b: {  	v3 =	vand.u32 $0x7, v3  }
0x34c: {  	v3 =	vor.u32 v3, v4  }
0x34d: {  	v4 =	vperm.xlane v3, v0;
	_ =	sdelay $0x1  }
0x34e: {  	v4 =	vadd.s32 v1, v4;
	_ =	sdelay $0x1  }
0x34f: {  	v3 =	vperm.xlane v3, v2;
	_ =	sdelay $0x1  }
0x350: {  	s14 =	simm.s32 $0x1C00;
	v3 =	vadd.s32 v1, v3  }
0x351: {  	[tilespmem:s14], [sflag:$0x1] =	stream.indirect_vreg.gather [hbm4b:s1+s3], $0x80, v4, vm0, $0xb8;
	[tilespmem:$0x18400] =	vst v63  }
0x352: {  	s15 =	simm.s32 $0x2400  }
0x353: {  	[tilespmem:s15], [sflag:$0x1] =	stream.indirect_vreg.gather [hbm4b:s5+s3], $0x80, v4, vm1, $0xb8;
	[tilespmem:$0x18400] =	vst v63  }
0x354: {  	s16 =	simm.s32 $0x2800  }
0x355: {  	[tilespmem:s16], [sflag:$0x1] =	stream.indirect_vreg.gather [hbm4b:s1+s3], $0x80, v3, vm0, $0xb8;
	[tilespmem:$0x18400] =	vst v63  }
0x356: {  	s16 =	simm.s32 $0x3000  }
0x357: {  	[tilespmem:s16], [sflag:$0x1] =	stream.indirect_vreg.gather [hbm4b:s5+s3], $0x80, v3, vm1, $0xb8;
	[tilespmem:$0x18400] =	vst v63  }
0x358: {  	v3 =	vld [tilespmem:$0x320];
	_ =	sdelay $0x4  }
0x359: {  	v50 =	vshrl.u32 v3, $0x3  }
0x35a: {  	v4 =	vmul.u32 $0x18, v50  }
0x35b: {  	v3 =	vand.u32 $0x7, v3  }
0x35c: {  	v3 =	vor.u32 v3, v4  }
0x35d: {  	v4 =	vperm.xlane v3, v0;
	_ =	sdelay $0x1  }
0x35e: {  	v4 =	vadd.s32 v1, v4;
	_ =	sdelay $0x1  }
0x35f: {  	v3 =	vperm.xlane v3, v2;
	_ =	sdelay $0x1  }
0x360: {  	s17 =	simm.s32 $0x3400;
	v3 =	vadd.s32 v1, v3  }
0x361: {  	[tilespmem:s17], [sflag:$0x1] =	stream.indirect_vreg.gather [hbm4b:s1+s3], $0x80, v4, vm0, $0xb8;
	[tilespmem:$0x18400] =	vst v63  }
0x362: {  	s18 =	simm.s32 $0x3C00  }
0x363: {  	[tilespmem:s18], [sflag:$0x1] =	stream.indirect_vreg.gather [hbm4b:s5+s3], $0x80, v4, vm1, $0xb8;
	[tilespmem:$0x18400] =	vst v63  }
0x364: {  	s19 =	simm.s32 $0x4000  }
0x365: {  	[tilespmem:s19], [sflag:$0x1] =	stream.indirect_vreg.gather [hbm4b:s1+s3], $0x80, v3, vm0, $0xb8;
	[tilespmem:$0x18400] =	vst v63  }
0x366: {  	s25 =	simm.s32 $0x4800  }
0x367: {  	[tilespmem:s25], [sflag:$0x1] =	stream.indirect_vreg.gather [hbm4b:s5+s3], $0x80, v3, vm1, $0xb8;
	[tilespmem:$0x18400] =	vst v63  }
0x368: {  	v3 =	vld [tilespmem:$0x330];
	_ =	sdelay $0x4  }
0x369: {  	v51 =	vshrl.u32 v3, $0x3  }
0x36a: {  	v4 =	vmul.u32 $0x18, v51  }
0x36b: {  	v3 =	vand.u32 $0x7, v3  }
0x36c: {  	v3 =	vor.u32 v3, v4  }
0x36d: {  	v4 =	vperm.xlane v3, v0;
	_ =	sdelay $0x1  }
0x36e: {  	v4 =	vadd.s32 v1, v4;
	_ =	sdelay $0x1  }
0x36f: {  	v3 =	vperm.xlane v3, v2;
	_ =	sdelay $0x1  }
0x370: {  	s20 =	simm.s32 $0x4C00;
	v3 =	vadd.s32 v1, v3  }
0x371: {  	[tilespmem:s20], [sflag:$0x1] =	stream.indirect_vreg.gather [hbm4b:s1+s3], $0x80, v4, vm0, $0xb8;
	[tilespmem:$0x18400] =	vst v63  }
0x372: {  	s26 =	simm.s32 $0x5400  }
0x373: {  	[tilespmem:s26], [sflag:$0x1] =	stream.indirect_vreg.gather [hbm4b:s5+s3], $0x80, v4, vm1, $0xb8;
	[tilespmem:$0x18400] =	vst v63  }
0x374: {  	s28 =	simm.s32 $0x5800  }
0x375: {  	[tilespmem:s28], [sflag:$0x1] =	stream.indirect_vreg.gather [hbm4b:s1+s3], $0x80, v3, vm0, $0xb8;
	[tilespmem:$0x18400] =	vst v63  }
0x376: {  	s26 =	simm.s32 $0x6000  }
0x377: {  	[tilespmem:s26], [sflag:$0x1] =	stream.indirect_vreg.gather [hbm4b:s5+s3], $0x80, v3, vm1, $0xb8;
	[tilespmem:$0x18400] =	vst v63  }
0x378: {  	v3 =	vld [tilespmem:$0x340];
	_ =	sdelay $0x4  }
0x379: {  	v52 =	vshrl.u32 v3, $0x3  }
0x37a: {  	v4 =	vmul.u32 $0x18, v52  }
0x37b: {  	v3 =	vand.u32 $0x7, v3  }
0x37c: {  	v3 =	vor.u32 v3, v4  }
0x37d: {  	v4 =	vperm.xlane v3, v0;
	_ =	sdelay $0x1  }
0x37e: {  	v4 =	vadd.s32 v1, v4;
	_ =	sdelay $0x1  }
0x37f: {  	v3 =	vperm.xlane v3, v2;
	_ =	sdelay $0x1  }
0x380: {  	s29 =	simm.s32 $0x6400;
	v3 =	vadd.s32 v1, v3  }
0x381: {  	[tilespmem:s29], [sflag:$0x1] =	stream.indirect_vreg.gather [hbm4b:s1+s3], $0x80, v4, vm0, $0xb8;
	[tilespmem:$0x18400] =	vst v63  }
0x382: {  	s30 =	simm.s32 $0x6C00  }
0x383: {  	[tilespmem:s30], [sflag:$0x1] =	stream.indirect_vreg.gather [hbm4b:s5+s3], $0x80, v4, vm1, $0xb8;
	[tilespmem:$0x18400] =	vst v63  }
0x384: {  	s28 =	simm.s32 $0x7000  }
0x385: {  	[tilespmem:s28], [sflag:$0x1] =	stream.indirect_vreg.gather [hbm4b:s1+s3], $0x80, v3, vm0, $0xb8;
	[tilespmem:$0x18400] =	vst v63  }
0x386: {  	s29 =	simm.s32 $0x7800  }
0x387: {  	[tilespmem:s29], [sflag:$0x1] =	stream.indirect_vreg.gather [hbm4b:s5+s3], $0x80, v3, vm1, $0xb8;
	[tilespmem:$0x18400] =	vst v63  }
0x388: {  	v3 =	vld [tilespmem:$0x350];
	_ =	sdelay $0x4  }
0x389: {  	v53 =	vshrl.u32 v3, $0x3  }
0x38a: {  	v4 =	vmul.u32 $0x18, v53  }
0x38b: {  	v3 =	vand.u32 $0x7, v3  }
0x38c: {  	v3 =	vor.u32 v3, v4  }
0x38d: {  	v4 =	vperm.xlane v3, v0;
	_ =	sdelay $0x1  }
0x38e: {  	v4 =	vadd.s32 v1, v4;
	_ =	sdelay $0x1  }
0x38f: {  	v3 =	vperm.xlane v3, v2;
	_ =	sdelay $0x1  }
0x390: {  	s30 =	simm.s32 $0x7C00;
	v3 =	vadd.s32 v1, v3  }
0x391: {  	[tilespmem:s30], [sflag:$0x1] =	stream.indirect_vreg.gather [hbm4b:s1+s3], $0x80, v4, vm0, $0xb8;
	[tilespmem:$0x18400] =	vst v63  }
0x392: {  	s8 =	simm.s32 $0x8400  }
0x393: {  	[tilespmem:s8], [sflag:$0x1] =	stream.indirect_vreg.gather [hbm4b:s5+s3], $0x80, v4, vm1, $0xb8;
	[tilespmem:$0x18400] =	vst v63  }
0x394: {  	s9 =	simm.s32 $0x8800  }
0x395: {  	[tilespmem:s9], [sflag:$0x1] =	stream.indirect_vreg.gather [hbm4b:s1+s3], $0x80, v3, vm0, $0xb8;
	[tilespmem:$0x18400] =	vst v63  }
0x396: {  	s9 =	simm.s32 $0x9000  }
0x397: {  	[tilespmem:s9], [sflag:$0x1] =	stream.indirect_vreg.gather [hbm4b:s5+s3], $0x80, v3, vm1, $0xb8;
	[tilespmem:$0x18400] =	vst v63  }
0x398: {  	v3 =	vld [tilespmem:$0x360];
	_ =	sdelay $0x4  }
0x399: {  	v54 =	vshrl.u32 v3, $0x3  }
0x39a: {  	v4 =	vmul.u32 $0x18, v54  }
0x39b: {  	v3 =	vand.u32 $0x7, v3  }
0x39c: {  	v3 =	vor.u32 v3, v4  }
0x39d: {  	v4 =	vperm.xlane v3, v0;
	_ =	sdelay $0x1  }
0x39e: {  	v4 =	vadd.s32 v1, v4;
	_ =	sdelay $0x1  }
0x39f: {  	v3 =	vperm.xlane v3, v2;
	_ =	sdelay $0x1  }
0x3a0: {  	s10 =	simm.s32 $0x9400;
	v3 =	vadd.s32 v1, v3  }
0x3a1: {  	[tilespmem:s10], [sflag:$0x1] =	stream.indirect_vreg.gather [hbm4b:s1+s3], $0x80, v4, vm0, $0xb8;
	[tilespmem:$0x18400] =	vst v63  }
0x3a2: {  	s11 =	simm.s32 $0x9C00  }
0x3a3: {  	[tilespmem:s11], [sflag:$0x1] =	stream.indirect_vreg.gather [hbm4b:s5+s3], $0x80, v4, vm1, $0xb8;
	[tilespmem:$0x18400] =	vst v63  }
0x3a4: {  	s12 =	simm.s32 $0xA000  }
0x3a5: {  	[tilespmem:s12], [sflag:$0x1] =	stream.indirect_vreg.gather [hbm4b:s1+s3], $0x80, v3, vm0, $0xb8;
	[tilespmem:$0x18400] =	vst v63  }
0x3a6: {  	s10 =	simm.s32 $0xA800  }
0x3a7: {  	[tilespmem:s10], [sflag:$0x1] =	stream.indirect_vreg.gather [hbm4b:s5+s3], $0x80, v3, vm1, $0xb8;
	[tilespmem:$0x18400] =	vst v63  }
0x3a8: {  	v3 =	vld [tilespmem:$0x370];
	_ =	sdelay $0x4  }
0x3a9: {  	v55 =	vshrl.u32 v3, $0x3  }
0x3aa: {  	v4 =	vmul.u32 $0x18, v55  }
0x3ab: {  	v3 =	vand.u32 $0x7, v3  }
0x3ac: {  	v3 =	vor.u32 v3, v4  }
0x3ad: {  	v4 =	vperm.xlane v3, v0;
	_ =	sdelay $0x1  }
0x3ae: {  	v4 =	vadd.s32 v1, v4;
	_ =	sdelay $0x1  }
0x3af: {  	v3 =	vperm.xlane v3, v2;
	_ =	sdelay $0x1  }
0x3b0: {  	s11 =	simm.s32 $0xAC00;
	v3 =	vadd.s32 v1, v3  }
0x3b1: {  	[tilespmem:s11], [sflag:$0x1] =	stream.indirect_vreg.gather [hbm4b:s1+s3], $0x80, v4, vm0, $0xb8;
	[tilespmem:$0x18400] =	vst v63  }
0x3b2: {  	s31 =	simm.s32 $0xB400  }
0x3b3: {  	[tilespmem:s31], [sflag:$0x1] =	stream.indirect_vreg.gather [hbm4b:s5+s3], $0x80, v4, vm1, $0xb8;
	[tilespmem:$0x18400] =	vst v63  }
0x3b4: {  	s12 =	simm.s32 $0xB800  }
0x3b5: {  	[tilespmem:s12], [sflag:$0x1] =	stream.indirect_vreg.gather [hbm4b:s1+s3], $0x80, v3, vm0, $0xb8;
	[tilespmem:$0x18400] =	vst v63  }
0x3b6: {  	s13 =	simm.s32 $0xC000  }
0x3b7: {  	[tilespmem:s13], [sflag:$0x1] =	stream.indirect_vreg.gather [hbm4b:s5+s3], $0x80, v3, vm1, $0xb8;
	[tilespmem:$0x18400] =	vst v63  }
0x3b8: {  	_ =	swait.ge [sflag:s23], $0xC000  }
0x3b9: {  	[sflag:s23] =	ssyncset.done $0x0  }
0x3ba: {  	s4 =	simm.s32 $0xC400;
	s14 =	rddreg [dreg:$0x9];
	[sflag:s23] =	ssyncadd.s32 $0xFFFF4000  }
0x3bb: {  	[hbm4b:s14+s3] =	stream.linear.scatter [tilespmem:s4], [sflag:$0x4], $0xC000, $0x38;
	[tilespmem:$0x18400] =	vst v63  }
0x3bc: {  	_ =	swait.ge [sflag:s24], $0xC000  }
0x3bd: {  	[sflag:s24] =	ssyncset.done $0x0  }
0x3be: {  	[sflag:s24] =	ssyncadd.s32 $0xFFFF4000  }
0x3bf: {  	v3 =	vld [tilespmem:$0x380];
	_ =	sdelay $0x4  }
0x3c0: {  	v56 =	vshrl.u32 v3, $0x3  }
0x3c1: {  	v4 =	vmul.u32 $0x18, v56  }
0x3c2: {  	v3 =	vand.u32 $0x7, v3  }
0x3c3: {  	v3 =	vor.u32 v3, v4  }
0x3c4: {  	v4 =	vperm.xlane v3, v0;
	_ =	sdelay $0x1  }
0x3c5: {  	v4 =	vadd.s32 v1, v4;
	_ =	sdelay $0x1  }
0x3c6: {  	v3 =	vperm.xlane v3, v2;
	_ =	sdelay $0x1  }
0x3c7: {  	v3 =	vadd.s32 v1, v3  }
0x3c8: {  	[tilespmem:s4], [sflag:$0x2] =	stream.indirect_vreg.gather [hbm4b:s1+s3], $0x80, v4, vm0, $0xb8;
	[tilespmem:$0x18400] =	vst v63  }
0x3c9: {  	_ = 	snop  }
0x3ca: {  	[tilespmem:s0], [sflag:$0x2] =	stream.indirect_vreg.gather [hbm4b:s5+s3], $0x80, v4, vm1, $0xb8;
	[tilespmem:$0x18400] =	vst v63  }
0x3cb: {  	s15 =	simm.s32 $0xD000  }
0x3cc: {  	[tilespmem:s15], [sflag:$0x2] =	stream.indirect_vreg.gather [hbm4b:s1+s3], $0x80, v3, vm0, $0xb8;
	[tilespmem:$0x18400] =	vst v63  }
0x3cd: {  	s16 =	simm.s32 $0xD800  }
0x3ce: {  	[tilespmem:s16], [sflag:$0x2] =	stream.indirect_vreg.gather [hbm4b:s5+s3], $0x80, v3, vm1, $0xb8;
	[tilespmem:$0x18400] =	vst v63  }
0x3cf: {  	v3 =	vld [tilespmem:$0x390];
	_ =	sdelay $0x4  }
0x3d0: {  	v57 =	vshrl.u32 v3, $0x3  }
0x3d1: {  	v4 =	vmul.u32 $0x18, v57  }
0x3d2: {  	v3 =	vand.u32 $0x7, v3  }
0x3d3: {  	v3 =	vor.u32 v3, v4  }
0x3d4: {  	v4 =	vperm.xlane v3, v0;
	_ =	sdelay $0x1  }
0x3d5: {  	v4 =	vadd.s32 v1, v4;
	_ =	sdelay $0x1  }
0x3d6: {  	v3 =	vperm.xlane v3, v2;
	_ =	sdelay $0x1  }
0x3d7: {  	s17 =	simm.s32 $0xDC00;
	v3 =	vadd.s32 v1, v3  }
0x3d8: {  	[tilespmem:s17], [sflag:$0x2] =	stream.indirect_vreg.gather [hbm4b:s1+s3], $0x80, v4, vm0, $0xb8;
	[tilespmem:$0x18400] =	vst v63  }
0x3d9: {  	s18 =	simm.s32 $0xE400  }
0x3da: {  	[tilespmem:s18], [sflag:$0x2] =	stream.indirect_vreg.gather [hbm4b:s5+s3], $0x80, v4, vm1, $0xb8;
	[tilespmem:$0x18400] =	vst v63  }
0x3db: {  	s19 =	simm.s32 $0xE800  }
0x3dc: {  	[tilespmem:s19], [sflag:$0x2] =	stream.indirect_vreg.gather [hbm4b:s1+s3], $0x80, v3, vm0, $0xb8;
	[tilespmem:$0x18400] =	vst v63  }
0x3dd: {  	s20 =	simm.s32 $0xF000  }
0x3de: {  	[tilespmem:s20], [sflag:$0x2] =	stream.indirect_vreg.gather [hbm4b:s5+s3], $0x80, v3, vm1, $0xb8;
	[tilespmem:$0x18400] =	vst v63  }
0x3df: {  	v3 =	vld [tilespmem:$0x3A0];
	_ =	sdelay $0x4  }
0x3e0: {  	v58 =	vshrl.u32 v3, $0x3  }
0x3e1: {  	v4 =	vmul.u32 $0x18, v58  }
0x3e2: {  	v3 =	vand.u32 $0x7, v3  }
0x3e3: {  	v3 =	vor.u32 v3, v4  }
0x3e4: {  	v4 =	vperm.xlane v3, v0;
	_ =	sdelay $0x1  }
0x3e5: {  	v4 =	vadd.s32 v1, v4;
	_ =	sdelay $0x1  }
0x3e6: {  	v3 =	vperm.xlane v3, v2;
	_ =	sdelay $0x1  }
0x3e7: {  	s25 =	simm.s32 $0xF400;
	v3 =	vadd.s32 v1, v3  }
0x3e8: {  	[tilespmem:s25], [sflag:$0x2] =	stream.indirect_vreg.gather [hbm4b:s1+s3], $0x80, v4, vm0, $0xb8;
	[tilespmem:$0x18400] =	vst v63  }
0x3e9: {  	s26 =	simm.s32 $0xFC00  }
0x3ea: {  	[tilespmem:s26], [sflag:$0x2] =	stream.indirect_vreg.gather [hbm4b:s5+s3], $0x80, v4, vm1, $0xb8;
	[tilespmem:$0x18400] =	vst v63  }
0x3eb: {  	s28 =	simm.s32 $0x10000  }
0x3ec: {  	[tilespmem:s28], [sflag:$0x2] =	stream.indirect_vreg.gather [hbm4b:s1+s3], $0x80, v3, vm0, $0xb8;
	[tilespmem:$0x18400] =	vst v63  }
0x3ed: {  	s29 =	simm.s32 $0x10800  }
0x3ee: {  	[tilespmem:s29], [sflag:$0x2] =	stream.indirect_vreg.gather [hbm4b:s5+s3], $0x80, v3, vm1, $0xb8;
	[tilespmem:$0x18400] =	vst v63  }
0x3ef: {  	v3 =	vld [tilespmem:$0x3B0];
	_ =	sdelay $0x4  }
0x3f0: {  	v59 =	vshrl.u32 v3, $0x3  }
0x3f1: {  	v4 =	vmul.u32 $0x18, v59  }
0x3f2: {  	v3 =	vand.u32 $0x7, v3  }
0x3f3: {  	v3 =	vor.u32 v3, v4  }
0x3f4: {  	v4 =	vperm.xlane v3, v0;
	_ =	sdelay $0x1  }
0x3f5: {  	v4 =	vadd.s32 v1, v4;
	_ =	sdelay $0x1  }
0x3f6: {  	v3 =	vperm.xlane v3, v2;
	_ =	sdelay $0x1  }
0x3f7: {  	s30 =	simm.s32 $0x10C00;
	v3 =	vadd.s32 v1, v3  }
0x3f8: {  	[tilespmem:s30], [sflag:$0x2] =	stream.indirect_vreg.gather [hbm4b:s1+s3], $0x80, v4, vm0, $0xb8;
	[tilespmem:$0x18400] =	vst v63  }
0x3f9: {  	s31 =	simm.s32 $0x11400  }
0x3fa: {  	[tilespmem:s31], [sflag:$0x2] =	stream.indirect_vreg.gather [hbm4b:s5+s3], $0x80, v4, vm1, $0xb8;
	[tilespmem:$0x18400] =	vst v63  }
0x3fb: {  	s2 =	simm.s32 $0x11800  }
0x3fc: {  	[tilespmem:s2], [sflag:$0x2] =	stream.indirect_vreg.gather [hbm4b:s1+s3], $0x80, v3, vm0, $0xb8;
	[tilespmem:$0x18400] =	vst v63  }
0x3fd: {  	s8 =	simm.s32 $0x12000  }
0x3fe: {  	[tilespmem:s8], [sflag:$0x2] =	stream.indirect_vreg.gather [hbm4b:s5+s3], $0x80, v3, vm1, $0xb8;
	[tilespmem:$0x18400] =	vst v63  }
0x3ff: {  	v3 =	vld [tilespmem:$0x3C0];
	_ =	sdelay $0x4  }
0x400: {  	v60 =	vshrl.u32 v3, $0x3  }
0x401: {  	v4 =	vmul.u32 $0x18, v60  }
0x402: {  	v3 =	vand.u32 $0x7, v3  }
0x403: {  	v3 =	vor.u32 v3, v4  }
0x404: {  	v4 =	vperm.xlane v3, v0;
	_ =	sdelay $0x1  }
0x405: {  	v4 =	vadd.s32 v1, v4;
	_ =	sdelay $0x1  }
0x406: {  	v3 =	vperm.xlane v3, v2;
	_ =	sdelay $0x1  }
0x407: {  	s9 =	simm.s32 $0x12400;
	v3 =	vadd.s32 v1, v3  }
0x408: {  	[tilespmem:s9], [sflag:$0x2] =	stream.indirect_vreg.gather [hbm4b:s1+s3], $0x80, v4, vm0, $0xb8;
	[tilespmem:$0x18400] =	vst v63  }
0x409: {  	s10 =	simm.s32 $0x12C00  }
0x40a: {  	[tilespmem:s10], [sflag:$0x2] =	stream.indirect_vreg.gather [hbm4b:s5+s3], $0x80, v4, vm1, $0xb8;
	[tilespmem:$0x18400] =	vst v63  }
0x40b: {  	s11 =	simm.s32 $0x13000  }
0x40c: {  	[tilespmem:s11], [sflag:$0x2] =	stream.indirect_vreg.gather [hbm4b:s1+s3], $0x80, v3, vm0, $0xb8;
	[tilespmem:$0x18400] =	vst v63  }
0x40d: {  	s12 =	simm.s32 $0x13800  }
0x40e: {  	[tilespmem:s12], [sflag:$0x2] =	stream.indirect_vreg.gather [hbm4b:s5+s3], $0x80, v3, vm1, $0xb8;
	[tilespmem:$0x18400] =	vst v63  }
0x40f: {  	v3 =	vld [tilespmem:$0x3D0];
	_ =	sdelay $0x4  }
0x410: {  	v61 =	vshrl.u32 v3, $0x3  }
0x411: {  	v4 =	vmul.u32 $0x18, v61  }
0x412: {  	v3 =	vand.u32 $0x7, v3  }
0x413: {  	v3 =	vor.u32 v3, v4  }
0x414: {  	v4 =	vperm.xlane v3, v0;
	_ =	sdelay $0x1  }
0x415: {  	v4 =	vadd.s32 v1, v4;
	_ =	sdelay $0x1  }
0x416: {  	v3 =	vperm.xlane v3, v2;
	_ =	sdelay $0x1  }
0x417: {  	s13 =	simm.s32 $0x13C00;
	v3 =	vadd.s32 v1, v3  }
0x418: {  	[tilespmem:s13], [sflag:$0x2] =	stream.indirect_vreg.gather [hbm4b:s1+s3], $0x80, v4, vm0, $0xb8;
	[tilespmem:$0x18400] =	vst v63  }
0x419: {  	s14 =	simm.s32 $0x14400  }
0x41a: {  	[tilespmem:s14], [sflag:$0x2] =	stream.indirect_vreg.gather [hbm4b:s5+s3], $0x80, v4, vm1, $0xb8;
	[tilespmem:$0x18400] =	vst v63  }
0x41b: {  	s15 =	simm.s32 $0x14800  }
0x41c: {  	[tilespmem:s15], [sflag:$0x2] =	stream.indirect_vreg.gather [hbm4b:s1+s3], $0x80, v3, vm0, $0xb8;
	[tilespmem:$0x18400] =	vst v63  }
0x41d: {  	s16 =	simm.s32 $0x15000  }
0x41e: {  	[tilespmem:s16], [sflag:$0x2] =	stream.indirect_vreg.gather [hbm4b:s5+s3], $0x80, v3, vm1, $0xb8;
	[tilespmem:$0x18400] =	vst v63  }
0x41f: {  	v3 =	vld [tilespmem:$0x3E0];
	_ =	sdelay $0x4  }
0x420: {  	v62 =	vshrl.u32 v3, $0x3  }
0x421: {  	v4 =	vmul.u32 $0x18, v62  }
0x422: {  	v3 =	vand.u32 $0x7, v3  }
0x423: {  	v3 =	vor.u32 v3, v4  }
0x424: {  	v4 =	vperm.xlane v3, v0;
	_ =	sdelay $0x1  }
0x425: {  	v4 =	vadd.s32 v1, v4;
	_ =	sdelay $0x1  }
0x426: {  	v3 =	vperm.xlane v3, v2;
	_ =	sdelay $0x1  }
0x427: {  	s17 =	simm.s32 $0x15400;
	v3 =	vadd.s32 v1, v3  }
0x428: {  	[tilespmem:s17], [sflag:$0x2] =	stream.indirect_vreg.gather [hbm4b:s1+s3], $0x80, v4, vm0, $0xb8;
	[tilespmem:$0x18400] =	vst v63  }
0x429: {  	s18 =	simm.s32 $0x15C00  }
0x42a: {  	[tilespmem:s18], [sflag:$0x2] =	stream.indirect_vreg.gather [hbm4b:s5+s3], $0x80, v4, vm1, $0xb8;
	[tilespmem:$0x18400] =	vst v63  }
0x42b: {  	s19 =	simm.s32 $0x16000  }
0x42c: {  	[tilespmem:s19], [sflag:$0x2] =	stream.indirect_vreg.gather [hbm4b:s1+s3], $0x80, v3, vm0, $0xb8;
	[tilespmem:$0x18400] =	vst v63  }
0x42d: {  	s20 =	simm.s32 $0x16800  }
0x42e: {  	[tilespmem:s20], [sflag:$0x2] =	stream.indirect_vreg.gather [hbm4b:s5+s3], $0x80, v3, vm1, $0xb8;
	[tilespmem:$0x18400] =	vst v63  }
0x42f: {  	v3 =	vld [tilespmem:$0x3F0];
	_ =	sdelay $0x4  }
0x430: {  	v63 =	vshrl.u32 v3, $0x3  }
0x431: {  	v4 =	vmul.u32 $0x18, v63  }
0x432: {  	v3 =	vand.u32 $0x7, v3  }
0x433: {  	v3 =	vor.u32 v3, v4  }
0x434: {  	v4 =	vperm.xlane v3, v0;
	_ =	sdelay $0x1  }
0x435: {  	v4 =	vadd.s32 v1, v4;
	_ =	sdelay $0x1  }
0x436: {  	v3 =	vperm.xlane v3, v2;
	_ =	sdelay $0x1  }
0x437: {  	s25 =	simm.s32 $0x16C00;
	v3 =	vadd.s32 v1, v3  }
0x438: {  	[tilespmem:s25], [sflag:$0x2] =	stream.indirect_vreg.gather [hbm4b:s1+s3], $0x80, v4, vm0, $0xb8;
	[tilespmem:$0x18400] =	vst v63  }
0x439: {  	s26 =	simm.s32 $0x17400  }
0x43a: {  	[tilespmem:s26], [sflag:$0x2] =	stream.indirect_vreg.gather [hbm4b:s5+s3], $0x80, v4, vm1, $0xb8;
	[tilespmem:$0x18400] =	vst v63  }
0x43b: {  	s28 =	simm.s32 $0x17800  }
0x43c: {  	[tilespmem:s28], [sflag:$0x2] =	stream.indirect_vreg.gather [hbm4b:s1+s3], $0x80, v3, vm0, $0xb8;
	[tilespmem:$0x18400] =	vst v63  }
0x43d: {  	s29 =	simm.s32 $0x18000  }
0x43e: {  	[tilespmem:s29], [sflag:$0x2] =	stream.indirect_vreg.gather [hbm4b:s5+s3], $0x80, v3, vm1, $0xb8;
	[tilespmem:$0x18400] =	vst v63  }
0x43f: {  	_ =	swait.ge [sflag:s21], $0xC000  }
0x440: {  	[sflag:s21] =	ssyncset.done $0x0  }
0x441: {  	s7 =	simm.s32 $0x400;
	s30 =	rddreg [dreg:$0xa];
	[sflag:s21] =	ssyncadd.s32 $0xFFFF4000  }
0x442: {  	[hbm4b:s30+s3] =	stream.linear.scatter [tilespmem:s7], [sflag:$0x3], $0xC000, $0x38;
	[tilespmem:$0x18400] =	vst v63  }
0x443: {  	_ =	swait.ge [sflag:s23], $0xC000  }
0x444: {  	[sflag:s23] =	ssyncset.done $0x0  }
0x445: {  	s31 =	rddreg [dreg:$0xb];
	[sflag:s23] =	ssyncadd.s32 $0xFFFF4000  }
0x446: {  	[hbm4b:s31+s3] =	stream.linear.scatter [tilespmem:s4], [sflag:$0x4], $0xC000, $0x38;
	[tilespmem:$0x18400] =	vst v63  }
0x447: {  	p0 =	sne.s32 s6, $0x1;
	_ =	swait.ge [sflag:s24], $0xC000  }
.Ltmp0:
0x448: {  	[sflag:s24] =	ssyncset.done $0x0;
	(pc) =	sbr.rel @p0 .LBB2_1-.Ltmp0, $4  }
0x449: {  	[sflag:s24] =	ssyncadd.s32 $0xFFFF4000  }
0x44a: {  	_ =	swait.ge [sflag:s22], $0xC000  }
0x44b: {  	[sflag:s22] =	ssyncset.done $0x0  }
0x44c: {  	s6 =	sadd.s32 $0xFFFFFFFF, s6;
	[sflag:s22] =	ssyncadd.s32 $0xFFFF4000  }
0x44d: {  	_ =	sfence.sel $0x180000  }
0x44e: {  	[bflag:$0x0] =	sbarrier.arrive $0xFFFF  }
0x44f: {  	_ =	strace $0x90000047  }
0x450: {  	s0 =	stileid.u32;
	[bflag:$0x2] =	sbarrier.arrive $0xFFFF  }
0x451: {  	p0 =	sne.s32 s0, $0x0;
	s0 =	rddreg [dreg:$0x3]  }
0x452: {  	s0 =	sadd.s32 @!p0 $0x100000, s0  }
0x453: {  	[sflag:s0] =	ssyncadd.tile.s32 @!p0 $0x1;
	_ =	shalt  }
.Lfunc_end2:
_tile_overlayer_lowered:
.L_overlay_start_2:
0x454: {  	(tag) =	ssettag $0x2  }
0x455: {  	s0 =	rddreg [dreg:$0x0];
	s2 =	stileid.u32  }
0x456: {  	s1 =	rddreg [dreg:$0x1];
	p0 =	sne.s32 s2, $0x0  }
0x457: {  	s3 =	rddreg [dreg:$0x2];
	[bflag:$0x3] =	sbarrier.arrive $0xFFFF;
	s2 =	simm.s32 @!p0 $0x1C05  }
0x458: {  	[timem:s3], [sflag:s2] =	dma.local @!p0 [hbm:s0], s1  }
0x459: {  	s0 =	simm.s32 @!p0 $0x5  }
0x45a: {  	_ =	swait.ge @!p0 [sflag:s0], s1  }
0x45b: {  	s1 =	ssub.s32 @!p0 $0x0, s1;
	[sflag:s0] =	ssyncset.done @!p0 $0x0  }
0x45c: {  	[sflag:s0] =	ssyncadd.s32 @!p0 s1  }
0x45d: {  	[bflag:$0x3] =	sbarrier.arrive $0xFFFF  }
0x45e: {  	_ =	shalt  }

</sc_bundles>
